<compile_context>
chip_gen: v7x
topology: tpu7x:2x2x1
jax: 0.10.2.dev20260603
libtpu: 0.0.44.dev20260713+nightly
codegen_flags: <defaults>
</compile_context>

<pallas_src>
import functools

import jax
import jax.numpy as jnp
from jax import lax
from jax.experimental import pallas as pl
from jax.experimental.pallas import tpu as pltpu
from jax.experimental.pallas import tpu_sc as plsc

N = 10000
NP = 10240
P = 1024
Q = 1024
H = 128
E = 320000
NW = 32
EP = 327680
EPT = EP // NW
CH = 128
NCH = EPT // CH
NP2 = 10112
RPT2 = NP2 // 16
HW = 128
L = 16
NS = 16
NC = 2
RPT = NP // NS
TN = 512
NT = NP // TN
NEG = -1e30

_PREC = lax.Precision.HIGHEST


def _r16(v):
    return v.astype(jnp.bfloat16).astype(jnp.float32)


def _b16(v):
    return v.astype(jnp.bfloat16)


def _dotb(a, b):
    return lax.dot_general(_b16(a), _b16(b), (((1,), (0,)), ((), ())),
                           preferred_element_type=jnp.float32)


def _dottb(a, b):
    return lax.dot_general(_b16(a), _b16(b), (((0,), (0,)), ((), ())),
                           preferred_element_type=jnp.float32)


def _dot(a, b):
    return lax.dot_general(a, b, (((1,), (0,)), ((), ())),
                           preferred_element_type=jnp.float32,
                           precision=_PREC)


def _dott(a, b):
    return lax.dot_general(a, b, (((0,), (0,)), ((), ())),
                           preferred_element_type=jnp.float32,
                           precision=_PREC)


def _k1_body(x_ref, cin_ref, posT_ref,
             ew1, eb1, ew2, eb2, w1r, b1r, w1s,
             lat_ref, a_ref, b_ref,
             emb_scr, m_scr, l_scr):
    ph = pl.program_id(0)
    nb = pl.program_id(1)

    @pl.when((ph == 0) & (nb == 0))
    def _init():
        hid = jnp.maximum(_dotb(cin_ref[...], ew1[...]) + eb1[...], 0.0)
        emb_scr[...] = _dotb(hid, ew2[...]) + eb2[...]
        m_scr[...] = jnp.full((P, 1), NEG, jnp.float32)
        l_scr[...] = jnp.zeros((P, 1), jnp.float32)

    pt = posT_ref[...]
    p2 = jnp.sum(pt * pt, axis=0, keepdims=True)
    logits = 2.0 * _dotb(x_ref[...], pt) - p2
    col = nb * TN + lax.broadcasted_iota(jnp.int32, (1, TN), 1)
    logits = jnp.where(col < N, logits, NEG)

    @pl.when(ph == 0)
    def _pass0():
        m_old = m_scr[...]
        m_new = jnp.maximum(m_old, jnp.max(logits, axis=1, keepdims=True))
        l_scr[...] = (l_scr[...] * jnp.exp(m_old - m_new)
                      + jnp.sum(jnp.exp(logits - m_new), axis=1, keepdims=True))
        m_scr[...] = m_new

    @pl.when(ph == 1)
    def _pass1():
        w = jnp.exp(logits - m_scr[...]) * (1.0 / l_scr[...])
        latt = _dottb(w, emb_scr[...])
        lat_ref[...] = latt
        a_ref[...] = _dotb(latt, w1r[...]) + b1r[...]
        b_ref[...] = _dotb(latt, w1s[...])


def _k1(x, cin, posT, enc, w1r, b1r, w1s):
    full = lambda s: pl.BlockSpec(s, lambda p, n: (0,) * len(s))
    col = lambda s: pl.BlockSpec(s, lambda p, n: (0, n))
    row = lambda s: pl.BlockSpec(s, lambda p, n: (n, 0))
    return pl.pallas_call(
        _k1_body,
        grid=(2, NT),
        in_specs=[full((P, 3)), full((P, 4)), col((3, TN)),
                  full((4, H)), full((1, H)), full((H, H)), full((1, H)),
                  full((H, H)), full((1, H)), full((H, H))],
        out_specs=[row((TN, H)), row((TN, H)), row((TN, H))],
        out_shape=[jax.ShapeDtypeStruct((NP, H), jnp.float32)] * 3,
        scratch_shapes=[pltpu.VMEM((P, H), jnp.float32),
                        pltpu.VMEM((P, 1), jnp.float32),
                        pltpu.VMEM((P, 1), jnp.float32)],
    )(x, cin, posT, enc["l1"]["w"], enc["l1"]["b"][None],
      enc["l2"]["w"], enc["l2"]["b"][None], w1r, b1r[None], w1s)


def _edge_body(a_hbm, b_hbm, recv_hbm, send_hbm, hout_hbm,
               ridx, sidx, bufA, bufB, acc_sh, semA, semB):
    cid = lax.axis_index("c")
    sid = lax.axis_index("s")
    wid = cid * NS + sid

    def zrow(e, c):
        for cc in range(H // L):
            bufA[e, pl.ds(cc * L, L)] = jnp.zeros((L,), jnp.float32)
        return c
    lax.fori_loop(0, CH, zrow, 0)
    row0 = sid * RPT2
    for j in range(RPT2 // CH):
        pltpu.sync_copy(bufA, acc_sh.at[pl.ds(row0 + j * CH, CH)])
    rem = RPT2 - (RPT2 // CH) * CH
    if rem:
        pltpu.sync_copy(bufA.at[pl.ds(0, rem)],
                        acc_sh.at[pl.ds(row0 + RPT2 - rem, rem)])
    plsc.subcore_barrier()

    crow0 = wid * NCH

    def chunk(ci, c):
        pltpu.sync_copy(recv_hbm.at[crow0 + ci], ridx)
        pltpu.sync_copy(send_hbm.at[crow0 + ci], sidx)
        cpA = pltpu.async_copy(a_hbm.at[ridx], bufA, semA)
        cpB = pltpu.async_copy(b_hbm.at[sidx], bufB, semB)
        cpA.wait()
        cpB.wait()

        def rowf(e, cc_):
            for cc in range(H // L):
                va = bufA[e, pl.ds(cc * L, L)]
                vb = bufB[e, pl.ds(cc * L, L)]
                v = jnp.maximum(va + vb, 0.0)
                cv = v * 65537.0
                bufA[e, pl.ds(cc * L, L)] = cv - (cv - v)
            return cc_
        lax.fori_loop(0, CH, rowf, 0)
        pltpu.sync_copy(bufA, acc_sh.at[ridx], add=True)
        return c
    lax.fori_loop(0, NCH, chunk, 0)

    plsc.subcore_barrier()
    pltpu.sync_copy(acc_sh.at[pl.ds(row0, RPT2)],
                    hout_hbm.at[cid, pl.ds(row0, RPT2)])


@functools.cache
def _build_edge():
    return pl.kernel(
        _edge_body,
        out_type=jax.ShapeDtypeStruct((NC, NP2, HW), jnp.float32),
        mesh=plsc.VectorSubcoreMesh(core_axis_name="c", subcore_axis_name="s"),
        scratch_types=[
            pltpu.VMEM((CH,), jnp.int32),
            pltpu.VMEM((CH,), jnp.int32),
            pltpu.VMEM((CH, H), jnp.float32),
            pltpu.VMEM((CH, H), jnp.float32),
            pltpu.VMEM_SHARED((NP2, HW), jnp.float32),
            pltpu.SemaphoreType.DMA,
            pltpu.SemaphoreType.DMA,
        ],
    )


def _edge(a, b, recv, send):
    hacc = _build_edge()(a, b, recv, send)
    return jnp.pad(hacc, ((0, 0), (0, NP - NP2), (0, 0)))


def _k2_body(with_ab, n_ref, h0_ref, h1_ref,
             w2p, v1a, v1b, c1, v2, c2, w1r, b1r, w1s,
             *out_refs):
    nodes = n_ref[...]
    inbox = _dot(h0_ref[0] + h1_ref[0], _r16(w2p[...]))
    t = jnp.maximum(_dotb(nodes, v1a[...])
                    + _dotb(inbox, v1b[...]) + c1[...], 0.0)
    nn = nodes + _dotb(t, v2[...]) + c2[...]
    out_refs[0][...] = nn
    if with_ab:
        out_refs[1][...] = _dotb(nn, w1r[...]) + b1r[...]
        out_refs[2][...] = _dotb(nn, w1s[...])


def _k2(nodes, hacc, nodep, w2p, w1r, b1r, w1s, with_ab):
    RT = 1024
    full = lambda s: pl.BlockSpec(s, lambda r: (0,) * len(s))
    row = lambda s: pl.BlockSpec(s, lambda r: (r, 0))
    n_out = 3 if with_ab else 1
    return pl.pallas_call(
        functools.partial(_k2_body, with_ab),
        grid=(NP // RT,),
        in_specs=[row((RT, H)),
                  pl.BlockSpec((1, RT, HW), lambda r: (0, r, 0)),
                  pl.BlockSpec((1, RT, HW), lambda r: (1, r, 0)),
                  full((HW, H)), full((H, H)), full((H, H)), full((1, H)),
                  full((H, H)), full((1, H)), full((H, H)), full((1, H)),
                  full((H, H))],
        out_specs=[row((RT, H))] * n_out,
        out_shape=[jax.ShapeDtypeStruct((NP, H), jnp.float32)] * n_out,
    )(nodes, hacc, hacc, w2p,
      nodep["l1"]["w"][:H], nodep["l1"]["w"][H:], nodep["l1"]["b"][None],
      nodep["l2"]["w"], nodep["l2"]["b"][None], w1r, b1r[None], w1s)


def _k3_body(q_ref, posT_ref, lat_ref,
             wd1z, wd1q, bd1, wd2, bd2,
             o_ref, m_scr, l_scr, acc_scr):
    ph = pl.program_id(0)
    nb = pl.program_id(1)

    @pl.when((ph == 0) & (nb == 0))
    def _init():
        m_scr[...] = jnp.full((Q, 1), NEG, jnp.float32)
        l_scr[...] = jnp.zeros((Q, 1), jnp.float32)
        acc_scr[...] = jnp.zeros((Q, H), jnp.float32)

    pt = posT_ref[...]
    p2 = jnp.sum(pt * pt, axis=0, keepdims=True)
    logits = 2.0 * _dotb(q_ref[...], pt) - p2
    col = nb * TN + lax.broadcasted_iota(jnp.int32, (1, TN), 1)
    logits = jnp.where(col < N, logits, NEG)

    @pl.when(ph == 0)
    def _pass0():
        m_old = m_scr[...]
        m_new = jnp.maximum(m_old, jnp.max(logits, axis=1, keepdims=True))
        l_scr[...] = (l_scr[...] * jnp.exp(m_old - m_new)
                      + jnp.sum(jnp.exp(logits - m_new), axis=1, keepdims=True))
        m_scr[...] = m_new

    @pl.when(ph == 1)
    def _pass1():
        w = jnp.exp(logits - m_scr[...]) * (1.0 / l_scr[...])
        acc_scr[...] = acc_scr[...] + _dotb(w, lat_ref[...])

    @pl.when((ph == 1) & (nb == NT - 1))
    def _fin():
        hd = jnp.maximum(_dotb(acc_scr[...], wd1z[...])
                         + _dotb(q_ref[...], wd1q[...])
                         + bd1[...], 0.0)
        o_ref[...] = _dotb(hd, wd2[...]) + bd2[...]


def _k3(q2, posT, latf, dec):
    full = lambda s: pl.BlockSpec(s, lambda p, n: (0,) * len(s))
    return pl.pallas_call(
        _k3_body,
        grid=(2, NT),
        in_specs=[full((Q, 3)),
                  pl.BlockSpec((3, TN), lambda p, n: (0, n)),
                  pl.BlockSpec((TN, H), lambda p, n: (n, 0)),
                  full((H, H)), full((3, H)), full((1, H)),
                  full((H, 1)), full((1, 1))],
        out_specs=full((Q, 1)),
        out_shape=jax.ShapeDtypeStruct((Q, 1), jnp.float32),
        scratch_shapes=[pltpu.VMEM((Q, 1), jnp.float32),
                        pltpu.VMEM((Q, 1), jnp.float32),
                        pltpu.VMEM((Q, H), jnp.float32)],
    )(q2, posT, latf, dec["l1"]["w"][:H], dec["l1"]["w"][H:],
      dec["l1"]["b"][None], dec["l2"]["w"], dec["l2"]["b"][None, :])


def kernel(x, s, q, senders, receivers, params):
    f32 = jnp.float32
    x2 = x[0].astype(f32)
    s2 = s[0].astype(f32)
    q2 = q[0].astype(f32)
    pos = params["node_pos"]
    posT = jnp.concatenate([pos, jnp.zeros((NP - N, 3), f32)], axis=0).T
    cin = jnp.concatenate([x2, s2], axis=-1)

    pad = jnp.full((EP - E,), N, jnp.int32)
    recv3 = jnp.concatenate([receivers.astype(jnp.int32), pad]).reshape(EP // CH, CH)
    send3 = jnp.concatenate([senders.astype(jnp.int32), pad]).reshape(EP // CH, CH)

    def msg_split(bp):
        w1 = bp["message"]["l1"]["w"]
        return w1[:H], bp["message"]["l1"]["b"], w1[H:], bp["message"]["l2"]["w"]

    w1r0, b10, w1s0, w2p0 = msg_split(params["blocks"][0])
    w1r1, b11, w1s1, w2p1 = msg_split(params["blocks"][1])

    lat0, a1, b1t = _k1(x2, cin, posT, params["encoder"], w1r0, b10, w1s0)
    hacc0 = _edge(a1, b1t, recv3, send3)
    lat1, a2, b2t = _k2(lat0, hacc0, params["blocks"][0]["node"],
                        w2p0, w1r1, b11, w1s1, with_ab=True)
    hacc1 = _edge(a2, b2t, recv3, send3)
    (lat2,) = _k2(lat1, hacc1, params["blocks"][1]["node"],
                  w2p1, w1r1, b11, w1s1, with_ab=False)
    out = _k3(q2, posT, lat2, params["decoder"])
    return out[None]

# --- scband reference (transcript-rebuilt; emitter-appended) ---
"""Pipeline reference for scband-gen-40544491274927 (READ-ONLY COPY).

The authoritative reference and input builder live on the scoring server;
editing this copy changes nothing except your own understanding.
"""

import jax, jax.numpy as jnp
import numpy as np

N_NODES = 10000
N_EDGES = 320000
P = 1024
Q = 1024
B = 1
DIM_X = 3
DIM_Y = 1
DIM_H = 128
DIM_OUT = 1
N_BLOCKS = 2


def _dense(k, i, o):
    return {"w": jax.random.normal(k, (i, o), jnp.float32) * (1.0 / np.sqrt(i)),
            "b": jnp.zeros((o,), jnp.float32)}


def _mlp_params(k, i, o, h):
    k1, k2 = jax.random.split(k)
    return {"l1": _dense(k1, i, h), "l2": _dense(k2, h, o)}


def setup_inputs(seed: int = 0) -> dict:
    key = jax.random.key(seed)
    ks = list(jax.random.split(key, 32))
    it = iter(ks)
    params = {
        "encoder": _mlp_params(next(it), DIM_X + DIM_Y, DIM_H, DIM_H),
        "blocks": [
            {"message": _mlp_params(next(it), 2 * DIM_H, DIM_H, DIM_H),
             "node": _mlp_params(next(it), 2 * DIM_H, DIM_H, DIM_H)}
            for _ in range(N_BLOCKS)
        ],
        "decoder": _mlp_params(next(it), DIM_H + DIM_X, DIM_OUT, DIM_H),
        "node_pos": jax.random.normal(next(it), (N_NODES, DIM_X), jnp.float32),
    }
    x = jax.random.normal(next(it), (B, P, DIM_X), jnp.float32)
    s = jax.random.normal(next(it), (B, P, DIM_Y), jnp.float32)
    q = jax.random.normal(next(it), (B, Q, DIM_X), jnp.float32)
    senders = jax.random.randint(next(it), (N_EDGES,), 0, N_NODES, dtype=jnp.int64 if jax.config.jax_enable_x64 else jnp.int32)
    receivers = jax.random.randint(next(it), (N_EDGES,), 0, N_NODES, dtype=jnp.int64 if jax.config.jax_enable_x64 else jnp.int32)
    return {"x": x, "s": s, "q": q, "senders": senders, "receivers": receivers, "params": params}


def _mlp(p, v):
    h = jax.nn.relu(v @ p["l1"]["w"] + p["l1"]["b"])
    return h @ p["l2"]["w"] + p["l2"]["b"]


def _g_scores(node_pos, pts):
    # graph_structure g(x): soft assignment of points to graph nodes (RBF/softmax over sq. distances)
    x2 = jnp.sum(pts * pts, axis=-1, keepdims=True)          # [B, P, 1]
    p2 = jnp.sum(node_pos * node_pos, axis=-1)               # [N]
    d2 = x2 - 2.0 * jnp.einsum("bpd,nd->bpn", pts, node_pos) + p2[None, None, :]
    return jax.nn.softmax(-d2, axis=-1)                      # [B, P, N]


def _gn_block(bp, nodes, senders, receivers):
    msg_in = jnp.concatenate((jnp.take(nodes, receivers, axis=1), jnp.take(nodes, senders, axis=1)), axis=-1)
    messages = _mlp(bp["message"], msg_in)                   # [B, E, DIM_H]
    inbox = jnp.zeros(nodes.shape, nodes.dtype).at[:, receivers].add(messages)
    return nodes + _mlp(bp["node"], jnp.concatenate((nodes, inbox), axis=-1))


def reference(x, s, q, senders, receivers, params):
    scores = _g_scores(params["node_pos"], x)                # [B, P, N]
    c = jnp.concatenate((x, s), axis=-1)
    emb = _mlp(params["encoder"], c)                          # [B, P, DIM_H]
    latents = jnp.einsum("bpn,bpd->bnd", scores, emb)        # scores.transpose(1,2).bmm(emb)
    for bp in params["blocks"]:
        latents = _gn_block(bp, latents, senders, receivers)
    scores_q = _g_scores(params["node_pos"], q)              # [B, Q, N]
    z = jnp.einsum("bqn,bnd->bqd", scores_q, latents)        # scores.bmm(latents)
    return _mlp(params["decoder"], jnp.concatenate((z, q), axis=-1))

if __name__ == "__main__":
    import jax
    _d = setup_inputs()
    print(jax.jit(kernel)(*tuple(_d.values())))

</pallas_src>

<mosaic_0001>
#map = affine_map<(d0, d1) -> (0, 0)>
#map1 = affine_map<(d0, d1) -> (0, 0, 0)>
module attributes {stable_mosaic.version = 14 : i64} {
  func.func @_edge_body(%arg0: i32, %arg1: i32, %arg2: memref<10240x128xf32, #tpu.memory_space<hbm>>, %arg3: memref<10240x128xf32, #tpu.memory_space<hbm>>, %arg4: memref<2560x128xi32, #tpu.memory_space<hbm>>, %arg5: memref<2560x128xi32, #tpu.memory_space<hbm>>, %arg6: memref<2x10112x128xf32, #tpu.memory_space<hbm>>, %arg7: memref<128xi32, #tpu.memory_space<vmem>>, %arg8: memref<128xi32, #tpu.memory_space<vmem>>, %arg9: memref<128x128xf32, #tpu.memory_space<vmem>>, %arg10: memref<128x128xf32, #tpu.memory_space<vmem>>, %arg11: memref<10112x128xf32, #tpu.memory_space<vmem_shared>>, %arg12: memref<!tpu.dma_semaphore, #tpu.memory_space<semaphore_mem>>, %arg13: memref<!tpu.dma_semaphore, #tpu.memory_space<semaphore_mem>>) attributes {dimension_semantics = [#tpu.dimension_semantics<core_parallel>, #tpu.dimension_semantics<subcore_parallel>], iteration_bounds = array<i64: 2, 16>, scalar_prefetch = 0 : i64, scratch_operands = 7 : i64, tpu.core_type = #tpu.core_type<sc_vector_subcore>, window_params = [{transform_indices = #map}, {transform_indices = #map}, {transform_indices = #map}, {transform_indices = #map}, {transform_indices = #map1}]} {
    %mul3A = arith.constant 16 : i32
    %mul3A_0 = arith.muli %arg0, %mul3A : i32
    %add3A = arith.addi %mul3A_0, %arg1 : i32
    %scan3A = arith.constant 0 : i32
    %scan3A_1 = arith.constant 0 : i32
    %scan3A_2 = arith.constant 128 : i32
    %scan3A_3 = arith.addi %scan3A_1, %scan3A_2 : i32
    %scan3A_4 = arith.constant 1 : i32
    scf.for %scan3A_28 = %scan3A_1 to %scan3A_3 step %scan3A_4  : i32 {
      %broadcast_in_dim3A = arith.constant 0.000000e+00 : f32
      %broadcast_in_dim3A_29 = vector.broadcast %broadcast_in_dim3A : f32 to vector<16xf32>
      %swap3A = arith.index_cast %scan3A_28 : i32 to index
      %swap3A_30 = arith.constant 0 : index
      %swap3A_31 = tpu.vector_load %arg9[%swap3A, %swap3A_30] {strides = array<i32>} : memref<128x128xf32, #tpu.memory_space<vmem>>, vector<1x16xf32>,
      %swap3A_32 = vector.shape_cast %swap3A_31 : vector<1x16xf32> to vector<16xf32>
      %swap3A_33 = vector.shape_cast %broadcast_in_dim3A_29 : vector<16xf32> to vector<1x16xf32>
      tpu.vector_store %arg9[%swap3A, %swap3A_30], %swap3A_33 {strides = array<i32>} : memref<128x128xf32, #tpu.memory_space<vmem>>, vector<1x16xf32>,
      %broadcast_in_dim3A_34 = arith.constant 0.000000e+00 : f32
      %broadcast_in_dim3A_35 = vector.broadcast %broadcast_in_dim3A_34 : f32 to vector<16xf32>
      %swap3A_36 = arith.index_cast %scan3A_28 : i32 to index
      %swap3A_37 = arith.constant 16 : index
      %swap3A_38 = tpu.vector_load %arg9[%swap3A_36, %swap3A_37] {strides = array<i32>} : memref<128x128xf32, #tpu.memory_space<vmem>>, vector<1x16xf32>,
      %swap3A_39 = vector.shape_cast %swap3A_38 : vector<1x16xf32> to vector<16xf32>
      %swap3A_40 = vector.shape_cast %broadcast_in_dim3A_35 : vector<16xf32> to vector<1x16xf32>
      tpu.vector_store %arg9[%swap3A_36, %swap3A_37], %swap3A_40 {strides = array<i32>} : memref<128x128xf32, #tpu.memory_space<vmem>>, vector<1x16xf32>,
      %broadcast_in_dim3A_41 = arith.constant 0.000000e+00 : f32
      %broadcast_in_dim3A_42 = vector.broadcast %broadcast_in_dim3A_41 : f32 to vector<16xf32>
      %swap3A_43 = arith.index_cast %scan3A_28 : i32 to index
      %swap3A_44 = arith.constant 32 : index
      %swap3A_45 = tpu.vector_load %arg9[%swap3A_43, %swap3A_44] {strides = array<i32>} : memref<128x128xf32, #tpu.memory_space<vmem>>, vector<1x16xf32>,
      %swap3A_46 = vector.shape_cast %swap3A_45 : vector<1x16xf32> to vector<16xf32>
      %swap3A_47 = vector.shape_cast %broadcast_in_dim3A_42 : vector<16xf32> to vector<1x16xf32>
      tpu.vector_store %arg9[%swap3A_43, %swap3A_44], %swap3A_47 {strides = array<i32>} : memref<128x128xf32, #tpu.memory_space<vmem>>, vector<1x16xf32>,
      %broadcast_in_dim3A_48 = arith.constant 0.000000e+00 : f32
      %broadcast_in_dim3A_49 = vector.broadcast %broadcast_in_dim3A_48 : f32 to vector<16xf32>
      %swap3A_50 = arith.index_cast %scan3A_28 : i32 to index
      %swap3A_51 = arith.constant 48 : index
      %swap3A_52 = tpu.vector_load %arg9[%swap3A_50, %swap3A_51] {strides = array<i32>} : memref<128x128xf32, #tpu.memory_space<vmem>>, vector<1x16xf32>,
      %swap3A_53 = vector.shape_cast %swap3A_52 : vector<1x16xf32> to vector<16xf32>
      %swap3A_54 = vector.shape_cast %broadcast_in_dim3A_49 : vector<16xf32> to vector<1x16xf32>
      tpu.vector_store %arg9[%swap3A_50, %swap3A_51], %swap3A_54 {strides = array<i32>} : memref<128x128xf32, #tpu.memory_space<vmem>>, vector<1x16xf32>,
      %broadcast_in_dim3A_55 = arith.constant 0.000000e+00 : f32
      %broadcast_in_dim3A_56 = vector.broadcast %broadcast_in_dim3A_55 : f32 to vector<16xf32>
      %swap3A_57 = arith.index_cast %scan3A_28 : i32 to index
      %swap3A_58 = arith.constant 64 : index
      %swap3A_59 = tpu.vector_load %arg9[%swap3A_57, %swap3A_58] {strides = array<i32>} : memref<128x128xf32, #tpu.memory_space<vmem>>, vector<1x16xf32>,
      %swap3A_60 = vector.shape_cast %swap3A_59 : vector<1x16xf32> to vector<16xf32>
      %swap3A_61 = vector.shape_cast %broadcast_in_dim3A_56 : vector<16xf32> to vector<1x16xf32>
      tpu.vector_store %arg9[%swap3A_57, %swap3A_58], %swap3A_61 {strides = array<i32>} : memref<128x128xf32, #tpu.memory_space<vmem>>, vector<1x16xf32>,
      %broadcast_in_dim3A_62 = arith.constant 0.000000e+00 : f32
      %broadcast_in_dim3A_63 = vector.broadcast %broadcast_in_dim3A_62 : f32 to vector<16xf32>
      %swap3A_64 = arith.index_cast %scan3A_28 : i32 to index
      %swap3A_65 = arith.constant 80 : index
      %swap3A_66 = tpu.vector_load %arg9[%swap3A_64, %swap3A_65] {strides = array<i32>} : memref<128x128xf32, #tpu.memory_space<vmem>>, vector<1x16xf32>,
      %swap3A_67 = vector.shape_cast %swap3A_66 : vector<1x16xf32> to vector<16xf32>
      %swap3A_68 = vector.shape_cast %broadcast_in_dim3A_63 : vector<16xf32> to vector<1x16xf32>
      tpu.vector_store %arg9[%swap3A_64, %swap3A_65], %swap3A_68 {strides = array<i32>} : memref<128x128xf32, #tpu.memory_space<vmem>>, vector<1x16xf32>,
      %broadcast_in_dim3A_69 = arith.constant 0.000000e+00 : f32
      %broadcast_in_dim3A_70 = vector.broadcast %broadcast_in_dim3A_69 : f32 to vector<16xf32>
      %swap3A_71 = arith.index_cast %scan3A_28 : i32 to index
      %swap3A_72 = arith.constant 96 : index
      %swap3A_73 = tpu.vector_load %arg9[%swap3A_71, %swap3A_72] {strides = array<i32>} : memref<128x128xf32, #tpu.memory_space<vmem>>, vector<1x16xf32>,
      %swap3A_74 = vector.shape_cast %swap3A_73 : vector<1x16xf32> to vector<16xf32>
      %swap3A_75 = vector.shape_cast %broadcast_in_dim3A_70 : vector<16xf32> to vector<1x16xf32>
      tpu.vector_store %arg9[%swap3A_71, %swap3A_72], %swap3A_75 {strides = array<i32>} : memref<128x128xf32, #tpu.memory_space<vmem>>, vector<1x16xf32>,
      %broadcast_in_dim3A_76 = arith.constant 0.000000e+00 : f32
      %broadcast_in_dim3A_77 = vector.broadcast %broadcast_in_dim3A_76 : f32 to vector<16xf32>
      %swap3A_78 = arith.index_cast %scan3A_28 : i32 to index
      %swap3A_79 = arith.constant 112 : index
      %swap3A_80 = tpu.vector_load %arg9[%swap3A_78, %swap3A_79] {strides = array<i32>} : memref<128x128xf32, #tpu.memory_space<vmem>>, vector<1x16xf32>,
      %swap3A_81 = vector.shape_cast %swap3A_80 : vector<1x16xf32> to vector<16xf32>
      %swap3A_82 = vector.shape_cast %broadcast_in_dim3A_77 : vector<16xf32> to vector<1x16xf32>
      tpu.vector_store %arg9[%swap3A_78, %swap3A_79], %swap3A_82 {strides = array<i32>} : memref<128x128xf32, #tpu.memory_space<vmem>>, vector<1x16xf32>,
    }
    %scan3A_5 = arith.constant 128 : i32
    %mul3A_6 = arith.constant 632 : i32
    %mul3A_7 = arith.muli %arg1, %mul3A_6 : i32
    %add3A_8 = arith.constant 0 : i32
    %add3A_9 = arith.addi %mul3A_7, %add3A_8 : i32
    "tpu.region"() ({
      %run_scoped3A = tpu.sem_alloc : memref<!tpu.dma_semaphore, #tpu.memory_space<semaphore_mem>>
      %dma_start3A = arith.constant 0 : i32
      %dma_start3A_28 = tpu.memref_slice %arg11[%add3A_9, %dma_start3A] : memref<10112x128xf32, #tpu.memory_space<vmem_shared>> -> memref<128x128xf32, #tpu.memory_space<vmem_shared>>
      %dma_start3A_29 = arith.constant 0 : i32
      %dma_start3A_30 = tpu.memref_slice %arg11[%add3A_9, %dma_start3A_29] : memref<10112x128xf32, #tpu.memory_space<vmem_shared>> -> memref<128x128xf32, #tpu.memory_space<vmem_shared>>
      tpu.enqueue_dma source(%arg9 : memref<128x128xf32, #tpu.memory_space<vmem>>) target(%dma_start3A_30 : memref<128x128xf32, #tpu.memory_space<vmem_shared>>) target_semaphore(%run_scoped3A : memref<!tpu.dma_semaphore, #tpu.memory_space<semaphore_mem>>)
      %dma_wait3A = arith.constant 0 : i32
      %dma_wait3A_31 = tpu.memref_slice %arg11[%add3A_9, %dma_wait3A] : memref<10112x128xf32, #tpu.memory_space<vmem_shared>> -> memref<128x128xf32, #tpu.memory_space<vmem_shared>>
      %dma_wait3A_32 = arith.constant 0 : i32
      %dma_wait3A_33 = tpu.memref_slice %arg11[%add3A_9, %dma_wait3A_32] : memref<10112x128xf32, #tpu.memory_space<vmem_shared>> -> memref<128x128xf32, #tpu.memory_space<vmem_shared>>
      tpu.wait_dma2 semaphore(%run_scoped3A : memref<!tpu.dma_semaphore, #tpu.memory_space<semaphore_mem>>) src(%arg9 : memref<128x128xf32, #tpu.memory_space<vmem>>) dst(%dma_wait3A_33 : memref<128x128xf32, #tpu.memory_space<vmem_shared>>)
      tpu.yield
    }) : () -> ()
    %add3A_10 = arith.constant 128 : i32
    %add3A_11 = arith.addi %mul3A_7, %add3A_10 : i32
    "tpu.region"() ({
      %run_scoped3A = tpu.sem_alloc : memref<!tpu.dma_semaphore, #tpu.memory_space<semaphore_mem>>
      %dma_start3A = arith.constant 0 : i32
      %dma_start3A_28 = tpu.memref_slice %arg11[%add3A_11, %dma_start3A] : memref<10112x128xf32, #tpu.memory_space<vmem_shared>> -> memref<128x128xf32, #tpu.memory_space<vmem_shared>>
      %dma_start3A_29 = arith.constant 0 : i32
      %dma_start3A_30 = tpu.memref_slice %arg11[%add3A_11, %dma_start3A_29] : memref<10112x128xf32, #tpu.memory_space<vmem_shared>> -> memref<128x128xf32, #tpu.memory_space<vmem_shared>>
      tpu.enqueue_dma source(%arg9 : memref<128x128xf32, #tpu.memory_space<vmem>>) target(%dma_start3A_30 : memref<128x128xf32, #tpu.memory_space<vmem_shared>>) target_semaphore(%run_scoped3A : memref<!tpu.dma_semaphore, #tpu.memory_space<semaphore_mem>>)
      %dma_wait3A = arith.constant 0 : i32
      %dma_wait3A_31 = tpu.memref_slice %arg11[%add3A_11, %dma_wait3A] : memref<10112x128xf32, #tpu.memory_space<vmem_shared>> -> memref<128x128xf32, #tpu.memory_space<vmem_shared>>
      %dma_wait3A_32 = arith.constant 0 : i32
      %dma_wait3A_33 = tpu.memref_slice %arg11[%add3A_11, %dma_wait3A_32] : memref<10112x128xf32, #tpu.memory_space<vmem_shared>> -> memref<128x128xf32, #tpu.memory_space<vmem_shared>>
      tpu.wait_dma2 semaphore(%run_scoped3A : memref<!tpu.dma_semaphore, #tpu.memory_space<semaphore_mem>>) src(%arg9 : memref<128x128xf32, #tpu.memory_space<vmem>>) dst(%dma_wait3A_33 : memref<128x128xf32, #tpu.memory_space<vmem_shared>>)
      tpu.yield
    }) : () -> ()
    %add3A_12 = arith.constant 256 : i32
    %add3A_13 = arith.addi %mul3A_7, %add3A_12 : i32
    "tpu.region"() ({
      %run_scoped3A = tpu.sem_alloc : memref<!tpu.dma_semaphore, #tpu.memory_space<semaphore_mem>>
      %dma_start3A = arith.constant 0 : i32
      %dma_start3A_28 = tpu.memref_slice %arg11[%add3A_13, %dma_start3A] : memref<10112x128xf32, #tpu.memory_space<vmem_shared>> -> memref<128x128xf32, #tpu.memory_space<vmem_shared>>
      %dma_start3A_29 = arith.constant 0 : i32
      %dma_start3A_30 = tpu.memref_slice %arg11[%add3A_13, %dma_start3A_29] : memref<10112x128xf32, #tpu.memory_space<vmem_shared>> -> memref<128x128xf32, #tpu.memory_space<vmem_shared>>
      tpu.enqueue_dma source(%arg9 : memref<128x128xf32, #tpu.memory_space<vmem>>) target(%dma_start3A_30 : memref<128x128xf32, #tpu.memory_space<vmem_shared>>) target_semaphore(%run_scoped3A : memref<!tpu.dma_semaphore, #tpu.memory_space<semaphore_mem>>)
      %dma_wait3A = arith.constant 0 : i32
      %dma_wait3A_31 = tpu.memref_slice %arg11[%add3A_13, %dma_wait3A] : memref<10112x128xf32, #tpu.memory_space<vmem_shared>> -> memref<128x128xf32, #tpu.memory_space<vmem_shared>>
      %dma_wait3A_32 = arith.constant 0 : i32
      %dma_wait3A_33 = tpu.memref_slice %arg11[%add3A_13, %dma_wait3A_32] : memref<10112x128xf32, #tpu.memory_space<vmem_shared>> -> memref<128x128xf32, #tpu.memory_space<vmem_shared>>
      tpu.wait_dma2 semaphore(%run_scoped3A : memref<!tpu.dma_semaphore, #tpu.memory_space<semaphore_mem>>) src(%arg9 : memref<128x128xf32, #tpu.memory_space<vmem>>) dst(%dma_wait3A_33 : memref<128x128xf32, #tpu.memory_space<vmem_shared>>)
      tpu.yield
    }) : () -> ()
    %add3A_14 = arith.constant 384 : i32
    %add3A_15 = arith.addi %mul3A_7, %add3A_14 : i32
    "tpu.region"() ({
      %run_scoped3A = tpu.sem_alloc : memref<!tpu.dma_semaphore, #tpu.memory_space<semaphore_mem>>
      %dma_start3A = arith.constant 0 : i32
      %dma_start3A_28 = tpu.memref_slice %arg11[%add3A_15, %dma_start3A] : memref<10112x128xf32, #tpu.memory_space<vmem_shared>> -> memref<128x128xf32, #tpu.memory_space<vmem_shared>>
      %dma_start3A_29 = arith.constant 0 : i32
      %dma_start3A_30 = tpu.memref_slice %arg11[%add3A_15, %dma_start3A_29] : memref<10112x128xf32, #tpu.memory_space<vmem_shared>> -> memref<128x128xf32, #tpu.memory_space<vmem_shared>>
      tpu.enqueue_dma source(%arg9 : memref<128x128xf32, #tpu.memory_space<vmem>>) target(%dma_start3A_30 : memref<128x128xf32, #tpu.memory_space<vmem_shared>>) target_semaphore(%run_scoped3A : memref<!tpu.dma_semaphore, #tpu.memory_space<semaphore_mem>>)
      %dma_wait3A = arith.constant 0 : i32
      %dma_wait3A_31 = tpu.memref_slice %arg11[%add3A_15, %dma_wait3A] : memref<10112x128xf32, #tpu.memory_space<vmem_shared>> -> memref<128x128xf32, #tpu.memory_space<vmem_shared>>
      %dma_wait3A_32 = arith.constant 0 : i32
      %dma_wait3A_33 = tpu.memref_slice %arg11[%add3A_15, %dma_wait3A_32] : memref<10112x128xf32, #tpu.memory_space<vmem_shared>> -> memref<128x128xf32, #tpu.memory_space<vmem_shared>>
      tpu.wait_dma2 semaphore(%run_scoped3A : memref<!tpu.dma_semaphore, #tpu.memory_space<semaphore_mem>>) src(%arg9 : memref<128x128xf32, #tpu.memory_space<vmem>>) dst(%dma_wait3A_33 : memref<128x128xf32, #tpu.memory_space<vmem_shared>>)
      tpu.yield
    }) : () -> ()
    %add3A_16 = arith.constant 632 : i32
    %add3A_17 = arith.addi %mul3A_7, %add3A_16 : i32
    %sub3A = arith.constant 120 : i32
    %sub3A_18 = arith.subi %add3A_17, %sub3A : i32
    "tpu.region"() ({
      %run_scoped3A = tpu.sem_alloc : memref<!tpu.dma_semaphore, #tpu.memory_space<semaphore_mem>>
      %dma_start3A = arith.constant 0 : i32
      %dma_start3A_28 = arith.constant 0 : i32
      %dma_start3A_29 = tpu.memref_slice %arg9[%dma_start3A, %dma_start3A_28] : memref<128x128xf32, #tpu.memory_space<vmem>> -> memref<120x128xf32, #tpu.memory_space<vmem>>
      %dma_start3A_30 = arith.constant 0 : i32
      %dma_start3A_31 = tpu.memref_slice %arg11[%sub3A_18, %dma_start3A_30] : memref<10112x128xf32, #tpu.memory_space<vmem_shared>> -> memref<120x128xf32, #tpu.memory_space<vmem_shared>>
      %dma_start3A_32 = arith.constant 0 : i32
      %dma_start3A_33 = tpu.memref_slice %arg11[%sub3A_18, %dma_start3A_32] : memref<10112x128xf32, #tpu.memory_space<vmem_shared>> -> memref<120x128xf32, #tpu.memory_space<vmem_shared>>
      %dma_start3A_34 = arith.constant 0 : i32
      %dma_start3A_35 = arith.constant 0 : i32
      %dma_start3A_36 = tpu.memref_slice %arg9[%dma_start3A_34, %dma_start3A_35] : memref<128x128xf32, #tpu.memory_space<vmem>> -> memref<120x128xf32, #tpu.memory_space<vmem>>
      tpu.enqueue_dma source(%dma_start3A_36 : memref<120x128xf32, #tpu.memory_space<vmem>>) target(%dma_start3A_33 : memref<120x128xf32, #tpu.memory_space<vmem_shared>>) target_semaphore(%run_scoped3A : memref<!tpu.dma_semaphore, #tpu.memory_space<semaphore_mem>>)
      %dma_wait3A = arith.constant 0 : i32
      %dma_wait3A_37 = arith.constant 0 : i32
      %dma_wait3A_38 = tpu.memref_slice %arg9[%dma_wait3A, %dma_wait3A_37] : memref<128x128xf32, #tpu.memory_space<vmem>> -> memref<120x128xf32, #tpu.memory_space<vmem>>
      %dma_wait3A_39 = arith.constant 0 : i32
      %dma_wait3A_40 = tpu.memref_slice %arg11[%sub3A_18, %dma_wait3A_39] : memref<10112x128xf32, #tpu.memory_space<vmem_shared>> -> memref<120x128xf32, #tpu.memory_space<vmem_shared>>
      %dma_wait3A_41 = arith.constant 0 : i32
      %dma_wait3A_42 = tpu.memref_slice %arg11[%sub3A_18, %dma_wait3A_41] : memref<10112x128xf32, #tpu.memory_space<vmem_shared>> -> memref<120x128xf32, #tpu.memory_space<vmem_shared>>
      %dma_wait3A_43 = arith.constant 0 : i32
      %dma_wait3A_44 = arith.constant 0 : i32
      %dma_wait3A_45 = tpu.memref_slice %arg9[%dma_wait3A_43, %dma_wait3A_44] : memref<128x128xf32, #tpu.memory_space<vmem>> -> memref<120x128xf32, #tpu.memory_space<vmem>>
      tpu.wait_dma2 semaphore(%run_scoped3A : memref<!tpu.dma_semaphore, #tpu.memory_space<semaphore_mem>>) src(%dma_wait3A_45 : memref<120x128xf32, #tpu.memory_space<vmem>>) dst(%dma_wait3A_42 : memref<120x128xf32, #tpu.memory_space<vmem_shared>>)
      tpu.yield
    }) : () -> ()
    %barrier3A = arith.constant 0 : index
    tpu.barrier barrier_id(%barrier3A)
    %mul3A_19 = arith.constant 80 : i32
    %mul3A_20 = arith.muli %add3A, %mul3A_19 : i32
    %scan3A_21 = arith.constant 0 : i32
    %scan3A_22 = arith.constant 0 : i32
    %scan3A_23 = arith.constant 80 : i32
    %scan3A_24 = arith.addi %scan3A_22, %scan3A_23 : i32
    %scan3A_25 = arith.constant 1 : i32
    scf.for %scan3A_28 = %scan3A_22 to %scan3A_24 step %scan3A_25  : i32 {
      %add3A_29 = arith.addi %mul3A_20, %scan3A_28 : i32
      "tpu.region"() ({
        %run_scoped3A = tpu.sem_alloc : memref<!tpu.dma_semaphore, #tpu.memory_space<semaphore_mem>>
        %dma_start3A_47 = arith.constant 0 : i32
        %dma_start3A_48 = tpu.memref_slice %arg4[%add3A_29, %dma_start3A_47] : memref<2560x128xi32, #tpu.memory_space<hbm>> -> memref<1x128xi32, #tpu.memory_space<hbm>>
        %dma_start3A_49 = tpu.memref_squeeze %dma_start3A_48 : memref<1x128xi32, #tpu.memory_space<hbm>> -> memref<128xi32, #tpu.memory_space<hbm>>
        %dma_start3A_50 = arith.constant 0 : i32
        %dma_start3A_51 = tpu.memref_slice %arg4[%add3A_29, %dma_start3A_50] : memref<2560x128xi32, #tpu.memory_space<hbm>> -> memref<1x128xi32, #tpu.memory_space<hbm>>
        %dma_start3A_52 = tpu.memref_squeeze %dma_start3A_51 : memref<1x128xi32, #tpu.memory_space<hbm>> -> memref<128xi32, #tpu.memory_space<hbm>>
        tpu.enqueue_dma source(%dma_start3A_52 : memref<128xi32, #tpu.memory_space<hbm>>) target(%arg7 : memref<128xi32, #tpu.memory_space<vmem>>) target_semaphore(%run_scoped3A : memref<!tpu.dma_semaphore, #tpu.memory_space<semaphore_mem>>)
        %dma_wait3A_53 = arith.constant 0 : i32
        %dma_wait3A_54 = tpu.memref_slice %arg4[%add3A_29, %dma_wait3A_53] : memref<2560x128xi32, #tpu.memory_space<hbm>> -> memref<1x128xi32, #tpu.memory_space<hbm>>
        %dma_wait3A_55 = tpu.memref_squeeze %dma_wait3A_54 : memref<1x128xi32, #tpu.memory_space<hbm>> -> memref<128xi32, #tpu.memory_space<hbm>>
        %dma_wait3A_56 = arith.constant 0 : i32
        %dma_wait3A_57 = tpu.memref_slice %arg4[%add3A_29, %dma_wait3A_56] : memref<2560x128xi32, #tpu.memory_space<hbm>> -> memref<1x128xi32, #tpu.memory_space<hbm>>
        %dma_wait3A_58 = tpu.memref_squeeze %dma_wait3A_57 : memref<1x128xi32, #tpu.memory_space<hbm>> -> memref<128xi32, #tpu.memory_space<hbm>>
        tpu.wait_dma2 semaphore(%run_scoped3A : memref<!tpu.dma_semaphore, #tpu.memory_space<semaphore_mem>>) src(%dma_wait3A_58 : memref<128xi32, #tpu.memory_space<hbm>>) dst(%arg7 : memref<128xi32, #tpu.memory_space<vmem>>)
        tpu.yield
      }) : () -> ()
      %add3A_30 = arith.addi %mul3A_20, %scan3A_28 : i32
      "tpu.region"() ({
        %run_scoped3A = tpu.sem_alloc : memref<!tpu.dma_semaphore, #tpu.memory_space<semaphore_mem>>
        %dma_start3A_47 = arith.constant 0 : i32
        %dma_start3A_48 = tpu.memref_slice %arg5[%add3A_30, %dma_start3A_47] : memref<2560x128xi32, #tpu.memory_space<hbm>> -> memref<1x128xi32, #tpu.memory_space<hbm>>
        %dma_start3A_49 = tpu.memref_squeeze %dma_start3A_48 : memref<1x128xi32, #tpu.memory_space<hbm>> -> memref<128xi32, #tpu.memory_space<hbm>>
        %dma_start3A_50 = arith.constant 0 : i32
        %dma_start3A_51 = tpu.memref_slice %arg5[%add3A_30, %dma_start3A_50] : memref<2560x128xi32, #tpu.memory_space<hbm>> -> memref<1x128xi32, #tpu.memory_space<hbm>>
        %dma_start3A_52 = tpu.memref_squeeze %dma_start3A_51 : memref<1x128xi32, #tpu.memory_space<hbm>> -> memref<128xi32, #tpu.memory_space<hbm>>
        tpu.enqueue_dma source(%dma_start3A_52 : memref<128xi32, #tpu.memory_space<hbm>>) target(%arg8 : memref<128xi32, #tpu.memory_space<vmem>>) target_semaphore(%run_scoped3A : memref<!tpu.dma_semaphore, #tpu.memory_space<semaphore_mem>>)
        %dma_wait3A_53 = arith.constant 0 : i32
        %dma_wait3A_54 = tpu.memref_slice %arg5[%add3A_30, %dma_wait3A_53] : memref<2560x128xi32, #tpu.memory_space<hbm>> -> memref<1x128xi32, #tpu.memory_space<hbm>>
        %dma_wait3A_55 = tpu.memref_squeeze %dma_wait3A_54 : memref<1x128xi32, #tpu.memory_space<hbm>> -> memref<128xi32, #tpu.memory_space<hbm>>
        %dma_wait3A_56 = arith.constant 0 : i32
        %dma_wait3A_57 = tpu.memref_slice %arg5[%add3A_30, %dma_wait3A_56] : memref<2560x128xi32, #tpu.memory_space<hbm>> -> memref<1x128xi32, #tpu.memory_space<hbm>>
        %dma_wait3A_58 = tpu.memref_squeeze %dma_wait3A_57 : memref<1x128xi32, #tpu.memory_space<hbm>> -> memref<128xi32, #tpu.memory_space<hbm>>
        tpu.wait_dma2 semaphore(%run_scoped3A : memref<!tpu.dma_semaphore, #tpu.memory_space<semaphore_mem>>) src(%dma_wait3A_58 : memref<128xi32, #tpu.memory_space<hbm>>) dst(%arg8 : memref<128xi32, #tpu.memory_space<vmem>>)
        tpu.yield
      }) : () -> ()
      %dma_start3A = arith.constant 0 : i32
      %dma_start3A_31 = arith.constant 0 : i32
      %dma_start3A_32 = tpu.memref_slice %arg2[%dma_start3A, %dma_start3A_31] : memref<10240x128xf32, #tpu.memory_space<hbm>> -> memref<10240x128xf32, #tpu.memory_space<hbm>>
      tpu.enqueue_indirect_dma source(%dma_start3A_32 : memref<10240x128xf32, #tpu.memory_space<hbm>>) target(%arg9 : memref<128x128xf32, #tpu.memory_space<vmem>>) offsets(%arg7 : memref<128xi32, #tpu.memory_space<vmem>>) semaphore(%arg12 : memref<!tpu.dma_semaphore, #tpu.memory_space<semaphore_mem>>)
      %dma_start3A_33 = arith.constant 0 : i32
      %dma_start3A_34 = arith.constant 0 : i32
      %dma_start3A_35 = tpu.memref_slice %arg3[%dma_start3A_33, %dma_start3A_34] : memref<10240x128xf32, #tpu.memory_space<hbm>> -> memref<10240x128xf32, #tpu.memory_space<hbm>>
      tpu.enqueue_indirect_dma source(%dma_start3A_35 : memref<10240x128xf32, #tpu.memory_space<hbm>>) target(%arg10 : memref<128x128xf32, #tpu.memory_space<vmem>>) offsets(%arg8 : memref<128xi32, #tpu.memory_space<vmem>>) semaphore(%arg13 : memref<!tpu.dma_semaphore, #tpu.memory_space<semaphore_mem>>)
      %dma_wait3A = arith.constant 0 : i32
      %dma_wait3A_36 = arith.constant 0 : i32
      %dma_wait3A_37 = tpu.memref_slice %arg2[%dma_wait3A, %dma_wait3A_36] : memref<10240x128xf32, #tpu.memory_space<hbm>> -> memref<10240x128xf32, #tpu.memory_space<hbm>>
      tpu.wait_indirect_dma semaphore(%arg12 : memref<!tpu.dma_semaphore, #tpu.memory_space<semaphore_mem>>) src(%dma_wait3A_37 : memref<10240x128xf32, #tpu.memory_space<hbm>>) dst(%arg9 : memref<128x128xf32, #tpu.memory_space<vmem>>)
      %dma_wait3A_38 = arith.constant 0 : i32
      %dma_wait3A_39 = arith.constant 0 : i32
      %dma_wait3A_40 = tpu.memref_slice %arg3[%dma_wait3A_38, %dma_wait3A_39] : memref<10240x128xf32, #tpu.memory_space<hbm>> -> memref<10240x128xf32, #tpu.memory_space<hbm>>
      tpu.wait_indirect_dma semaphore(%arg13 : memref<!tpu.dma_semaphore, #tpu.memory_space<semaphore_mem>>) src(%dma_wait3A_40 : memref<10240x128xf32, #tpu.memory_space<hbm>>) dst(%arg10 : memref<128x128xf32, #tpu.memory_space<vmem>>)
      %scan3A_41 = arith.constant 0 : i32
      %scan3A_42 = arith.constant 0 : i32
      %scan3A_43 = arith.constant 128 : i32
      %scan3A_44 = arith.addi %scan3A_42, %scan3A_43 : i32
      %scan3A_45 = arith.constant 1 : i32
      scf.for %scan3A_47 = %scan3A_42 to %scan3A_44 step %scan3A_45  : i32 {
        %get3A = arith.index_cast %scan3A_47 : i32 to index
        %get3A_48 = arith.constant 0 : index
        %get3A_49 = tpu.vector_load %arg9[%get3A, %get3A_48] {strides = array<i32>} : memref<128x128xf32, #tpu.memory_space<vmem>>, vector<1x16xf32>,
        %get3A_50 = vector.shape_cast %get3A_49 : vector<1x16xf32> to vector<16xf32>
        %get3A_51 = arith.index_cast %scan3A_47 : i32 to index
        %get3A_52 = arith.constant 0 : index
        %get3A_53 = tpu.vector_load %arg10[%get3A_51, %get3A_52] {strides = array<i32>} : memref<128x128xf32, #tpu.memory_space<vmem>>, vector<1x16xf32>,
        %get3A_54 = vector.shape_cast %get3A_53 : vector<1x16xf32> to vector<16xf32>
        %add3A_55 = arith.addf %get3A_50, %get3A_54 : vector<16xf32>
        %max3A = arith.constant 0.000000e+00 : f32
        %max3A_56 = vector.broadcast %max3A : f32 to vector<16xf32>
        %max3A_57 = arith.maximumf %add3A_55, %max3A_56 : vector<16xf32>
        %mul3A_58 = arith.constant 6.553700e+04 : f32
        %mul3A_59 = vector.broadcast %mul3A_58 : f32 to vector<16xf32>
        %mul3A_60 = arith.mulf %max3A_57, %mul3A_59 : vector<16xf32>
        %sub3A_61 = arith.subf %mul3A_60, %max3A_57 : vector<16xf32>
        %sub3A_62 = arith.subf %mul3A_60, %sub3A_61 : vector<16xf32>
        %swap3A = arith.index_cast %scan3A_47 : i32 to index
        %swap3A_63 = arith.constant 0 : index
        %swap3A_64 = tpu.vector_load %arg9[%swap3A, %swap3A_63] {strides = array<i32>} : memref<128x128xf32, #tpu.memory_space<vmem>>, vector<1x16xf32>,
        %swap3A_65 = vector.shape_cast %swap3A_64 : vector<1x16xf32> to vector<16xf32>
        %swap3A_66 = vector.shape_cast %sub3A_62 : vector<16xf32> to vector<1x16xf32>
        tpu.vector_store %arg9[%swap3A, %swap3A_63], %swap3A_66 {strides = array<i32>} : memref<128x128xf32, #tpu.memory_space<vmem>>, vector<1x16xf32>,
        %get3A_67 = arith.index_cast %scan3A_47 : i32 to index
        %get3A_68 = arith.constant 16 : index
        %get3A_69 = tpu.vector_load %arg9[%get3A_67, %get3A_68] {strides = array<i32>} : memref<128x128xf32, #tpu.memory_space<vmem>>, vector<1x16xf32>,
        %get3A_70 = vector.shape_cast %get3A_69 : vector<1x16xf32> to vector<16xf32>
        %get3A_71 = arith.index_cast %scan3A_47 : i32 to index
        %get3A_72 = arith.constant 16 : index
        %get3A_73 = tpu.vector_load %arg10[%get3A_71, %get3A_72] {strides = array<i32>} : memref<128x128xf32, #tpu.memory_space<vmem>>, vector<1x16xf32>,
        %get3A_74 = vector.shape_cast %get3A_73 : vector<1x16xf32> to vector<16xf32>
        %add3A_75 = arith.addf %get3A_70, %get3A_74 : vector<16xf32>
        %max3A_76 = arith.constant 0.000000e+00 : f32
        %max3A_77 = vector.broadcast %max3A_76 : f32 to vector<16xf32>
        %max3A_78 = arith.maximumf %add3A_75, %max3A_77 : vector<16xf32>
        %mul3A_79 = arith.constant 6.553700e+04 : f32
        %mul3A_80 = vector.broadcast %mul3A_79 : f32 to vector<16xf32>
        %mul3A_81 = arith.mulf %max3A_78, %mul3A_80 : vector<16xf32>
        %sub3A_82 = arith.subf %mul3A_81, %max3A_78 : vector<16xf32>
        %sub3A_83 = arith.subf %mul3A_81, %sub3A_82 : vector<16xf32>
        %swap3A_84 = arith.index_cast %scan3A_47 : i32 to index
        %swap3A_85 = arith.constant 16 : index
        %swap3A_86 = tpu.vector_load %arg9[%swap3A_84, %swap3A_85] {strides = array<i32>} : memref<128x128xf32, #tpu.memory_space<vmem>>, vector<1x16xf32>,
        %swap3A_87 = vector.shape_cast %swap3A_86 : vector<1x16xf32> to vector<16xf32>
        %swap3A_88 = vector.shape_cast %sub3A_83 : vector<16xf32> to vector<1x16xf32>
        tpu.vector_store %arg9[%swap3A_84, %swap3A_85], %swap3A_88 {strides = array<i32>} : memref<128x128xf32, #tpu.memory_space<vmem>>, vector<1x16xf32>,
        %get3A_89 = arith.index_cast %scan3A_47 : i32 to index
        %get3A_90 = arith.constant 32 : index
        %get3A_91 = tpu.vector_load %arg9[%get3A_89, %get3A_90] {strides = array<i32>} : memref<128x128xf32, #tpu.memory_space<vmem>>, vector<1x16xf32>,
        %get3A_92 = vector.shape_cast %get3A_91 : vector<1x16xf32> to vector<16xf32>
        %get3A_93 = arith.index_cast %scan3A_47 : i32 to index
        %get3A_94 = arith.constant 32 : index
        %get3A_95 = tpu.vector_load %arg10[%get3A_93, %get3A_94] {strides = array<i32>} : memref<128x128xf32, #tpu.memory_space<vmem>>, vector<1x16xf32>,
        %get3A_96 = vector.shape_cast %get3A_95 : vector<1x16xf32> to vector<16xf32>
        %add3A_97 = arith.addf %get3A_92, %get3A_96 : vector<16xf32>
        %max3A_98 = arith.constant 0.000000e+00 : f32
        %max3A_99 = vector.broadcast %max3A_98 : f32 to vector<16xf32>
        %max3A_100 = arith.maximumf %add3A_97, %max3A_99 : vector<16xf32>
        %mul3A_101 = arith.constant 6.553700e+04 : f32
        %mul3A_102 = vector.broadcast %mul3A_101 : f32 to vector<16xf32>
        %mul3A_103 = arith.mulf %max3A_100, %mul3A_102 : vector<16xf32>
        %sub3A_104 = arith.subf %mul3A_103, %max3A_100 : vector<16xf32>
        %sub3A_105 = arith.subf %mul3A_103, %sub3A_104 : vector<16xf32>
        %swap3A_106 = arith.index_cast %scan3A_47 : i32 to index
        %swap3A_107 = arith.constant 32 : index
        %swap3A_108 = tpu.vector_load %arg9[%swap3A_106, %swap3A_107] {strides = array<i32>} : memref<128x128xf32, #tpu.memory_space<vmem>>, vector<1x16xf32>,
        %swap3A_109 = vector.shape_cast %swap3A_108 : vector<1x16xf32> to vector<16xf32>
        %swap3A_110 = vector.shape_cast %sub3A_105 : vector<16xf32> to vector<1x16xf32>
        tpu.vector_store %arg9[%swap3A_106, %swap3A_107], %swap3A_110 {strides = array<i32>} : memref<128x128xf32, #tpu.memory_space<vmem>>, vector<1x16xf32>,
        %get3A_111 = arith.index_cast %scan3A_47 : i32 to index
        %get3A_112 = arith.constant 48 : index
        %get3A_113 = tpu.vector_load %arg9[%get3A_111, %get3A_112] {strides = array<i32>} : memref<128x128xf32, #tpu.memory_space<vmem>>, vector<1x16xf32>,
        %get3A_114 = vector.shape_cast %get3A_113 : vector<1x16xf32> to vector<16xf32>
        %get3A_115 = arith.index_cast %scan3A_47 : i32 to index
        %get3A_116 = arith.constant 48 : index
        %get3A_117 = tpu.vector_load %arg10[%get3A_115, %get3A_116] {strides = array<i32>} : memref<128x128xf32, #tpu.memory_space<vmem>>, vector<1x16xf32>,
        %get3A_118 = vector.shape_cast %get3A_117 : vector<1x16xf32> to vector<16xf32>
        %add3A_119 = arith.addf %get3A_114, %get3A_118 : vector<16xf32>
        %max3A_120 = arith.constant 0.000000e+00 : f32
        %max3A_121 = vector.broadcast %max3A_120 : f32 to vector<16xf32>
        %max3A_122 = arith.maximumf %add3A_119, %max3A_121 : vector<16xf32>
        %mul3A_123 = arith.constant 6.553700e+04 : f32
        %mul3A_124 = vector.broadcast %mul3A_123 : f32 to vector<16xf32>
        %mul3A_125 = arith.mulf %max3A_122, %mul3A_124 : vector<16xf32>
        %sub3A_126 = arith.subf %mul3A_125, %max3A_122 : vector<16xf32>
        %sub3A_127 = arith.subf %mul3A_125, %sub3A_126 : vector<16xf32>
        %swap3A_128 = arith.index_cast %scan3A_47 : i32 to index
        %swap3A_129 = arith.constant 48 : index
        %swap3A_130 = tpu.vector_load %arg9[%swap3A_128, %swap3A_129] {strides = array<i32>} : memref<128x128xf32, #tpu.memory_space<vmem>>, vector<1x16xf32>,
        %swap3A_131 = vector.shape_cast %swap3A_130 : vector<1x16xf32> to vector<16xf32>
        %swap3A_132 = vector.shape_cast %sub3A_127 : vector<16xf32> to vector<1x16xf32>
        tpu.vector_store %arg9[%swap3A_128, %swap3A_129], %swap3A_132 {strides = array<i32>} : memref<128x128xf32, #tpu.memory_space<vmem>>, vector<1x16xf32>,
        %get3A_133 = arith.index_cast %scan3A_47 : i32 to index
        %get3A_134 = arith.constant 64 : index
        %get3A_135 = tpu.vector_load %arg9[%get3A_133, %get3A_134] {strides = array<i32>} : memref<128x128xf32, #tpu.memory_space<vmem>>, vector<1x16xf32>,
        %get3A_136 = vector.shape_cast %get3A_135 : vector<1x16xf32> to vector<16xf32>
        %get3A_137 = arith.index_cast %scan3A_47 : i32 to index
        %get3A_138 = arith.constant 64 : index
        %get3A_139 = tpu.vector_load %arg10[%get3A_137, %get3A_138] {strides = array<i32>} : memref<128x128xf32, #tpu.memory_space<vmem>>, vector<1x16xf32>,
        %get3A_140 = vector.shape_cast %get3A_139 : vector<1x16xf32> to vector<16xf32>
        %add3A_141 = arith.addf %get3A_136, %get3A_140 : vector<16xf32>
        %max3A_142 = arith.constant 0.000000e+00 : f32
        %max3A_143 = vector.broadcast %max3A_142 : f32 to vector<16xf32>
        %max3A_144 = arith.maximumf %add3A_141, %max3A_143 : vector<16xf32>
        %mul3A_145 = arith.constant 6.553700e+04 : f32
        %mul3A_146 = vector.broadcast %mul3A_145 : f32 to vector<16xf32>
        %mul3A_147 = arith.mulf %max3A_144, %mul3A_146 : vector<16xf32>
        %sub3A_148 = arith.subf %mul3A_147, %max3A_144 : vector<16xf32>
        %sub3A_149 = arith.subf %mul3A_147, %sub3A_148 : vector<16xf32>
        %swap3A_150 = arith.index_cast %scan3A_47 : i32 to index
        %swap3A_151 = arith.constant 64 : index
        %swap3A_152 = tpu.vector_load %arg9[%swap3A_150, %swap3A_151] {strides = array<i32>} : memref<128x128xf32, #tpu.memory_space<vmem>>, vector<1x16xf32>,
        %swap3A_153 = vector.shape_cast %swap3A_152 : vector<1x16xf32> to vector<16xf32>
        %swap3A_154 = vector.shape_cast %sub3A_149 : vector<16xf32> to vector<1x16xf32>
        tpu.vector_store %arg9[%swap3A_150, %swap3A_151], %swap3A_154 {strides = array<i32>} : memref<128x128xf32, #tpu.memory_space<vmem>>, vector<1x16xf32>,
        %get3A_155 = arith.index_cast %scan3A_47 : i32 to index
        %get3A_156 = arith.constant 80 : index
        %get3A_157 = tpu.vector_load %arg9[%get3A_155, %get3A_156] {strides = array<i32>} : memref<128x128xf32, #tpu.memory_space<vmem>>, vector<1x16xf32>,
        %get3A_158 = vector.shape_cast %get3A_157 : vector<1x16xf32> to vector<16xf32>
        %get3A_159 = arith.index_cast %scan3A_47 : i32 to index
        %get3A_160 = arith.constant 80 : index
        %get3A_161 = tpu.vector_load %arg10[%get3A_159, %get3A_160] {strides = array<i32>} : memref<128x128xf32, #tpu.memory_space<vmem>>, vector<1x16xf32>,
        %get3A_162 = vector.shape_cast %get3A_161 : vector<1x16xf32> to vector<16xf32>
        %add3A_163 = arith.addf %get3A_158, %get3A_162 : vector<16xf32>
        %max3A_164 = arith.constant 0.000000e+00 : f32
        %max3A_165 = vector.broadcast %max3A_164 : f32 to vector<16xf32>
        %max3A_166 = arith.maximumf %add3A_163, %max3A_165 : vector<16xf32>
        %mul3A_167 = arith.constant 6.553700e+04 : f32
        %mul3A_168 = vector.broadcast %mul3A_167 : f32 to vector<16xf32>
        %mul3A_169 = arith.mulf %max3A_166, %mul3A_168 : vector<16xf32>
        %sub3A_170 = arith.subf %mul3A_169, %max3A_166 : vector<16xf32>
        %sub3A_171 = arith.subf %mul3A_169, %sub3A_170 : vector<16xf32>
        %swap3A_172 = arith.index_cast %scan3A_47 : i32 to index
        %swap3A_173 = arith.constant 80 : index
        %swap3A_174 = tpu.vector_load %arg9[%swap3A_172, %swap3A_173] {strides = array<i32>} : memref<128x128xf32, #tpu.memory_space<vmem>>, vector<1x16xf32>,
        %swap3A_175 = vector.shape_cast %swap3A_174 : vector<1x16xf32> to vector<16xf32>
        %swap3A_176 = vector.shape_cast %sub3A_171 : vector<16xf32> to vector<1x16xf32>
        tpu.vector_store %arg9[%swap3A_172, %swap3A_173], %swap3A_176 {strides = array<i32>} : memref<128x128xf32, #tpu.memory_space<vmem>>, vector<1x16xf32>,
        %get3A_177 = arith.index_cast %scan3A_47 : i32 to index
        %get3A_178 = arith.constant 96 : index
        %get3A_179 = tpu.vector_load %arg9[%get3A_177, %get3A_178] {strides = array<i32>} : memref<128x128xf32, #tpu.memory_space<vmem>>, vector<1x16xf32>,
        %get3A_180 = vector.shape_cast %get3A_179 : vector<1x16xf32> to vector<16xf32>
        %get3A_181 = arith.index_cast %scan3A_47 : i32 to index
        %get3A_182 = arith.constant 96 : index
        %get3A_183 = tpu.vector_load %arg10[%get3A_181, %get3A_182] {strides = array<i32>} : memref<128x128xf32, #tpu.memory_space<vmem>>, vector<1x16xf32>,
        %get3A_184 = vector.shape_cast %get3A_183 : vector<1x16xf32> to vector<16xf32>
        %add3A_185 = arith.addf %get3A_180, %get3A_184 : vector<16xf32>
        %max3A_186 = arith.constant 0.000000e+00 : f32
        %max3A_187 = vector.broadcast %max3A_186 : f32 to vector<16xf32>
        %max3A_188 = arith.maximumf %add3A_185, %max3A_187 : vector<16xf32>
        %mul3A_189 = arith.constant 6.553700e+04 : f32
        %mul3A_190 = vector.broadcast %mul3A_189 : f32 to vector<16xf32>
        %mul3A_191 = arith.mulf %max3A_188, %mul3A_190 : vector<16xf32>
        %sub3A_192 = arith.subf %mul3A_191, %max3A_188 : vector<16xf32>
        %sub3A_193 = arith.subf %mul3A_191, %sub3A_192 : vector<16xf32>
        %swap3A_194 = arith.index_cast %scan3A_47 : i32 to index
        %swap3A_195 = arith.constant 96 : index
        %swap3A_196 = tpu.vector_load %arg9[%swap3A_194, %swap3A_195] {strides = array<i32>} : memref<128x128xf32, #tpu.memory_space<vmem>>, vector<1x16xf32>,
        %swap3A_197 = vector.shape_cast %swap3A_196 : vector<1x16xf32> to vector<16xf32>
        %swap3A_198 = vector.shape_cast %sub3A_193 : vector<16xf32> to vector<1x16xf32>
        tpu.vector_store %arg9[%swap3A_194, %swap3A_195], %swap3A_198 {strides = array<i32>} : memref<128x128xf32, #tpu.memory_space<vmem>>, vector<1x16xf32>,
        %get3A_199 = arith.index_cast %scan3A_47 : i32 to index
        %get3A_200 = arith.constant 112 : index
        %get3A_201 = tpu.vector_load %arg9[%get3A_199, %get3A_200] {strides = array<i32>} : memref<128x128xf32, #tpu.memory_space<vmem>>, vector<1x16xf32>,
        %get3A_202 = vector.shape_cast %get3A_201 : vector<1x16xf32> to vector<16xf32>
        %get3A_203 = arith.index_cast %scan3A_47 : i32 to index
        %get3A_204 = arith.constant 112 : index
        %get3A_205 = tpu.vector_load %arg10[%get3A_203, %get3A_204] {strides = array<i32>} : memref<128x128xf32, #tpu.memory_space<vmem>>, vector<1x16xf32>,
        %get3A_206 = vector.shape_cast %get3A_205 : vector<1x16xf32> to vector<16xf32>
        %add3A_207 = arith.addf %get3A_202, %get3A_206 : vector<16xf32>
        %max3A_208 = arith.constant 0.000000e+00 : f32
        %max3A_209 = vector.broadcast %max3A_208 : f32 to vector<16xf32>
        %max3A_210 = arith.maximumf %add3A_207, %max3A_209 : vector<16xf32>
        %mul3A_211 = arith.constant 6.553700e+04 : f32
        %mul3A_212 = vector.broadcast %mul3A_211 : f32 to vector<16xf32>
        %mul3A_213 = arith.mulf %max3A_210, %mul3A_212 : vector<16xf32>
        %sub3A_214 = arith.subf %mul3A_213, %max3A_210 : vector<16xf32>
        %sub3A_215 = arith.subf %mul3A_213, %sub3A_214 : vector<16xf32>
        %swap3A_216 = arith.index_cast %scan3A_47 : i32 to index
        %swap3A_217 = arith.constant 112 : index
        %swap3A_218 = tpu.vector_load %arg9[%swap3A_216, %swap3A_217] {strides = array<i32>} : memref<128x128xf32, #tpu.memory_space<vmem>>, vector<1x16xf32>,
        %swap3A_219 = vector.shape_cast %swap3A_218 : vector<1x16xf32> to vector<16xf32>
        %swap3A_220 = vector.shape_cast %sub3A_215 : vector<16xf32> to vector<1x16xf32>
        tpu.vector_store %arg9[%swap3A_216, %swap3A_217], %swap3A_220 {strides = array<i32>} : memref<128x128xf32, #tpu.memory_space<vmem>>, vector<1x16xf32>,
      }
      %scan3A_46 = arith.constant 128 : i32
      "tpu.region"() ({
        %run_scoped3A = tpu.sem_alloc : memref<!tpu.dma_semaphore, #tpu.memory_space<semaphore_mem>>
        %dma_start3A_47 = arith.constant 0 : i32
        %dma_start3A_48 = arith.constant 0 : i32
        %dma_start3A_49 = tpu.memref_slice %arg11[%dma_start3A_47, %dma_start3A_48] : memref<10112x128xf32, #tpu.memory_space<vmem_shared>> -> memref<10112x128xf32, #tpu.memory_space<vmem_shared>>
        tpu.enqueue_indirect_dma source(%arg9 : memref<128x128xf32, #tpu.memory_space<vmem>>) target(%dma_start3A_49 : memref<10112x128xf32, #tpu.memory_space<vmem_shared>>) offsets(%arg7 : memref<128xi32, #tpu.memory_space<vmem>>) semaphore(%run_scoped3A : memref<!tpu.dma_semaphore, #tpu.memory_space<semaphore_mem>>) {add = true}
        %dma_wait3A_50 = arith.constant 0 : i32
        %dma_wait3A_51 = arith.constant 0 : i32
        %dma_wait3A_52 = tpu.memref_slice %arg11[%dma_wait3A_50, %dma_wait3A_51] : memref<10112x128xf32, #tpu.memory_space<vmem_shared>> -> memref<10112x128xf32, #tpu.memory_space<vmem_shared>>
        tpu.wait_indirect_dma semaphore(%run_scoped3A : memref<!tpu.dma_semaphore, #tpu.memory_space<semaphore_mem>>) src(%arg9 : memref<128x128xf32, #tpu.memory_space<vmem>>) dst(%dma_wait3A_52 : memref<10112x128xf32, #tpu.memory_space<vmem_shared>>)
        tpu.yield
      }) : () -> ()
    }
    %scan3A_26 = arith.constant 80 : i32
    %barrier3A_27 = arith.constant 0 : index
    tpu.barrier barrier_id(%barrier3A_27)
    "tpu.region"() ({
      %run_scoped3A = tpu.sem_alloc : memref<!tpu.dma_semaphore, #tpu.memory_space<semaphore_mem>>
      %dma_start3A = arith.constant 0 : i32
      %dma_start3A_28 = tpu.memref_slice %arg6[%arg0, %mul3A_7, %dma_start3A] : memref<2x10112x128xf32, #tpu.memory_space<hbm>> -> memref<1x632x128xf32, #tpu.memory_space<hbm>>
      %dma_start3A_29 = tpu.memref_squeeze %dma_start3A_28 : memref<1x632x128xf32, #tpu.memory_space<hbm>> -> memref<632x128xf32, #tpu.memory_space<hbm>>
      %dma_start3A_30 = arith.constant 0 : i32
      %dma_start3A_31 = tpu.memref_slice %arg11[%mul3A_7, %dma_start3A_30] : memref<10112x128xf32, #tpu.memory_space<vmem_shared>> -> memref<632x128xf32, #tpu.memory_space<vmem_shared>>
      tpu.enqueue_dma source(%dma_start3A_31 : memref<632x128xf32, #tpu.memory_space<vmem_shared>>) target(%dma_start3A_29 : memref<632x128xf32, #tpu.memory_space<hbm>>) target_semaphore(%run_scoped3A : memref<!tpu.dma_semaphore, #tpu.memory_space<semaphore_mem>>)
      %dma_wait3A = arith.constant 0 : i32
      %dma_wait3A_32 = tpu.memref_slice %arg6[%arg0, %mul3A_7, %dma_wait3A] : memref<2x10112x128xf32, #tpu.memory_space<hbm>> -> memref<1x632x128xf32, #tpu.memory_space<hbm>>
      %dma_wait3A_33 = tpu.memref_squeeze %dma_wait3A_32 : memref<1x632x128xf32, #tpu.memory_space<hbm>> -> memref<632x128xf32, #tpu.memory_space<hbm>>
      %dma_wait3A_34 = arith.constant 0 : i32
      %dma_wait3A_35 = tpu.memref_slice %arg11[%mul3A_7, %dma_wait3A_34] : memref<10112x128xf32, #tpu.memory_space<vmem_shared>> -> memref<632x128xf32, #tpu.memory_space<vmem_shared>>
      tpu.wait_dma2 semaphore(%run_scoped3A : memref<!tpu.dma_semaphore, #tpu.memory_space<semaphore_mem>>) src(%dma_wait3A_35 : memref<632x128xf32, #tpu.memory_space<vmem_shared>>) dst(%dma_wait3A_33 : memref<632x128xf32, #tpu.memory_space<hbm>>)
      tpu.yield
    }) : () -> ()
    return
  }
}

#map = affine_map<(d0, d1) -> (0, 0)>
#map1 = affine_map<(d0, d1) -> (0, 0, 0)>
module attributes {stable_mosaic.version = 14 : i64} {
  func.func @_edge_body(%arg0: i32, %arg1: i32, %arg2: memref<10240x128xf32, #tpu.memory_space<hbm>>, %arg3: memref<10240x128xf32, #tpu.memory_space<hbm>>, %arg4: memref<2560x128xi32, #tpu.memory_space<hbm>>, %arg5: memref<2560x128xi32, #tpu.memory_space<hbm>>, %arg6: memref<2x10112x128xf32, #tpu.memory_space<hbm>>, %arg7: memref<128xi32, #tpu.memory_space<vmem>>, %arg8: memref<128xi32, #tpu.memory_space<vmem>>, %arg9: memref<128x128xf32, #tpu.memory_space<vmem>>, %arg10: memref<128x128xf32, #tpu.memory_space<vmem>>, %arg11: memref<10112x128xf32, #tpu.memory_space<vmem_shared>>, %arg12: memref<!tpu.dma_semaphore, #tpu.memory_space<semaphore_mem>>, %arg13: memref<!tpu.dma_semaphore, #tpu.memory_space<semaphore_mem>>) attributes {dimension_semantics = [#tpu.dimension_semantics<core_parallel>, #tpu.dimension_semantics<subcore_parallel>], iteration_bounds = array<i64: 2, 16>, scalar_prefetch = 0 : i64, scratch_operands = 7 : i64, tpu.core_type = #tpu.core_type<sc_vector_subcore>, window_params = [{transform_indices = #map}, {transform_indices = #map}, {transform_indices = #map}, {transform_indices = #map}, {transform_indices = #map1}]} {
    %mul3A = arith.constant 16 : i32
    %mul3A_0 = arith.muli %arg0, %mul3A : i32
    %add3A = arith.addi %mul3A_0, %arg1 : i32
    %scan3A = arith.constant 0 : i32
    %scan3A_1 = arith.constant 0 : i32
    %scan3A_2 = arith.constant 128 : i32
    %scan3A_3 = arith.addi %scan3A_1, %scan3A_2 : i32
    %scan3A_4 = arith.constant 1 : i32
    scf.for %scan3A_28 = %scan3A_1 to %scan3A_3 step %scan3A_4  : i32 {
      %broadcast_in_dim3A = arith.constant 0.000000e+00 : f32
      %broadcast_in_dim3A_29 = vector.broadcast %broadcast_in_dim3A : f32 to vector<16xf32>
      %swap3A = arith.index_cast %scan3A_28 : i32 to index
      %swap3A_30 = arith.constant 0 : index
      %swap3A_31 = tpu.vector_load %arg9[%swap3A, %swap3A_30] {strides = array<i32>} : memref<128x128xf32, #tpu.memory_space<vmem>>, vector<1x16xf32>,
      %swap3A_32 = vector.shape_cast %swap3A_31 : vector<1x16xf32> to vector<16xf32>
      %swap3A_33 = vector.shape_cast %broadcast_in_dim3A_29 : vector<16xf32> to vector<1x16xf32>
      tpu.vector_store %arg9[%swap3A, %swap3A_30], %swap3A_33 {strides = array<i32>} : memref<128x128xf32, #tpu.memory_space<vmem>>, vector<1x16xf32>,
      %broadcast_in_dim3A_34 = arith.constant 0.000000e+00 : f32
      %broadcast_in_dim3A_35 = vector.broadcast %broadcast_in_dim3A_34 : f32 to vector<16xf32>
      %swap3A_36 = arith.index_cast %scan3A_28 : i32 to index
      %swap3A_37 = arith.constant 16 : index
      %swap3A_38 = tpu.vector_load %arg9[%swap3A_36, %swap3A_37] {strides = array<i32>} : memref<128x128xf32, #tpu.memory_space<vmem>>, vector<1x16xf32>,
      %swap3A_39 = vector.shape_cast %swap3A_38 : vector<1x16xf32> to vector<16xf32>
      %swap3A_40 = vector.shape_cast %broadcast_in_dim3A_35 : vector<16xf32> to vector<1x16xf32>
      tpu.vector_store %arg9[%swap3A_36, %swap3A_37], %swap3A_40 {strides = array<i32>} : memref<128x128xf32, #tpu.memory_space<vmem>>, vector<1x16xf32>,
      %broadcast_in_dim3A_41 = arith.constant 0.000000e+00 : f32
      %broadcast_in_dim3A_42 = vector.broadcast %broadcast_in_dim3A_41 : f32 to vector<16xf32>
      %swap3A_43 = arith.index_cast %scan3A_28 : i32 to index
      %swap3A_44 = arith.constant 32 : index
      %swap3A_45 = tpu.vector_load %arg9[%swap3A_43, %swap3A_44] {strides = array<i32>} : memref<128x128xf32, #tpu.memory_space<vmem>>, vector<1x16xf32>,
      %swap3A_46 = vector.shape_cast %swap3A_45 : vector<1x16xf32> to vector<16xf32>
      %swap3A_47 = vector.shape_cast %broadcast_in_dim3A_42 : vector<16xf32> to vector<1x16xf32>
      tpu.vector_store %arg9[%swap3A_43, %swap3A_44], %swap3A_47 {strides = array<i32>} : memref<128x128xf32, #tpu.memory_space<vmem>>, vector<1x16xf32>,
      %broadcast_in_dim3A_48 = arith.constant 0.000000e+00 : f32
      %broadcast_in_dim3A_49 = vector.broadcast %broadcast_in_dim3A_48 : f32 to vector<16xf32>
      %swap3A_50 = arith.index_cast %scan3A_28 : i32 to index
      %swap3A_51 = arith.constant 48 : index
      %swap3A_52 = tpu.vector_load %arg9[%swap3A_50, %swap3A_51] {strides = array<i32>} : memref<128x128xf32, #tpu.memory_space<vmem>>, vector<1x16xf32>,
      %swap3A_53 = vector.shape_cast %swap3A_52 : vector<1x16xf32> to vector<16xf32>
      %swap3A_54 = vector.shape_cast %broadcast_in_dim3A_49 : vector<16xf32> to vector<1x16xf32>
      tpu.vector_store %arg9[%swap3A_50, %swap3A_51], %swap3A_54 {strides = array<i32>} : memref<128x128xf32, #tpu.memory_space<vmem>>, vector<1x16xf32>,
      %broadcast_in_dim3A_55 = arith.constant 0.000000e+00 : f32
      %broadcast_in_dim3A_56 = vector.broadcast %broadcast_in_dim3A_55 : f32 to vector<16xf32>
      %swap3A_57 = arith.index_cast %scan3A_28 : i32 to index
      %swap3A_58 = arith.constant 64 : index
      %swap3A_59 = tpu.vector_load %arg9[%swap3A_57, %swap3A_58] {strides = array<i32>} : memref<128x128xf32, #tpu.memory_space<vmem>>, vector<1x16xf32>,
      %swap3A_60 = vector.shape_cast %swap3A_59 : vector<1x16xf32> to vector<16xf32>
      %swap3A_61 = vector.shape_cast %broadcast_in_dim3A_56 : vector<16xf32> to vector<1x16xf32>
      tpu.vector_store %arg9[%swap3A_57, %swap3A_58], %swap3A_61 {strides = array<i32>} : memref<128x128xf32, #tpu.memory_space<vmem>>, vector<1x16xf32>,
      %broadcast_in_dim3A_62 = arith.constant 0.000000e+00 : f32
      %broadcast_in_dim3A_63 = vector.broadcast %broadcast_in_dim3A_62 : f32 to vector<16xf32>
      %swap3A_64 = arith.index_cast %scan3A_28 : i32 to index
      %swap3A_65 = arith.constant 80 : index
      %swap3A_66 = tpu.vector_load %arg9[%swap3A_64, %swap3A_65] {strides = array<i32>} : memref<128x128xf32, #tpu.memory_space<vmem>>, vector<1x16xf32>,
      %swap3A_67 = vector.shape_cast %swap3A_66 : vector<1x16xf32> to vector<16xf32>
      %swap3A_68 = vector.shape_cast %broadcast_in_dim3A_63 : vector<16xf32> to vector<1x16xf32>
      tpu.vector_store %arg9[%swap3A_64, %swap3A_65], %swap3A_68 {strides = array<i32>} : memref<128x128xf32, #tpu.memory_space<vmem>>, vector<1x16xf32>,
      %broadcast_in_dim3A_69 = arith.constant 0.000000e+00 : f32
      %broadcast_in_dim3A_70 = vector.broadcast %broadcast_in_dim3A_69 : f32 to vector<16xf32>
      %swap3A_71 = arith.index_cast %scan3A_28 : i32 to index
      %swap3A_72 = arith.constant 96 : index
      %swap3A_73 = tpu.vector_load %arg9[%swap3A_71, %swap3A_72] {strides = array<i32>} : memref<128x128xf32, #tpu.memory_space<vmem>>, vector<1x16xf32>,
      %swap3A_74 = vector.shape_cast %swap3A_73 : vector<1x16xf32> to vector<16xf32>
      %swap3A_75 = vector.shape_cast %broadcast_in_dim3A_70 : vector<16xf32> to vector<1x16xf32>
      tpu.vector_store %arg9[%swap3A_71, %swap3A_72], %swap3A_75 {strides = array<i32>} : memref<128x128xf32, #tpu.memory_space<vmem>>, vector<1x16xf32>,
      %broadcast_in_dim3A_76 = arith.constant 0.000000e+00 : f32
      %broadcast_in_dim3A_77 = vector.broadcast %broadcast_in_dim3A_76 : f32 to vector<16xf32>
      %swap3A_78 = arith.index_cast %scan3A_28 : i32 to index
      %swap3A_79 = arith.constant 112 : index
      %swap3A_80 = tpu.vector_load %arg9[%swap3A_78, %swap3A_79] {strides = array<i32>} : memref<128x128xf32, #tpu.memory_space<vmem>>, vector<1x16xf32>,
      %swap3A_81 = vector.shape_cast %swap3A_80 : vector<1x16xf32> to vector<16xf32>
      %swap3A_82 = vector.shape_cast %broadcast_in_dim3A_77 : vector<16xf32> to vector<1x16xf32>
      tpu.vector_store %arg9[%swap3A_78, %swap3A_79], %swap3A_82 {strides = array<i32>} : memref<128x128xf32, #tpu.memory_space<vmem>>, vector<1x16xf32>,
    }
    %scan3A_5 = arith.constant 128 : i32
    %mul3A_6 = arith.constant 632 : i32
    %mul3A_7 = arith.muli %arg1, %mul3A_6 : i32
    %add3A_8 = arith.constant 0 : i32
    %add3A_9 = arith.addi %mul3A_7, %add3A_8 : i32
    "tpu.region"() ({
      %run_scoped3A = tpu.sem_alloc : memref<!tpu.dma_semaphore, #tpu.memory_space<semaphore_mem>>
      %dma_start3A = arith.constant 0 : i32
      %dma_start3A_28 = tpu.memref_slice %arg11[%add3A_9, %dma_start3A] : memref<10112x128xf32, #tpu.memory_space<vmem_shared>> -> memref<128x128xf32, #tpu.memory_space<vmem_shared>>
      %dma_start3A_29 = arith.constant 0 : i32
      %dma_start3A_30 = tpu.memref_slice %arg11[%add3A_9, %dma_start3A_29] : memref<10112x128xf32, #tpu.memory_space<vmem_shared>> -> memref<128x128xf32, #tpu.memory_space<vmem_shared>>
      tpu.enqueue_dma source(%arg9 : memref<128x128xf32, #tpu.memory_space<vmem>>) target(%dma_start3A_30 : memref<128x128xf32, #tpu.memory_space<vmem_shared>>) target_semaphore(%run_scoped3A : memref<!tpu.dma_semaphore, #tpu.memory_space<semaphore_mem>>)
      %dma_wait3A = arith.constant 0 : i32
      %dma_wait3A_31 = tpu.memref_slice %arg11[%add3A_9, %dma_wait3A] : memref<10112x128xf32, #tpu.memory_space<vmem_shared>> -> memref<128x128xf32, #tpu.memory_space<vmem_shared>>
      %dma_wait3A_32 = arith.constant 0 : i32
      %dma_wait3A_33 = tpu.memref_slice %arg11[%add3A_9, %dma_wait3A_32] : memref<10112x128xf32, #tpu.memory_space<vmem_shared>> -> memref<128x128xf32, #tpu.memory_space<vmem_shared>>
      tpu.wait_dma2 semaphore(%run_scoped3A : memref<!tpu.dma_semaphore, #tpu.memory_space<semaphore_mem>>) src(%arg9 : memref<128x128xf32, #tpu.memory_space<vmem>>) dst(%dma_wait3A_33 : memref<128x128xf32, #tpu.memory_space<vmem_shared>>)
      tpu.yield
    }) : () -> ()
    %add3A_10 = arith.constant 128 : i32
    %add3A_11 = arith.addi %mul3A_7, %add3A_10 : i32
    "tpu.region"() ({
      %run_scoped3A = tpu.sem_alloc : memref<!tpu.dma_semaphore, #tpu.memory_space<semaphore_mem>>
      %dma_start3A = arith.constant 0 : i32
      %dma_start3A_28 = tpu.memref_slice %arg11[%add3A_11, %dma_start3A] : memref<10112x128xf32, #tpu.memory_space<vmem_shared>> -> memref<128x128xf32, #tpu.memory_space<vmem_shared>>
      %dma_start3A_29 = arith.constant 0 : i32
      %dma_start3A_30 = tpu.memref_slice %arg11[%add3A_11, %dma_start3A_29] : memref<10112x128xf32, #tpu.memory_space<vmem_shared>> -> memref<128x128xf32, #tpu.memory_space<vmem_shared>>
      tpu.enqueue_dma source(%arg9 : memref<128x128xf32, #tpu.memory_space<vmem>>) target(%dma_start3A_30 : memref<128x128xf32, #tpu.memory_space<vmem_shared>>) target_semaphore(%run_scoped3A : memref<!tpu.dma_semaphore, #tpu.memory_space<semaphore_mem>>)
      %dma_wait3A = arith.constant 0 : i32
      %dma_wait3A_31 = tpu.memref_slice %arg11[%add3A_11, %dma_wait3A] : memref<10112x128xf32, #tpu.memory_space<vmem_shared>> -> memref<128x128xf32, #tpu.memory_space<vmem_shared>>
      %dma_wait3A_32 = arith.constant 0 : i32
      %dma_wait3A_33 = tpu.memref_slice %arg11[%add3A_11, %dma_wait3A_32] : memref<10112x128xf32, #tpu.memory_space<vmem_shared>> -> memref<128x128xf32, #tpu.memory_space<vmem_shared>>
      tpu.wait_dma2 semaphore(%run_scoped3A : memref<!tpu.dma_semaphore, #tpu.memory_space<semaphore_mem>>) src(%arg9 : memref<128x128xf32, #tpu.memory_space<vmem>>) dst(%dma_wait3A_33 : memref<128x128xf32, #tpu.memory_space<vmem_shared>>)
      tpu.yield
    }) : () -> ()
    %add3A_12 = arith.constant 256 : i32
    %add3A_13 = arith.addi %mul3A_7, %add3A_12 : i32
    "tpu.region"() ({
      %run_scoped3A = tpu.sem_alloc : memref<!tpu.dma_semaphore, #tpu.memory_space<semaphore_mem>>
      %dma_start3A = arith.constant 0 : i32
      %dma_start3A_28 = tpu.memref_slice %arg11[%add3A_13, %dma_start3A] : memref<10112x128xf32, #tpu.memory_space<vmem_shared>> -> memref<128x128xf32, #tpu.memory_space<vmem_shared>>
      %dma_start3A_29 = arith.constant 0 : i32
      %dma_start3A_30 = tpu.memref_slice %arg11[%add3A_13, %dma_start3A_29] : memref<10112x128xf32, #tpu.memory_space<vmem_shared>> -> memref<128x128xf32, #tpu.memory_space<vmem_shared>>
      tpu.enqueue_dma source(%arg9 : memref<128x128xf32, #tpu.memory_space<vmem>>) target(%dma_start3A_30 : memref<128x128xf32, #tpu.memory_space<vmem_shared>>) target_semaphore(%run_scoped3A : memref<!tpu.dma_semaphore, #tpu.memory_space<semaphore_mem>>)
      %dma_wait3A = arith.constant 0 : i32
      %dma_wait3A_31 = tpu.memref_slice %arg11[%add3A_13, %dma_wait3A] : memref<10112x128xf32, #tpu.memory_space<vmem_shared>> -> memref<128x128xf32, #tpu.memory_space<vmem_shared>>
      %dma_wait3A_32 = arith.constant 0 : i32
      %dma_wait3A_33 = tpu.memref_slice %arg11[%add3A_13, %dma_wait3A_32] : memref<10112x128xf32, #tpu.memory_space<vmem_shared>> -> memref<128x128xf32, #tpu.memory_space<vmem_shared>>
      tpu.wait_dma2 semaphore(%run_scoped3A : memref<!tpu.dma_semaphore, #tpu.memory_space<semaphore_mem>>) src(%arg9 : memref<128x128xf32, #tpu.memory_space<vmem>>) dst(%dma_wait3A_33 : memref<128x128xf32, #tpu.memory_space<vmem_shared>>)
      tpu.yield
    }) : () -> ()
    %add3A_14 = arith.constant 384 : i32
    %add3A_15 = arith.addi %mul3A_7, %add3A_14 : i32
    "tpu.region"() ({
      %run_scoped3A = tpu.sem_alloc : memref<!tpu.dma_semaphore, #tpu.memory_space<semaphore_mem>>
      %dma_start3A = arith.constant 0 : i32
      %dma_start3A_28 = tpu.memref_slice %arg11[%add3A_15, %dma_start3A] : memref<10112x128xf32, #tpu.memory_space<vmem_shared>> -> memref<128x128xf32, #tpu.memory_space<vmem_shared>>
      %dma_start3A_29 = arith.constant 0 : i32
      %dma_start3A_30 = tpu.memref_slice %arg11[%add3A_15, %dma_start3A_29] : memref<10112x128xf32, #tpu.memory_space<vmem_shared>> -> memref<128x128xf32, #tpu.memory_space<vmem_shared>>
      tpu.enqueue_dma source(%arg9 : memref<128x128xf32, #tpu.memory_space<vmem>>) target(%dma_start3A_30 : memref<128x128xf32, #tpu.memory_space<vmem_shared>>) target_semaphore(%run_scoped3A : memref<!tpu.dma_semaphore, #tpu.memory_space<semaphore_mem>>)
      %dma_wait3A = arith.constant 0 : i32
      %dma_wait3A_31 = tpu.memref_slice %arg11[%add3A_15, %dma_wait3A] : memref<10112x128xf32, #tpu.memory_space<vmem_shared>> -> memref<128x128xf32, #tpu.memory_space<vmem_shared>>
      %dma_wait3A_32 = arith.constant 0 : i32
      %dma_wait3A_33 = tpu.memref_slice %arg11[%add3A_15, %dma_wait3A_32] : memref<10112x128xf32, #tpu.memory_space<vmem_shared>> -> memref<128x128xf32, #tpu.memory_space<vmem_shared>>
      tpu.wait_dma2 semaphore(%run_scoped3A : memref<!tpu.dma_semaphore, #tpu.memory_space<semaphore_mem>>) src(%arg9 : memref<128x128xf32, #tpu.memory_space<vmem>>) dst(%dma_wait3A_33 : memref<128x128xf32, #tpu.memory_space<vmem_shared>>)
      tpu.yield
    }) : () -> ()
    %add3A_16 = arith.constant 632 : i32
    %add3A_17 = arith.addi %mul3A_7, %add3A_16 : i32
    %sub3A = arith.constant 120 : i32
    %sub3A_18 = arith.subi %add3A_17, %sub3A : i32
    "tpu.region"() ({
      %run_scoped3A = tpu.sem_alloc : memref<!tpu.dma_semaphore, #tpu.memory_space<semaphore_mem>>
      %dma_start3A = arith.constant 0 : i32
      %dma_start3A_28 = arith.constant 0 : i32
      %dma_start3A_29 = tpu.memref_slice %arg9[%dma_start3A, %dma_start3A_28] : memref<128x128xf32, #tpu.memory_space<vmem>> -> memref<120x128xf32, #tpu.memory_space<vmem>>
      %dma_start3A_30 = arith.constant 0 : i32
      %dma_start3A_31 = tpu.memref_slice %arg11[%sub3A_18, %dma_start3A_30] : memref<10112x128xf32, #tpu.memory_space<vmem_shared>> -> memref<120x128xf32, #tpu.memory_space<vmem_shared>>
      %dma_start3A_32 = arith.constant 0 : i32
      %dma_start3A_33 = tpu.memref_slice %arg11[%sub3A_18, %dma_start3A_32] : memref<10112x128xf32, #tpu.memory_space<vmem_shared>> -> memref<120x128xf32, #tpu.memory_space<vmem_shared>>
      %dma_start3A_34 = arith.constant 0 : i32
      %dma_start3A_35 = arith.constant 0 : i32
      %dma_start3A_36 = tpu.memref_slice %arg9[%dma_start3A_34, %dma_start3A_35] : memref<128x128xf32, #tpu.memory_space<vmem>> -> memref<120x128xf32, #tpu.memory_space<vmem>>
      tpu.enqueue_dma source(%dma_start3A_36 : memref<120x128xf32, #tpu.memory_space<vmem>>) target(%dma_start3A_33 : memref<120x128xf32, #tpu.memory_space<vmem_shared>>) target_semaphore(%run_scoped3A : memref<!tpu.dma_semaphore, #tpu.memory_space<semaphore_mem>>)
      %dma_wait3A = arith.constant 0 : i32
      %dma_wait3A_37 = arith.constant 0 : i32
      %dma_wait3A_38 = tpu.memref_slice %arg9[%dma_wait3A, %dma_wait3A_37] : memref<128x128xf32, #tpu.memory_space<vmem>> -> memref<120x128xf32, #tpu.memory_space<vmem>>
      %dma_wait3A_39 = arith.constant 0 : i32
      %dma_wait3A_40 = tpu.memref_slice %arg11[%sub3A_18, %dma_wait3A_39] : memref<10112x128xf32, #tpu.memory_space<vmem_shared>> -> memref<120x128xf32, #tpu.memory_space<vmem_shared>>
      %dma_wait3A_41 = arith.constant 0 : i32
      %dma_wait3A_42 = tpu.memref_slice %arg11[%sub3A_18, %dma_wait3A_41] : memref<10112x128xf32, #tpu.memory_space<vmem_shared>> -> memref<120x128xf32, #tpu.memory_space<vmem_shared>>
      %dma_wait3A_43 = arith.constant 0 : i32
      %dma_wait3A_44 = arith.constant 0 : i32
      %dma_wait3A_45 = tpu.memref_slice %arg9[%dma_wait3A_43, %dma_wait3A_44] : memref<128x128xf32, #tpu.memory_space<vmem>> -> memref<120x128xf32, #tpu.memory_space<vmem>>
      tpu.wait_dma2 semaphore(%run_scoped3A : memref<!tpu.dma_semaphore, #tpu.memory_space<semaphore_mem>>) src(%dma_wait3A_45 : memref<120x128xf32, #tpu.memory_space<vmem>>) dst(%dma_wait3A_42 : memref<120x128xf32, #tpu.memory_space<vmem_shared>>)
      tpu.yield
    }) : () -> ()
    %barrier3A = arith.constant 0 : index
    tpu.barrier barrier_id(%barrier3A)
    %mul3A_19 = arith.constant 80 : i32
    %mul3A_20 = arith.muli %add3A, %mul3A_19 : i32
    %scan3A_21 = arith.constant 0 : i32
    %scan3A_22 = arith.constant 0 : i32
    %scan3A_23 = arith.constant 80 : i32
    %scan3A_24 = arith.addi %scan3A_22, %scan3A_23 : i32
    %scan3A_25 = arith.constant 1 : i32
    scf.for %scan3A_28 = %scan3A_22 to %scan3A_24 step %scan3A_25  : i32 {
      %add3A_29 = arith.addi %mul3A_20, %scan3A_28 : i32
      "tpu.region"() ({
        %run_scoped3A = tpu.sem_alloc : memref<!tpu.dma_semaphore, #tpu.memory_space<semaphore_mem>>
        %dma_start3A_47 = arith.constant 0 : i32
        %dma_start3A_48 = tpu.memref_slice %arg4[%add3A_29, %dma_start3A_47] : memref<2560x128xi32, #tpu.memory_space<hbm>> -> memref<1x128xi32, #tpu.memory_space<hbm>>
        %dma_start3A_49 = tpu.memref_squeeze %dma_start3A_48 : memref<1x128xi32, #tpu.memory_space<hbm>> -> memref<128xi32, #tpu.memory_space<hbm>>
        %dma_start3A_50 = arith.constant 0 : i32
        %dma_start3A_51 = tpu.memref_slice %arg4[%add3A_29, %dma_start3A_50] : memref<2560x128xi32, #tpu.memory_space<hbm>> -> memref<1x128xi32, #tpu.memory_space<hbm>>
        %dma_start3A_52 = tpu.memref_squeeze %dma_start3A_51 : memref<1x128xi32, #tpu.memory_space<hbm>> -> memref<128xi32, #tpu.memory_space<hbm>>
        tpu.enqueue_dma source(%dma_start3A_52 : memref<128xi32, #tpu.memory_space<hbm>>) target(%arg7 : memref<128xi32, #tpu.memory_space<vmem>>) target_semaphore(%run_scoped3A : memref<!tpu.dma_semaphore, #tpu.memory_space<semaphore_mem>>)
        %dma_wait3A_53 = arith.constant 0 : i32
        %dma_wait3A_54 = tpu.memref_slice %arg4[%add3A_29, %dma_wait3A_53] : memref<2560x128xi32, #tpu.memory_space<hbm>> -> memref<1x128xi32, #tpu.memory_space<hbm>>
        %dma_wait3A_55 = tpu.memref_squeeze %dma_wait3A_54 : memref<1x128xi32, #tpu.memory_space<hbm>> -> memref<128xi32, #tpu.memory_space<hbm>>
        %dma_wait3A_56 = arith.constant 0 : i32
        %dma_wait3A_57 = tpu.memref_slice %arg4[%add3A_29, %dma_wait3A_56] : memref<2560x128xi32, #tpu.memory_space<hbm>> -> memref<1x128xi32, #tpu.memory_space<hbm>>
        %dma_wait3A_58 = tpu.memref_squeeze %dma_wait3A_57 : memref<1x128xi32, #tpu.memory_space<hbm>> -> memref<128xi32, #tpu.memory_space<hbm>>
        tpu.wait_dma2 semaphore(%run_scoped3A : memref<!tpu.dma_semaphore, #tpu.memory_space<semaphore_mem>>) src(%dma_wait3A_58 : memref<128xi32, #tpu.memory_space<hbm>>) dst(%arg7 : memref<128xi32, #tpu.memory_space<vmem>>)
        tpu.yield
      }) : () -> ()
      %add3A_30 = arith.addi %mul3A_20, %scan3A_28 : i32
      "tpu.region"() ({
        %run_scoped3A = tpu.sem_alloc : memref<!tpu.dma_semaphore, #tpu.memory_space<semaphore_mem>>
        %dma_start3A_47 = arith.constant 0 : i32
        %dma_start3A_48 = tpu.memref_slice %arg5[%add3A_30, %dma_start3A_47] : memref<2560x128xi32, #tpu.memory_space<hbm>> -> memref<1x128xi32, #tpu.memory_space<hbm>>
        %dma_start3A_49 = tpu.memref_squeeze %dma_start3A_48 : memref<1x128xi32, #tpu.memory_space<hbm>> -> memref<128xi32, #tpu.memory_space<hbm>>
        %dma_start3A_50 = arith.constant 0 : i32
        %dma_start3A_51 = tpu.memref_slice %arg5[%add3A_30, %dma_start3A_50] : memref<2560x128xi32, #tpu.memory_space<hbm>> -> memref<1x128xi32, #tpu.memory_space<hbm>>
        %dma_start3A_52 = tpu.memref_squeeze %dma_start3A_51 : memref<1x128xi32, #tpu.memory_space<hbm>> -> memref<128xi32, #tpu.memory_space<hbm>>
        tpu.enqueue_dma source(%dma_start3A_52 : memref<128xi32, #tpu.memory_space<hbm>>) target(%arg8 : memref<128xi32, #tpu.memory_space<vmem>>) target_semaphore(%run_scoped3A : memref<!tpu.dma_semaphore, #tpu.memory_space<semaphore_mem>>)
        %dma_wait3A_53 = arith.constant 0 : i32
        %dma_wait3A_54 = tpu.memref_slice %arg5[%add3A_30, %dma_wait3A_53] : memref<2560x128xi32, #tpu.memory_space<hbm>> -> memref<1x128xi32, #tpu.memory_space<hbm>>
        %dma_wait3A_55 = tpu.memref_squeeze %dma_wait3A_54 : memref<1x128xi32, #tpu.memory_space<hbm>> -> memref<128xi32, #tpu.memory_space<hbm>>
        %dma_wait3A_56 = arith.constant 0 : i32
        %dma_wait3A_57 = tpu.memref_slice %arg5[%add3A_30, %dma_wait3A_56] : memref<2560x128xi32, #tpu.memory_space<hbm>> -> memref<1x128xi32, #tpu.memory_space<hbm>>
        %dma_wait3A_58 = tpu.memref_squeeze %dma_wait3A_57 : memref<1x128xi32, #tpu.memory_space<hbm>> -> memref<128xi32, #tpu.memory_space<hbm>>
        tpu.wait_dma2 semaphore(%run_scoped3A : memref<!tpu.dma_semaphore, #tpu.memory_space<semaphore_mem>>) src(%dma_wait3A_58 : memref<128xi32, #tpu.memory_space<hbm>>) dst(%arg8 : memref<128xi32, #tpu.memory_space<vmem>>)
        tpu.yield
      }) : () -> ()
      %dma_start3A = arith.constant 0 : i32
      %dma_start3A_31 = arith.constant 0 : i32
      %dma_start3A_32 = tpu.memref_slice %arg2[%dma_start3A, %dma_start3A_31] : memref<10240x128xf32, #tpu.memory_space<hbm>> -> memref<10240x128xf32, #tpu.memory_space<hbm>>
      tpu.enqueue_indirect_dma source(%dma_start3A_32 : memref<10240x128xf32, #tpu.memory_space<hbm>>) target(%arg9 : memref<128x128xf32, #tpu.memory_space<vmem>>) offsets(%arg7 : memref<128xi32, #tpu.memory_space<vmem>>) semaphore(%arg12 : memref<!tpu.dma_semaphore, #tpu.memory_space<semaphore_mem>>)
      %dma_start3A_33 = arith.constant 0 : i32
      %dma_start3A_34 = arith.constant 0 : i32
      %dma_start3A_35 = tpu.memref_slice %arg3[%dma_start3A_33, %dma_start3A_34] : memref<10240x128xf32, #tpu.memory_space<hbm>> -> memref<10240x128xf32, #tpu.memory_space<hbm>>
      tpu.enqueue_indirect_dma source(%dma_start3A_35 : memref<10240x128xf32, #tpu.memory_space<hbm>>) target(%arg10 : memref<128x128xf32, #tpu.memory_space<vmem>>) offsets(%arg8 : memref<128xi32, #tpu.memory_space<vmem>>) semaphore(%arg13 : memref<!tpu.dma_semaphore, #tpu.memory_space<semaphore_mem>>)
      %dma_wait3A = arith.constant 0 : i32
      %dma_wait3A_36 = arith.constant 0 : i32
      %dma_wait3A_37 = tpu.memref_slice %arg2[%dma_wait3A, %dma_wait3A_36] : memref<10240x128xf32, #tpu.memory_space<hbm>> -> memref<10240x128xf32, #tpu.memory_space<hbm>>
      tpu.wait_indirect_dma semaphore(%arg12 : memref<!tpu.dma_semaphore, #tpu.memory_space<semaphore_mem>>) src(%dma_wait3A_37 : memref<10240x128xf32, #tpu.memory_space<hbm>>) dst(%arg9 : memref<128x128xf32, #tpu.memory_space<vmem>>)
      %dma_wait3A_38 = arith.constant 0 : i32
      %dma_wait3A_39 = arith.constant 0 : i32
      %dma_wait3A_40 = tpu.memref_slice %arg3[%dma_wait3A_38, %dma_wait3A_39] : memref<10240x128xf32, #tpu.memory_space<hbm>> -> memref<10240x128xf32, #tpu.memory_space<hbm>>
      tpu.wait_indirect_dma semaphore(%arg13 : memref<!tpu.dma_semaphore, #tpu.memory_space<semaphore_mem>>) src(%dma_wait3A_40 : memref<10240x128xf32, #tpu.memory_space<hbm>>) dst(%arg10 : memref<128x128xf32, #tpu.memory_space<vmem>>)
      %scan3A_41 = arith.constant 0 : i32
      %scan3A_42 = arith.constant 0 : i32
      %scan3A_43 = arith.constant 128 : i32
      %scan3A_44 = arith.addi %scan3A_42, %scan3A_43 : i32
      %scan3A_45 = arith.constant 1 : i32
      scf.for %scan3A_47 = %scan3A_42 to %scan3A_44 step %scan3A_45  : i32 {
        %get3A = arith.index_cast %scan3A_47 : i32 to index
        %get3A_48 = arith.constant 0 : index
        %get3A_49 = tpu.vector_load %arg9[%get3A, %get3A_48] {strides = array<i32>} : memref<128x128xf32, #tpu.memory_space<vmem>>, vector<1x16xf32>,
        %get3A_50 = vector.shape_cast %get3A_49 : vector<1x16xf32> to vector<16xf32>
        %get3A_51 = arith.index_cast %scan3A_47 : i32 to index
        %get3A_52 = arith.constant 0 : index
        %get3A_53 = tpu.vector_load %arg10[%get3A_51, %get3A_52] {strides = array<i32>} : memref<128x128xf32, #tpu.memory_space<vmem>>, vector<1x16xf32>,
        %get3A_54 = vector.shape_cast %get3A_53 : vector<1x16xf32> to vector<16xf32>
        %add3A_55 = arith.addf %get3A_50, %get3A_54 : vector<16xf32>
        %max3A = arith.constant 0.000000e+00 : f32
        %max3A_56 = vector.broadcast %max3A : f32 to vector<16xf32>
        %max3A_57 = arith.maximumf %add3A_55, %max3A_56 : vector<16xf32>
        %mul3A_58 = arith.constant 6.553700e+04 : f32
        %mul3A_59 = vector.broadcast %mul3A_58 : f32 to vector<16xf32>
        %mul3A_60 = arith.mulf %max3A_57, %mul3A_59 : vector<16xf32>
        %sub3A_61 = arith.subf %mul3A_60, %max3A_57 : vector<16xf32>
        %sub3A_62 = arith.subf %mul3A_60, %sub3A_61 : vector<16xf32>
        %swap3A = arith.index_cast %scan3A_47 : i32 to index
        %swap3A_63 = arith.constant 0 : index
        %swap3A_64 = tpu.vector_load %arg9[%swap3A, %swap3A_63] {strides = array<i32>} : memref<128x128xf32, #tpu.memory_space<vmem>>, vector<1x16xf32>,
        %swap3A_65 = vector.shape_cast %swap3A_64 : vector<1x16xf32> to vector<16xf32>
        %swap3A_66 = vector.shape_cast %sub3A_62 : vector<16xf32> to vector<1x16xf32>
        tpu.vector_store %arg9[%swap3A, %swap3A_63], %swap3A_66 {strides = array<i32>} : memref<128x128xf32, #tpu.memory_space<vmem>>, vector<1x16xf32>,
        %get3A_67 = arith.index_cast %scan3A_47 : i32 to index
        %get3A_68 = arith.constant 16 : index
        %get3A_69 = tpu.vector_load %arg9[%get3A_67, %get3A_68] {strides = array<i32>} : memref<128x128xf32, #tpu.memory_space<vmem>>, vector<1x16xf32>,
        %get3A_70 = vector.shape_cast %get3A_69 : vector<1x16xf32> to vector<16xf32>
        %get3A_71 = arith.index_cast %scan3A_47 : i32 to index
        %get3A_72 = arith.constant 16 : index
        %get3A_73 = tpu.vector_load %arg10[%get3A_71, %get3A_72] {strides = array<i32>} : memref<128x128xf32, #tpu.memory_space<vmem>>, vector<1x16xf32>,
        %get3A_74 = vector.shape_cast %get3A_73 : vector<1x16xf32> to vector<16xf32>
        %add3A_75 = arith.addf %get3A_70, %get3A_74 : vector<16xf32>
        %max3A_76 = arith.constant 0.000000e+00 : f32
        %max3A_77 = vector.broadcast %max3A_76 : f32 to vector<16xf32>
        %max3A_78 = arith.maximumf %add3A_75, %max3A_77 : vector<16xf32>
        %mul3A_79 = arith.constant 6.553700e+04 : f32
        %mul3A_80 = vector.broadcast %mul3A_79 : f32 to vector<16xf32>
        %mul3A_81 = arith.mulf %max3A_78, %mul3A_80 : vector<16xf32>
        %sub3A_82 = arith.subf %mul3A_81, %max3A_78 : vector<16xf32>
        %sub3A_83 = arith.subf %mul3A_81, %sub3A_82 : vector<16xf32>
        %swap3A_84 = arith.index_cast %scan3A_47 : i32 to index
        %swap3A_85 = arith.constant 16 : index
        %swap3A_86 = tpu.vector_load %arg9[%swap3A_84, %swap3A_85] {strides = array<i32>} : memref<128x128xf32, #tpu.memory_space<vmem>>, vector<1x16xf32>,
        %swap3A_87 = vector.shape_cast %swap3A_86 : vector<1x16xf32> to vector<16xf32>
        %swap3A_88 = vector.shape_cast %sub3A_83 : vector<16xf32> to vector<1x16xf32>
        tpu.vector_store %arg9[%swap3A_84, %swap3A_85], %swap3A_88 {strides = array<i32>} : memref<128x128xf32, #tpu.memory_space<vmem>>, vector<1x16xf32>,
        %get3A_89 = arith.index_cast %scan3A_47 : i32 to index
        %get3A_90 = arith.constant 32 : index
        %get3A_91 = tpu.vector_load %arg9[%get3A_89, %get3A_90] {strides = array<i32>} : memref<128x128xf32, #tpu.memory_space<vmem>>, vector<1x16xf32>,
        %get3A_92 = vector.shape_cast %get3A_91 : vector<1x16xf32> to vector<16xf32>
        %get3A_93 = arith.index_cast %scan3A_47 : i32 to index
        %get3A_94 = arith.constant 32 : index
        %get3A_95 = tpu.vector_load %arg10[%get3A_93, %get3A_94] {strides = array<i32>} : memref<128x128xf32, #tpu.memory_space<vmem>>, vector<1x16xf32>,
        %get3A_96 = vector.shape_cast %get3A_95 : vector<1x16xf32> to vector<16xf32>
        %add3A_97 = arith.addf %get3A_92, %get3A_96 : vector<16xf32>
        %max3A_98 = arith.constant 0.000000e+00 : f32
        %max3A_99 = vector.broadcast %max3A_98 : f32 to vector<16xf32>
        %max3A_100 = arith.maximumf %add3A_97, %max3A_99 : vector<16xf32>
        %mul3A_101 = arith.constant 6.553700e+04 : f32
        %mul3A_102 = vector.broadcast %mul3A_101 : f32 to vector<16xf32>
        %mul3A_103 = arith.mulf %max3A_100, %mul3A_102 : vector<16xf32>
        %sub3A_104 = arith.subf %mul3A_103, %max3A_100 : vector<16xf32>
        %sub3A_105 = arith.subf %mul3A_103, %sub3A_104 : vector<16xf32>
        %swap3A_106 = arith.index_cast %scan3A_47 : i32 to index
        %swap3A_107 = arith.constant 32 : index
        %swap3A_108 = tpu.vector_load %arg9[%swap3A_106, %swap3A_107] {strides = array<i32>} : memref<128x128xf32, #tpu.memory_space<vmem>>, vector<1x16xf32>,
        %swap3A_109 = vector.shape_cast %swap3A_108 : vector<1x16xf32> to vector<16xf32>
        %swap3A_110 = vector.shape_cast %sub3A_105 : vector<16xf32> to vector<1x16xf32>
        tpu.vector_store %arg9[%swap3A_106, %swap3A_107], %swap3A_110 {strides = array<i32>} : memref<128x128xf32, #tpu.memory_space<vmem>>, vector<1x16xf32>,
        %get3A_111 = arith.index_cast %scan3A_47 : i32 to index
        %get3A_112 = arith.constant 48 : index
        %get3A_113 = tpu.vector_load %arg9[%get3A_111, %get3A_112] {strides = array<i32>} : memref<128x128xf32, #tpu.memory_space<vmem>>, vector<1x16xf32>,
        %get3A_114 = vector.shape_cast %get3A_113 : vector<1x16xf32> to vector<16xf32>
        %get3A_115 = arith.index_cast %scan3A_47 : i32 to index
        %get3A_116 = arith.constant 48 : index
        %get3A_117 = tpu.vector_load %arg10[%get3A_115, %get3A_116] {strides = array<i32>} : memref<128x128xf32, #tpu.memory_space<vmem>>, vector<1x16xf32>,
        %get3A_118 = vector.shape_cast %get3A_117 : vector<1x16xf32> to vector<16xf32>
        %add3A_119 = arith.addf %get3A_114, %get3A_118 : vector<16xf32>
        %max3A_120 = arith.constant 0.000000e+00 : f32
        %max3A_121 = vector.broadcast %max3A_120 : f32 to vector<16xf32>
        %max3A_122 = arith.maximumf %add3A_119, %max3A_121 : vector<16xf32>
        %mul3A_123 = arith.constant 6.553700e+04 : f32
        %mul3A_124 = vector.broadcast %mul3A_123 : f32 to vector<16xf32>
        %mul3A_125 = arith.mulf %max3A_122, %mul3A_124 : vector<16xf32>
        %sub3A_126 = arith.subf %mul3A_125, %max3A_122 : vector<16xf32>
        %sub3A_127 = arith.subf %mul3A_125, %sub3A_126 : vector<16xf32>
        %swap3A_128 = arith.index_cast %scan3A_47 : i32 to index
        %swap3A_129 = arith.constant 48 : index
        %swap3A_130 = tpu.vector_load %arg9[%swap3A_128, %swap3A_129] {strides = array<i32>} : memref<128x128xf32, #tpu.memory_space<vmem>>, vector<1x16xf32>,
        %swap3A_131 = vector.shape_cast %swap3A_130 : vector<1x16xf32> to vector<16xf32>
        %swap3A_132 = vector.shape_cast %sub3A_127 : vector<16xf32> to vector<1x16xf32>
        tpu.vector_store %arg9[%swap3A_128, %swap3A_129], %swap3A_132 {strides = array<i32>} : memref<128x128xf32, #tpu.memory_space<vmem>>, vector<1x16xf32>,
        %get3A_133 = arith.index_cast %scan3A_47 : i32 to index
        %get3A_134 = arith.constant 64 : index
        %get3A_135 = tpu.vector_load %arg9[%get3A_133, %get3A_134] {strides = array<i32>} : memref<128x128xf32, #tpu.memory_space<vmem>>, vector<1x16xf32>,
        %get3A_136 = vector.shape_cast %get3A_135 : vector<1x16xf32> to vector<16xf32>
        %get3A_137 = arith.index_cast %scan3A_47 : i32 to index
        %get3A_138 = arith.constant 64 : index
        %get3A_139 = tpu.vector_load %arg10[%get3A_137, %get3A_138] {strides = array<i32>} : memref<128x128xf32, #tpu.memory_space<vmem>>, vector<1x16xf32>,
        %get3A_140 = vector.shape_cast %get3A_139 : vector<1x16xf32> to vector<16xf32>
        %add3A_141 = arith.addf %get3A_136, %get3A_140 : vector<16xf32>
        %max3A_142 = arith.constant 0.000000e+00 : f32
        %max3A_143 = vector.broadcast %max3A_142 : f32 to vector<16xf32>
        %max3A_144 = arith.maximumf %add3A_141, %max3A_143 : vector<16xf32>
        %mul3A_145 = arith.constant 6.553700e+04 : f32
        %mul3A_146 = vector.broadcast %mul3A_145 : f32 to vector<16xf32>
        %mul3A_147 = arith.mulf %max3A_144, %mul3A_146 : vector<16xf32>
        %sub3A_148 = arith.subf %mul3A_147, %max3A_144 : vector<16xf32>
        %sub3A_149 = arith.subf %mul3A_147, %sub3A_148 : vector<16xf32>
        %swap3A_150 = arith.index_cast %scan3A_47 : i32 to index
        %swap3A_151 = arith.constant 64 : index
        %swap3A_152 = tpu.vector_load %arg9[%swap3A_150, %swap3A_151] {strides = array<i32>} : memref<128x128xf32, #tpu.memory_space<vmem>>, vector<1x16xf32>,
        %swap3A_153 = vector.shape_cast %swap3A_152 : vector<1x16xf32> to vector<16xf32>
        %swap3A_154 = vector.shape_cast %sub3A_149 : vector<16xf32> to vector<1x16xf32>
        tpu.vector_store %arg9[%swap3A_150, %swap3A_151], %swap3A_154 {strides = array<i32>} : memref<128x128xf32, #tpu.memory_space<vmem>>, vector<1x16xf32>,
        %get3A_155 = arith.index_cast %scan3A_47 : i32 to index
        %get3A_156 = arith.constant 80 : index
        %get3A_157 = tpu.vector_load %arg9[%get3A_155, %get3A_156] {strides = array<i32>} : memref<128x128xf32, #tpu.memory_space<vmem>>, vector<1x16xf32>,
        %get3A_158 = vector.shape_cast %get3A_157 : vector<1x16xf32> to vector<16xf32>
        %get3A_159 = arith.index_cast %scan3A_47 : i32 to index
        %get3A_160 = arith.constant 80 : index
        %get3A_161 = tpu.vector_load %arg10[%get3A_159, %get3A_160] {strides = array<i32>} : memref<128x128xf32, #tpu.memory_space<vmem>>, vector<1x16xf32>,
        %get3A_162 = vector.shape_cast %get3A_161 : vector<1x16xf32> to vector<16xf32>
        %add3A_163 = arith.addf %get3A_158, %get3A_162 : vector<16xf32>
        %max3A_164 = arith.constant 0.000000e+00 : f32
        %max3A_165 = vector.broadcast %max3A_164 : f32 to vector<16xf32>
        %max3A_166 = arith.maximumf %add3A_163, %max3A_165 : vector<16xf32>
        %mul3A_167 = arith.constant 6.553700e+04 : f32
        %mul3A_168 = vector.broadcast %mul3A_167 : f32 to vector<16xf32>
        %mul3A_169 = arith.mulf %max3A_166, %mul3A_168 : vector<16xf32>
        %sub3A_170 = arith.subf %mul3A_169, %max3A_166 : vector<16xf32>
        %sub3A_171 = arith.subf %mul3A_169, %sub3A_170 : vector<16xf32>
        %swap3A_172 = arith.index_cast %scan3A_47 : i32 to index
        %swap3A_173 = arith.constant 80 : index
        %swap3A_174 = tpu.vector_load %arg9[%swap3A_172, %swap3A_173] {strides = array<i32>} : memref<128x128xf32, #tpu.memory_space<vmem>>, vector<1x16xf32>,
        %swap3A_175 = vector.shape_cast %swap3A_174 : vector<1x16xf32> to vector<16xf32>
        %swap3A_176 = vector.shape_cast %sub3A_171 : vector<16xf32> to vector<1x16xf32>
        tpu.vector_store %arg9[%swap3A_172, %swap3A_173], %swap3A_176 {strides = array<i32>} : memref<128x128xf32, #tpu.memory_space<vmem>>, vector<1x16xf32>,
        %get3A_177 = arith.index_cast %scan3A_47 : i32 to index
        %get3A_178 = arith.constant 96 : index
        %get3A_179 = tpu.vector_load %arg9[%get3A_177, %get3A_178] {strides = array<i32>} : memref<128x128xf32, #tpu.memory_space<vmem>>, vector<1x16xf32>,
        %get3A_180 = vector.shape_cast %get3A_179 : vector<1x16xf32> to vector<16xf32>
        %get3A_181 = arith.index_cast %scan3A_47 : i32 to index
        %get3A_182 = arith.constant 96 : index
        %get3A_183 = tpu.vector_load %arg10[%get3A_181, %get3A_182] {strides = array<i32>} : memref<128x128xf32, #tpu.memory_space<vmem>>, vector<1x16xf32>,
        %get3A_184 = vector.shape_cast %get3A_183 : vector<1x16xf32> to vector<16xf32>
        %add3A_185 = arith.addf %get3A_180, %get3A_184 : vector<16xf32>
        %max3A_186 = arith.constant 0.000000e+00 : f32
        %max3A_187 = vector.broadcast %max3A_186 : f32 to vector<16xf32>
        %max3A_188 = arith.maximumf %add3A_185, %max3A_187 : vector<16xf32>
        %mul3A_189 = arith.constant 6.553700e+04 : f32
        %mul3A_190 = vector.broadcast %mul3A_189 : f32 to vector<16xf32>
        %mul3A_191 = arith.mulf %max3A_188, %mul3A_190 : vector<16xf32>
        %sub3A_192 = arith.subf %mul3A_191, %max3A_188 : vector<16xf32>
        %sub3A_193 = arith.subf %mul3A_191, %sub3A_192 : vector<16xf32>
        %swap3A_194 = arith.index_cast %scan3A_47 : i32 to index
        %swap3A_195 = arith.constant 96 : index
        %swap3A_196 = tpu.vector_load %arg9[%swap3A_194, %swap3A_195] {strides = array<i32>} : memref<128x128xf32, #tpu.memory_space<vmem>>, vector<1x16xf32>,
        %swap3A_197 = vector.shape_cast %swap3A_196 : vector<1x16xf32> to vector<16xf32>
        %swap3A_198 = vector.shape_cast %sub3A_193 : vector<16xf32> to vector<1x16xf32>
        tpu.vector_store %arg9[%swap3A_194, %swap3A_195], %swap3A_198 {strides = array<i32>} : memref<128x128xf32, #tpu.memory_space<vmem>>, vector<1x16xf32>,
        %get3A_199 = arith.index_cast %scan3A_47 : i32 to index
        %get3A_200 = arith.constant 112 : index
        %get3A_201 = tpu.vector_load %arg9[%get3A_199, %get3A_200] {strides = array<i32>} : memref<128x128xf32, #tpu.memory_space<vmem>>, vector<1x16xf32>,
        %get3A_202 = vector.shape_cast %get3A_201 : vector<1x16xf32> to vector<16xf32>
        %get3A_203 = arith.index_cast %scan3A_47 : i32 to index
        %get3A_204 = arith.constant 112 : index
        %get3A_205 = tpu.vector_load %arg10[%get3A_203, %get3A_204] {strides = array<i32>} : memref<128x128xf32, #tpu.memory_space<vmem>>, vector<1x16xf32>,
        %get3A_206 = vector.shape_cast %get3A_205 : vector<1x16xf32> to vector<16xf32>
        %add3A_207 = arith.addf %get3A_202, %get3A_206 : vector<16xf32>
        %max3A_208 = arith.constant 0.000000e+00 : f32
        %max3A_209 = vector.broadcast %max3A_208 : f32 to vector<16xf32>
        %max3A_210 = arith.maximumf %add3A_207, %max3A_209 : vector<16xf32>
        %mul3A_211 = arith.constant 6.553700e+04 : f32
        %mul3A_212 = vector.broadcast %mul3A_211 : f32 to vector<16xf32>
        %mul3A_213 = arith.mulf %max3A_210, %mul3A_212 : vector<16xf32>
        %sub3A_214 = arith.subf %mul3A_213, %max3A_210 : vector<16xf32>
        %sub3A_215 = arith.subf %mul3A_213, %sub3A_214 : vector<16xf32>
        %swap3A_216 = arith.index_cast %scan3A_47 : i32 to index
        %swap3A_217 = arith.constant 112 : index
        %swap3A_218 = tpu.vector_load %arg9[%swap3A_216, %swap3A_217] {strides = array<i32>} : memref<128x128xf32, #tpu.memory_space<vmem>>, vector<1x16xf32>,
        %swap3A_219 = vector.shape_cast %swap3A_218 : vector<1x16xf32> to vector<16xf32>
        %swap3A_220 = vector.shape_cast %sub3A_215 : vector<16xf32> to vector<1x16xf32>
        tpu.vector_store %arg9[%swap3A_216, %swap3A_217], %swap3A_220 {strides = array<i32>} : memref<128x128xf32, #tpu.memory_space<vmem>>, vector<1x16xf32>,
      }
      %scan3A_46 = arith.constant 128 : i32
      "tpu.region"() ({
        %run_scoped3A = tpu.sem_alloc : memref<!tpu.dma_semaphore, #tpu.memory_space<semaphore_mem>>
        %dma_start3A_47 = arith.constant 0 : i32
        %dma_start3A_48 = arith.constant 0 : i32
        %dma_start3A_49 = tpu.memref_slice %arg11[%dma_start3A_47, %dma_start3A_48] : memref<10112x128xf32, #tpu.memory_space<vmem_shared>> -> memref<10112x128xf32, #tpu.memory_space<vmem_shared>>
        tpu.enqueue_indirect_dma source(%arg9 : memref<128x128xf32, #tpu.memory_space<vmem>>) target(%dma_start3A_49 : memref<10112x128xf32, #tpu.memory_space<vmem_shared>>) offsets(%arg7 : memref<128xi32, #tpu.memory_space<vmem>>) semaphore(%run_scoped3A : memref<!tpu.dma_semaphore, #tpu.memory_space<semaphore_mem>>) {add = true}
        %dma_wait3A_50 = arith.constant 0 : i32
        %dma_wait3A_51 = arith.constant 0 : i32
        %dma_wait3A_52 = tpu.memref_slice %arg11[%dma_wait3A_50, %dma_wait3A_51] : memref<10112x128xf32, #tpu.memory_space<vmem_shared>> -> memref<10112x128xf32, #tpu.memory_space<vmem_shared>>
        tpu.wait_indirect_dma semaphore(%run_scoped3A : memref<!tpu.dma_semaphore, #tpu.memory_space<semaphore_mem>>) src(%arg9 : memref<128x128xf32, #tpu.memory_space<vmem>>) dst(%dma_wait3A_52 : memref<10112x128xf32, #tpu.memory_space<vmem_shared>>)
        tpu.yield
      }) : () -> ()
    }
    %scan3A_26 = arith.constant 80 : i32
    %barrier3A_27 = arith.constant 0 : index
    tpu.barrier barrier_id(%barrier3A_27)
    "tpu.region"() ({
      %run_scoped3A = tpu.sem_alloc : memref<!tpu.dma_semaphore, #tpu.memory_space<semaphore_mem>>
      %dma_start3A = arith.constant 0 : i32
      %dma_start3A_28 = tpu.memref_slice %arg6[%arg0, %mul3A_7, %dma_start3A] : memref<2x10112x128xf32, #tpu.memory_space<hbm>> -> memref<1x632x128xf32, #tpu.memory_space<hbm>>
      %dma_start3A_29 = tpu.memref_squeeze %dma_start3A_28 : memref<1x632x128xf32, #tpu.memory_space<hbm>> -> memref<632x128xf32, #tpu.memory_space<hbm>>
      %dma_start3A_30 = arith.constant 0 : i32
      %dma_start3A_31 = tpu.memref_slice %arg11[%mul3A_7, %dma_start3A_30] : memref<10112x128xf32, #tpu.memory_space<vmem_shared>> -> memref<632x128xf32, #tpu.memory_space<vmem_shared>>
      tpu.enqueue_dma source(%dma_start3A_31 : memref<632x128xf32, #tpu.memory_space<vmem_shared>>) target(%dma_start3A_29 : memref<632x128xf32, #tpu.memory_space<hbm>>) target_semaphore(%run_scoped3A : memref<!tpu.dma_semaphore, #tpu.memory_space<semaphore_mem>>)
      %dma_wait3A = arith.constant 0 : i32
      %dma_wait3A_32 = tpu.memref_slice %arg6[%arg0, %mul3A_7, %dma_wait3A] : memref<2x10112x128xf32, #tpu.memory_space<hbm>> -> memref<1x632x128xf32, #tpu.memory_space<hbm>>
      %dma_wait3A_33 = tpu.memref_squeeze %dma_wait3A_32 : memref<1x632x128xf32, #tpu.memory_space<hbm>> -> memref<632x128xf32, #tpu.memory_space<hbm>>
      %dma_wait3A_34 = arith.constant 0 : i32
      %dma_wait3A_35 = tpu.memref_slice %arg11[%mul3A_7, %dma_wait3A_34] : memref<10112x128xf32, #tpu.memory_space<vmem_shared>> -> memref<632x128xf32, #tpu.memory_space<vmem_shared>>
      tpu.wait_dma2 semaphore(%run_scoped3A : memref<!tpu.dma_semaphore, #tpu.memory_space<semaphore_mem>>) src(%dma_wait3A_35 : memref<632x128xf32, #tpu.memory_space<vmem_shared>>) dst(%dma_wait3A_33 : memref<632x128xf32, #tpu.memory_space<hbm>>)
      tpu.yield
    }) : () -> ()
    return
  }
}

module attributes {stable_mosaic.version = 14 : i64} {
  func.func @_k1_body(%arg0: i32, %arg1: i32, %arg2: memref<1024x3xf32, #tpu.memory_space<vmem>>, %arg3: memref<1024x4xf32, #tpu.memory_space<vmem>>, %arg4: memref<3x512xf32, #tpu.memory_space<vmem>>, %arg5: memref<4x128xf32, #tpu.memory_space<vmem>>, %arg6: memref<1x128xf32, #tpu.memory_space<vmem>>, %arg7: memref<128x128xf32, #tpu.memory_space<vmem>>, %arg8: memref<1x128xf32, #tpu.memory_space<vmem>>, %arg9: memref<128x128xf32, #tpu.memory_space<vmem>>, %arg10: memref<1x128xf32, #tpu.memory_space<vmem>>, %arg11: memref<128x128xf32, #tpu.memory_space<vmem>>, %arg12: memref<512x128xf32, #tpu.memory_space<vmem>>, %arg13: memref<512x128xf32, #tpu.memory_space<vmem>>, %arg14: memref<512x128xf32, #tpu.memory_space<vmem>>, %arg15: memref<1024x128xf32, #tpu.memory_space<vmem>>, %arg16: memref<1024x1xf32, #tpu.memory_space<vmem>>, %arg17: memref<1024x1xf32, #tpu.memory_space<vmem>>) attributes {dimension_semantics = [#tpu.dimension_semantics<arbitrary>, #tpu.dimension_semantics<arbitrary>], iteration_bounds = array<i64: 2, 20>, scalar_prefetch = 0 : i64, scratch_operands = 3 : i64, tpu.core_type = #tpu.core_type<tc>, window_params = [{pipeline_mode = #tpu.pipeline_mode<synchronous>, transform_indices = @transform_0, window_bounds = array<i64: 1024, 3>}, {pipeline_mode = #tpu.pipeline_mode<synchronous>, transform_indices = @transform_1, window_bounds = array<i64: 1024, 4>}, {transform_indices = @transform_2, window_bounds = array<i64: 3, 512>}, {pipeline_mode = #tpu.pipeline_mode<synchronous>, transform_indices = @transform_3, window_bounds = array<i64: 4, 128>}, {pipeline_mode = #tpu.pipeline_mode<synchronous>, transform_indices = @transform_4, window_bounds = array<i64: 1, 128>}, {pipeline_mode = #tpu.pipeline_mode<synchronous>, transform_indices = @transform_5, window_bounds = array<i64: 128, 128>}, {pipeline_mode = #tpu.pipeline_mode<synchronous>, transform_indices = @transform_6, window_bounds = array<i64: 1, 128>}, {pipeline_mode = #tpu.pipeline_mode<synchronous>, transform_indices = @transform_7, window_bounds = array<i64: 128, 128>}, {pipeline_mode = #tpu.pipeline_mode<synchronous>, transform_indices = @transform_8, window_bounds = array<i64: 1, 128>}, {pipeline_mode = #tpu.pipeline_mode<synchronous>, transform_indices = @transform_9, window_bounds = array<i64: 128, 128>}, {transform_indices = @transform_10, window_bounds = array<i64: 512, 128>}, {transform_indices = @transform_11, window_bounds = array<i64: 512, 128>}, {transform_indices = @transform_12, window_bounds = array<i64: 512, 128>}]} {
    %eq3A = arith.constant 0 : i32
    %eq3A_0 = arith.cmpi eq, %arg0, %eq3A : i32
    %eq3A_1 = arith.constant 0 : i32
    %eq3A_2 = arith.cmpi eq, %arg1, %eq3A_1 : i32
    %and3A = arith.andi %eq3A_0, %eq3A_2 : i1
    %convert_element_type3A = arith.extui %and3A : i1 to i32
    %cond3A = arith.constant 0 : i32
    %cond3A_3 = arith.cmpi ne, %convert_element_type3A, %cond3A : i32
    scf.if %cond3A_3 {
      %get3A_35 = arith.constant 0 : index
      %get3A_36 = arith.constant 0 : index
      %get3A_37 = vector.load %arg3[%get3A_35, %get3A_36] : memref<1024x4xf32, #tpu.memory_space<vmem>>, vector<1024x4xf32>
      %get3A_38 = arith.constant 0 : index
      %get3A_39 = arith.constant 0 : index
      %get3A_40 = vector.load %arg5[%get3A_38, %get3A_39] : memref<4x128xf32, #tpu.memory_space<vmem>>, vector<4x128xf32>
      %convert_element_type3A_41 = arith.truncf %get3A_37 : vector<1024x4xf32> to vector<1024x4xbf16>
      %convert_element_type3A_42 = arith.truncf %get3A_40 : vector<4x128xf32> to vector<4x128xbf16>
      %dot_general3A_43 = arith.constant dense<0.000000e+00> : vector<1024x128xf32>
      %dot_general3A_44 = tpu.matmul %convert_element_type3A_41, %convert_element_type3A_42, %dot_general3A_43 {dimension_numbers = #tpu.dot_dimension_numbers<[1], [0], [0], [1], [0, 0, 1, 1], [], []>, transpose_lhs_hint = false} : vector<1024x4xbf16>, vector<4x128xbf16>, vector<1024x128xf32> -> vector<1024x128xf32>
      %get3A_45 = arith.constant 0 : index
      %get3A_46 = arith.constant 0 : index
      %get3A_47 = vector.load %arg6[%get3A_45, %get3A_46] : memref<1x128xf32, #tpu.memory_space<vmem>>, vector<1x128xf32>
      %add3A_48 = vector.broadcast %get3A_47 : vector<1x128xf32> to vector<1024x128xf32>
      %add3A_49 = arith.addf %dot_general3A_44, %add3A_48 : vector<1024x128xf32>
      %max3A = arith.constant 0.000000e+00 : f32
      %max3A_50 = vector.broadcast %max3A : f32 to vector<1024x128xf32>
      %max3A_51 = arith.maximumf %add3A_49, %max3A_50 : vector<1024x128xf32>
      %get3A_52 = arith.constant 0 : index
      %get3A_53 = arith.constant 0 : index
      %get3A_54 = vector.load %arg7[%get3A_52, %get3A_53] : memref<128x128xf32, #tpu.memory_space<vmem>>, vector<128x128xf32>
      %convert_element_type3A_55 = arith.truncf %max3A_51 : vector<1024x128xf32> to vector<1024x128xbf16>
      %convert_element_type3A_56 = arith.truncf %get3A_54 : vector<128x128xf32> to vector<128x128xbf16>
      %dot_general3A_57 = arith.constant dense<0.000000e+00> : vector<1024x128xf32>
      %dot_general3A_58 = tpu.matmul %convert_element_type3A_55, %convert_element_type3A_56, %dot_general3A_57 {dimension_numbers = #tpu.dot_dimension_numbers<[1], [0], [0], [1], [0, 0, 1, 1], [], []>, transpose_lhs_hint = false} : vector<1024x128xbf16>, vector<128x128xbf16>, vector<1024x128xf32> -> vector<1024x128xf32>
      %get3A_59 = arith.constant 0 : index
      %get3A_60 = arith.constant 0 : index
      %get3A_61 = vector.load %arg8[%get3A_59, %get3A_60] : memref<1x128xf32, #tpu.memory_space<vmem>>, vector<1x128xf32>
      %add3A_62 = vector.broadcast %get3A_61 : vector<1x128xf32> to vector<1024x128xf32>
      %add3A_63 = arith.addf %dot_general3A_58, %add3A_62 : vector<1024x128xf32>
      %swap3A = arith.constant 0 : index
      %swap3A_64 = arith.constant 0 : index
      %swap3A_65 = vector.load %arg15[%swap3A, %swap3A_64] : memref<1024x128xf32, #tpu.memory_space<vmem>>, vector<1024x128xf32>
      tpu.vector_store %arg15[%swap3A, %swap3A_64], %add3A_63 {strides = array<i32>} : memref<1024x128xf32, #tpu.memory_space<vmem>>, vector<1024x128xf32>,
      %broadcast_in_dim3A_66 = arith.constant -1.000000e+30 : f32
      %broadcast_in_dim3A_67 = vector.broadcast %broadcast_in_dim3A_66 : f32 to vector<1024x1xf32>
      %swap3A_68 = arith.constant 0 : index
      %swap3A_69 = arith.constant 0 : index
      %swap3A_70 = vector.load %arg16[%swap3A_68, %swap3A_69] : memref<1024x1xf32, #tpu.memory_space<vmem>>, vector<1024x1xf32>
      tpu.vector_store %arg16[%swap3A_68, %swap3A_69], %broadcast_in_dim3A_67 {strides = array<i32>} : memref<1024x1xf32, #tpu.memory_space<vmem>>, vector<1024x1xf32>,
      %broadcast_in_dim3A_71 = arith.constant 0.000000e+00 : f32
      %broadcast_in_dim3A_72 = vector.broadcast %broadcast_in_dim3A_71 : f32 to vector<1024x1xf32>
      %swap3A_73 = arith.constant 0 : index
      %swap3A_74 = arith.constant 0 : index
      %swap3A_75 = vector.load %arg17[%swap3A_73, %swap3A_74] : memref<1024x1xf32, #tpu.memory_space<vmem>>, vector<1024x1xf32>
      tpu.vector_store %arg17[%swap3A_73, %swap3A_74], %broadcast_in_dim3A_72 {strides = array<i32>} : memref<1024x1xf32, #tpu.memory_space<vmem>>, vector<1024x1xf32>,
    } else {
    }
    %get3A = arith.constant 0 : index
    %get3A_4 = arith.constant 0 : index
    %get3A_5 = vector.load %arg4[%get3A, %get3A_4] : memref<3x512xf32, #tpu.memory_space<vmem>>, vector<3x512xf32>
    %mul3A = arith.mulf %get3A_5, %get3A_5 : vector<3x512xf32>
    %reduce_sum3A = arith.constant dense<0.000000e+00> : vector<512xf32>
    %reduce_sum3A_6 = vector.multi_reduction <add>, %mul3A, %reduce_sum3A [0] : vector<3x512xf32> to vector<512xf32>
    %broadcast_in_dim3A = vector.shape_cast %reduce_sum3A_6 : vector<512xf32> to vector<1x512xf32>
    %get3A_7 = arith.constant 0 : index
    %get3A_8 = arith.constant 0 : index
    %get3A_9 = vector.load %arg2[%get3A_7, %get3A_8] : memref<1024x3xf32, #tpu.memory_space<vmem>>, vector<1024x3xf32>
    %convert_element_type3A_10 = arith.truncf %get3A_9 : vector<1024x3xf32> to vector<1024x3xbf16>
    %convert_element_type3A_11 = arith.truncf %get3A_5 : vector<3x512xf32> to vector<3x512xbf16>
    %dot_general3A = arith.constant dense<0.000000e+00> : vector<1024x512xf32>
    %dot_general3A_12 = tpu.matmul %convert_element_type3A_10, %convert_element_type3A_11, %dot_general3A {dimension_numbers = #tpu.dot_dimension_numbers<[1], [0], [0], [1], [0, 0, 1, 1], [], []>, transpose_lhs_hint = false} : vector<1024x3xbf16>, vector<3x512xbf16>, vector<1024x512xf32> -> vector<1024x512xf32>
    %mul3A_13 = arith.constant 2.000000e+00 : f32
    %mul3A_14 = vector.broadcast %mul3A_13 : f32 to vector<1024x512xf32>
    %mul3A_15 = arith.mulf %mul3A_14, %dot_general3A_12 : vector<1024x512xf32>
    %sub3A = vector.broadcast %broadcast_in_dim3A : vector<1x512xf32> to vector<1024x512xf32>
    %sub3A_16 = arith.subf %mul3A_15, %sub3A : vector<1024x512xf32>
    %mul3A_17 = arith.constant 512 : i32
    %mul3A_18 = arith.muli %arg1, %mul3A_17 : i32
    %iota3A = tpu.iota {dimensions = array<i32: 1>} : vector<1x512xi32>
    %add3A = vector.broadcast %mul3A_18 : i32 to vector<1x512xi32>
    %add3A_19 = arith.addi %add3A, %iota3A : vector<1x512xi32>
    %lt3A = arith.constant 10000 : i32
    %lt3A_20 = vector.broadcast %lt3A : i32 to vector<1x512xi32>
    %lt3A_21 = arith.cmpi slt, %add3A_19, %lt3A_20 : vector<1x512xi32>
    %jit3A = arith.constant -1.000000e+30 : f32
    %broadcast_in_dim3A_22 = vector.shape_cast %lt3A_21 : vector<1x512xi1> to vector<1x512xi1>
    %broadcast_in_dim3A_23 = vector.broadcast %broadcast_in_dim3A_22 : vector<1x512xi1> to vector<1024x512xi1>
    %broadcast_in_dim3A_24 = vector.broadcast %jit3A : f32 to vector<1024x512xf32>
    %select_n3A = arith.select %broadcast_in_dim3A_23, %sub3A_16, %broadcast_in_dim3A_24 : vector<1024x512xi1>, vector<1024x512xf32>
    %eq3A_25 = arith.constant 0 : i32
    %eq3A_26 = arith.cmpi eq, %arg0, %eq3A_25 : i32
    %convert_element_type3A_27 = arith.extui %eq3A_26 : i1 to i32
    %cond3A_28 = arith.constant 0 : i32
    %cond3A_29 = arith.cmpi ne, %convert_element_type3A_27, %cond3A_28 : i32
    scf.if %cond3A_29 {
      %get3A_35 = arith.constant 0 : index
      %get3A_36 = arith.constant 0 : index
      %get3A_37 = vector.load %arg16[%get3A_35, %get3A_36] : memref<1024x1xf32, #tpu.memory_space<vmem>>, vector<1024x1xf32>
      %reduce_max3A = arith.constant dense<0xFF800000> : vector<1024xf32>
      %reduce_max3A_38 = vector.multi_reduction <maximumf>, %select_n3A, %reduce_max3A [1] : vector<1024x512xf32> to vector<1024xf32>
      %broadcast_in_dim3A_39 = vector.shape_cast %reduce_max3A_38 : vector<1024xf32> to vector<1024x1xf32>
      %max3A = arith.maximumf %get3A_37, %broadcast_in_dim3A_39 : vector<1024x1xf32>
      %get3A_40 = arith.constant 0 : index
      %get3A_41 = arith.constant 0 : index
      %get3A_42 = vector.load %arg17[%get3A_40, %get3A_41] : memref<1024x1xf32, #tpu.memory_space<vmem>>, vector<1024x1xf32>
      %sub3A_43 = arith.subf %get3A_37, %max3A : vector<1024x1xf32>
      %exp3A = math.exp %sub3A_43 : vector<1024x1xf32>
      %mul3A_44 = arith.mulf %get3A_42, %exp3A : vector<1024x1xf32>
      %sub3A_45 = vector.broadcast %max3A : vector<1024x1xf32> to vector<1024x512xf32>
      %sub3A_46 = arith.subf %select_n3A, %sub3A_45 : vector<1024x512xf32>
      %exp3A_47 = math.exp %sub3A_46 : vector<1024x512xf32>
      %reduce_sum3A_48 = arith.constant dense<0.000000e+00> : vector<1024xf32>
      %reduce_sum3A_49 = vector.multi_reduction <add>, %exp3A_47, %reduce_sum3A_48 [1] : vector<1024x512xf32> to vector<1024xf32>
      %broadcast_in_dim3A_50 = vector.shape_cast %reduce_sum3A_49 : vector<1024xf32> to vector<1024x1xf32>
      %add3A_51 = arith.addf %mul3A_44, %broadcast_in_dim3A_50 : vector<1024x1xf32>
      %swap3A = arith.constant 0 : index
      %swap3A_52 = arith.constant 0 : index
      %swap3A_53 = vector.load %arg17[%swap3A, %swap3A_52] : memref<1024x1xf32, #tpu.memory_space<vmem>>, vector<1024x1xf32>
      tpu.vector_store %arg17[%swap3A, %swap3A_52], %add3A_51 {strides = array<i32>} : memref<1024x1xf32, #tpu.memory_space<vmem>>, vector<1024x1xf32>,
      %swap3A_54 = arith.constant 0 : index
      %swap3A_55 = arith.constant 0 : index
      %swap3A_56 = vector.load %arg16[%swap3A_54, %swap3A_55] : memref<1024x1xf32, #tpu.memory_space<vmem>>, vector<1024x1xf32>
      tpu.vector_store %arg16[%swap3A_54, %swap3A_55], %max3A {strides = array<i32>} : memref<1024x1xf32, #tpu.memory_space<vmem>>, vector<1024x1xf32>,
    } else {
    }
    %eq3A_30 = arith.constant 1 : i32
    %eq3A_31 = arith.cmpi eq, %arg0, %eq3A_30 : i32
    %convert_element_type3A_32 = arith.extui %eq3A_31 : i1 to i32
    %cond3A_33 = arith.constant 0 : i32
    %cond3A_34 = arith.cmpi ne, %convert_element_type3A_32, %cond3A_33 : i32
    scf.if %cond3A_34 {
      %get3A_35 = arith.constant 0 : index
      %get3A_36 = arith.constant 0 : index
      %get3A_37 = vector.load %arg16[%get3A_35, %get3A_36] : memref<1024x1xf32, #tpu.memory_space<vmem>>, vector<1024x1xf32>
      %sub3A_38 = vector.broadcast %get3A_37 : vector<1024x1xf32> to vector<1024x512xf32>
      %sub3A_39 = arith.subf %select_n3A, %sub3A_38 : vector<1024x512xf32>
      %exp3A = math.exp %sub3A_39 : vector<1024x512xf32>
      %get3A_40 = arith.constant 0 : index
      %get3A_41 = arith.constant 0 : index
      %get3A_42 = vector.load %arg17[%get3A_40, %get3A_41] : memref<1024x1xf32, #tpu.memory_space<vmem>>, vector<1024x1xf32>
      %div3A = arith.constant 1.000000e+00 : f32
      %div3A_43 = vector.broadcast %div3A : f32 to vector<1024x1xf32>
      %div3A_44 = arith.divf %div3A_43, %get3A_42 : vector<1024x1xf32>
      %mul3A_45 = vector.broadcast %div3A_44 : vector<1024x1xf32> to vector<1024x512xf32>
      %mul3A_46 = arith.mulf %exp3A, %mul3A_45 : vector<1024x512xf32>
      %get3A_47 = arith.constant 0 : index
      %get3A_48 = arith.constant 0 : index
      %get3A_49 = vector.load %arg15[%get3A_47, %get3A_48] : memref<1024x128xf32, #tpu.memory_space<vmem>>, vector<1024x128xf32>
      %convert_element_type3A_50 = arith.truncf %mul3A_46 : vector<1024x512xf32> to vector<1024x512xbf16>
      %convert_element_type3A_51 = arith.truncf %get3A_49 : vector<1024x128xf32> to vector<1024x128xbf16>
      %dot_general3A_52 = arith.constant dense<0.000000e+00> : vector<512x128xf32>
      %dot_general3A_53 = tpu.matmul %convert_element_type3A_50, %convert_element_type3A_51, %dot_general3A_52 {dimension_numbers = #tpu.dot_dimension_numbers<[0], [0], [1], [1], [0, 1, 1, 1], [], []>, transpose_lhs_hint = false} : vector<1024x512xbf16>, vector<1024x128xbf16>, vector<512x128xf32> -> vector<512x128xf32>
      %swap3A = arith.constant 0 : index
      %swap3A_54 = arith.constant 0 : index
      %swap3A_55 = vector.load %arg12[%swap3A, %swap3A_54] : memref<512x128xf32, #tpu.memory_space<vmem>>, vector<512x128xf32>
      tpu.vector_store %arg12[%swap3A, %swap3A_54], %dot_general3A_53 {strides = array<i32>} : memref<512x128xf32, #tpu.memory_space<vmem>>, vector<512x128xf32>,
      %get3A_56 = arith.constant 0 : index
      %get3A_57 = arith.constant 0 : index
      %get3A_58 = vector.load %arg9[%get3A_56, %get3A_57] : memref<128x128xf32, #tpu.memory_space<vmem>>, vector<128x128xf32>
      %convert_element_type3A_59 = arith.truncf %dot_general3A_53 : vector<512x128xf32> to vector<512x128xbf16>
      %convert_element_type3A_60 = arith.truncf %get3A_58 : vector<128x128xf32> to vector<128x128xbf16>
      %dot_general3A_61 = arith.constant dense<0.000000e+00> : vector<512x128xf32>
      %dot_general3A_62 = tpu.matmul %convert_element_type3A_59, %convert_element_type3A_60, %dot_general3A_61 {dimension_numbers = #tpu.dot_dimension_numbers<[1], [0], [0], [1], [0, 0, 1, 1], [], []>, transpose_lhs_hint = false} : vector<512x128xbf16>, vector<128x128xbf16>, vector<512x128xf32> -> vector<512x128xf32>
      %get3A_63 = arith.constant 0 : index
      %get3A_64 = arith.constant 0 : index
      %get3A_65 = vector.load %arg10[%get3A_63, %get3A_64] : memref<1x128xf32, #tpu.memory_space<vmem>>, vector<1x128xf32>
      %add3A_66 = vector.broadcast %get3A_65 : vector<1x128xf32> to vector<512x128xf32>
      %add3A_67 = arith.addf %dot_general3A_62, %add3A_66 : vector<512x128xf32>
      %swap3A_68 = arith.constant 0 : index
      %swap3A_69 = arith.constant 0 : index
      %swap3A_70 = vector.load %arg13[%swap3A_68, %swap3A_69] : memref<512x128xf32, #tpu.memory_space<vmem>>, vector<512x128xf32>
      tpu.vector_store %arg13[%swap3A_68, %swap3A_69], %add3A_67 {strides = array<i32>} : memref<512x128xf32, #tpu.memory_space<vmem>>, vector<512x128xf32>,
      %get3A_71 = arith.constant 0 : index
      %get3A_72 = arith.constant 0 : index
      %get3A_73 = vector.load %arg11[%get3A_71, %get3A_72] : memref<128x128xf32, #tpu.memory_space<vmem>>, vector<128x128xf32>
      %convert_element_type3A_74 = arith.truncf %dot_general3A_53 : vector<512x128xf32> to vector<512x128xbf16>
      %convert_element_type3A_75 = arith.truncf %get3A_73 : vector<128x128xf32> to vector<128x128xbf16>
      %dot_general3A_76 = arith.constant dense<0.000000e+00> : vector<512x128xf32>
      %dot_general3A_77 = tpu.matmul %convert_element_type3A_74, %convert_element_type3A_75, %dot_general3A_76 {dimension_numbers = #tpu.dot_dimension_numbers<[1], [0], [0], [1], [0, 0, 1, 1], [], []>, transpose_lhs_hint = false} : vector<512x128xbf16>, vector<128x128xbf16>, vector<512x128xf32> -> vector<512x128xf32>
      %swap3A_78 = arith.constant 0 : index
      %swap3A_79 = arith.constant 0 : index
      %swap3A_80 = vector.load %arg14[%swap3A_78, %swap3A_79] : memref<512x128xf32, #tpu.memory_space<vmem>>, vector<512x128xf32>
      tpu.vector_store %arg14[%swap3A_78, %swap3A_79], %dot_general3A_77 {strides = array<i32>} : memref<512x128xf32, #tpu.memory_space<vmem>>, vector<512x128xf32>,
    } else {
    }
    return
  }
  func.func @transform_0(%arg0: i32, %arg1: i32) -> (i32, i32) {
    %c0_i32 = arith.constant 0 : i32
    %c0_i32_0 = arith.constant 0 : i32
    %c0_i32_1 = arith.constant 0 : i32
    return %c0_i32, %c0_i32_0 : i32, i32
  }
  func.func @transform_1(%arg0: i32, %arg1: i32) -> (i32, i32) {
    %c0_i32 = arith.constant 0 : i32
    %c0_i32_0 = arith.constant 0 : i32
    %c0_i32_1 = arith.constant 0 : i32
    return %c0_i32, %c0_i32_0 : i32, i32
  }
  func.func @transform_2(%arg0: i32, %arg1: i32) -> (i32, i32) {
    %c0_i32 = arith.constant 0 : i32
    %c0_i32_0 = arith.constant 0 : i32
    return %c0_i32, %arg1 : i32, i32
  }
  func.func @transform_3(%arg0: i32, %arg1: i32) -> (i32, i32) {
    %c0_i32 = arith.constant 0 : i32
    %c0_i32_0 = arith.constant 0 : i32
    %c0_i32_1 = arith.constant 0 : i32
    return %c0_i32, %c0_i32_0 : i32, i32
  }
  func.func @transform_4(%arg0: i32, %arg1: i32) -> (i32, i32) {
    %c0_i32 = arith.constant 0 : i32
    %c0_i32_0 = arith.constant 0 : i32
    %c0_i32_1 = arith.constant 0 : i32
    return %c0_i32, %c0_i32_0 : i32, i32
  }
  func.func @transform_5(%arg0: i32, %arg1: i32) -> (i32, i32) {
    %c0_i32 = arith.constant 0 : i32
    %c0_i32_0 = arith.constant 0 : i32
    %c0_i32_1 = arith.constant 0 : i32
    return %c0_i32, %c0_i32_0 : i32, i32
  }
  func.func @transform_6(%arg0: i32, %arg1: i32) -> (i32, i32) {
    %c0_i32 = arith.constant 0 : i32
    %c0_i32_0 = arith.constant 0 : i32
    %c0_i32_1 = arith.constant 0 : i32
    return %c0_i32, %c0_i32_0 : i32, i32
  }
  func.func @transform_7(%arg0: i32, %arg1: i32) -> (i32, i32) {
    %c0_i32 = arith.constant 0 : i32
    %c0_i32_0 = arith.constant 0 : i32
    %c0_i32_1 = arith.constant 0 : i32
    return %c0_i32, %c0_i32_0 : i32, i32
  }
  func.func @transform_8(%arg0: i32, %arg1: i32) -> (i32, i32) {
    %c0_i32 = arith.constant 0 : i32
    %c0_i32_0 = arith.constant 0 : i32
    %c0_i32_1 = arith.constant 0 : i32
    return %c0_i32, %c0_i32_0 : i32, i32
  }
  func.func @transform_9(%arg0: i32, %arg1: i32) -> (i32, i32) {
    %c0_i32 = arith.constant 0 : i32
    %c0_i32_0 = arith.constant 0 : i32
    %c0_i32_1 = arith.constant 0 : i32
    return %c0_i32, %c0_i32_0 : i32, i32
  }
  func.func @transform_10(%arg0: i32, %arg1: i32) -> (i32, i32) {
    %c0_i32 = arith.constant 0 : i32
    %c0_i32_0 = arith.constant 0 : i32
    return %arg1, %c0_i32 : i32, i32
  }
  func.func @transform_11(%arg0: i32, %arg1: i32) -> (i32, i32) {
    %c0_i32 = arith.constant 0 : i32
    %c0_i32_0 = arith.constant 0 : i32
    return %arg1, %c0_i32 : i32, i32
  }
  func.func @transform_12(%arg0: i32, %arg1: i32) -> (i32, i32) {
    %c0_i32 = arith.constant 0 : i32
    %c0_i32_0 = arith.constant 0 : i32
    return %arg1, %c0_i32 : i32, i32
  }
}

module attributes {stable_mosaic.version = 14 : i64} {
  func.func @_k2_body(%arg0: i32, %arg1: memref<1024x128xf32, #tpu.memory_space<vmem>>, %arg2: memref<1x1024x128xf32, #tpu.memory_space<vmem>>, %arg3: memref<1x1024x128xf32, #tpu.memory_space<vmem>>, %arg4: memref<128x128xf32, #tpu.memory_space<vmem>>, %arg5: memref<128x128xf32, #tpu.memory_space<vmem>>, %arg6: memref<128x128xf32, #tpu.memory_space<vmem>>, %arg7: memref<1x128xf32, #tpu.memory_space<vmem>>, %arg8: memref<128x128xf32, #tpu.memory_space<vmem>>, %arg9: memref<1x128xf32, #tpu.memory_space<vmem>>, %arg10: memref<128x128xf32, #tpu.memory_space<vmem>>, %arg11: memref<1x128xf32, #tpu.memory_space<vmem>>, %arg12: memref<128x128xf32, #tpu.memory_space<vmem>>, %arg13: memref<1024x128xf32, #tpu.memory_space<vmem>>, %arg14: memref<1024x128xf32, #tpu.memory_space<vmem>>, %arg15: memref<1024x128xf32, #tpu.memory_space<vmem>>) attributes {dimension_semantics = [#tpu.dimension_semantics<arbitrary>], iteration_bounds = array<i64: 10>, scalar_prefetch = 0 : i64, scratch_operands = 0 : i64, tpu.core_type = #tpu.core_type<tc>, window_params = [{transform_indices = @transform_0, window_bounds = array<i64: 1024, 128>}, {transform_indices = @transform_1, window_bounds = array<i64: 1, 1024, 128>}, {transform_indices = @transform_2, window_bounds = array<i64: 1, 1024, 128>}, {pipeline_mode = #tpu.pipeline_mode<synchronous>, transform_indices = @transform_3, window_bounds = array<i64: 128, 128>}, {pipeline_mode = #tpu.pipeline_mode<synchronous>, transform_indices = @transform_4, window_bounds = array<i64: 128, 128>}, {pipeline_mode = #tpu.pipeline_mode<synchronous>, transform_indices = @transform_5, window_bounds = array<i64: 128, 128>}, {pipeline_mode = #tpu.pipeline_mode<synchronous>, transform_indices = @transform_6, window_bounds = array<i64: 1, 128>}, {pipeline_mode = #tpu.pipeline_mode<synchronous>, transform_indices = @transform_7, window_bounds = array<i64: 128, 128>}, {pipeline_mode = #tpu.pipeline_mode<synchronous>, transform_indices = @transform_8, window_bounds = array<i64: 1, 128>}, {pipeline_mode = #tpu.pipeline_mode<synchronous>, transform_indices = @transform_9, window_bounds = array<i64: 128, 128>}, {pipeline_mode = #tpu.pipeline_mode<synchronous>, transform_indices = @transform_10, window_bounds = array<i64: 1, 128>}, {pipeline_mode = #tpu.pipeline_mode<synchronous>, transform_indices = @transform_11, window_bounds = array<i64: 128, 128>}, {transform_indices = @transform_12, window_bounds = array<i64: 1024, 128>}, {transform_indices = @transform_13, window_bounds = array<i64: 1024, 128>}, {transform_indices = @transform_14, window_bounds = array<i64: 1024, 128>}]} {
    %get3A = arith.constant 0 : index
    %get3A_0 = arith.constant 0 : index
    %get3A_1 = vector.load %arg1[%get3A, %get3A_0] : memref<1024x128xf32, #tpu.memory_space<vmem>>, vector<1024x128xf32>
    %get3A_2 = arith.constant 0 : index
    %get3A_3 = arith.constant 0 : index
    %get3A_4 = arith.constant 0 : index
    %get3A_5 = vector.load %arg2[%get3A_2, %get3A_3, %get3A_4] : memref<1x1024x128xf32, #tpu.memory_space<vmem>>, vector<1x1024x128xf32>
    %get3A_6 = vector.shape_cast %get3A_5 : vector<1x1024x128xf32> to vector<1024x128xf32>
    %get3A_7 = arith.constant 0 : index
    %get3A_8 = arith.constant 0 : index
    %get3A_9 = arith.constant 0 : index
    %get3A_10 = vector.load %arg3[%get3A_7, %get3A_8, %get3A_9] : memref<1x1024x128xf32, #tpu.memory_space<vmem>>, vector<1x1024x128xf32>
    %get3A_11 = vector.shape_cast %get3A_10 : vector<1x1024x128xf32> to vector<1024x128xf32>
    %add3A = arith.addf %get3A_6, %get3A_11 : vector<1024x128xf32>
    %get3A_12 = arith.constant 0 : index
    %get3A_13 = arith.constant 0 : index
    %get3A_14 = vector.load %arg4[%get3A_12, %get3A_13] : memref<128x128xf32, #tpu.memory_space<vmem>>, vector<128x128xf32>
    %convert_element_type3A = arith.truncf %get3A_14 : vector<128x128xf32> to vector<128x128xbf16>
    %convert_element_type3A_15 = arith.extf %convert_element_type3A : vector<128x128xbf16> to vector<128x128xf32>
    %dot_general3A = arith.constant dense<0.000000e+00> : vector<1024x128xf32>
    %dot_general3A_16 = tpu.matmul %add3A, %convert_element_type3A_15, %dot_general3A {dimension_numbers = #tpu.dot_dimension_numbers<[1], [0], [0], [1], [0, 0, 1, 1], [], []>, precision = #tpu.contract_precision<fp32>, transpose_lhs_hint = false} : vector<1024x128xf32>, vector<128x128xf32>, vector<1024x128xf32> -> vector<1024x128xf32>
    %get3A_17 = arith.constant 0 : index
    %get3A_18 = arith.constant 0 : index
    %get3A_19 = vector.load %arg5[%get3A_17, %get3A_18] : memref<128x128xf32, #tpu.memory_space<vmem>>, vector<128x128xf32>
    %convert_element_type3A_20 = arith.truncf %get3A_1 : vector<1024x128xf32> to vector<1024x128xbf16>
    %convert_element_type3A_21 = arith.truncf %get3A_19 : vector<128x128xf32> to vector<128x128xbf16>
    %dot_general3A_22 = arith.constant dense<0.000000e+00> : vector<1024x128xf32>
    %dot_general3A_23 = tpu.matmul %convert_element_type3A_20, %convert_element_type3A_21, %dot_general3A_22 {dimension_numbers = #tpu.dot_dimension_numbers<[1], [0], [0], [1], [0, 0, 1, 1], [], []>, transpose_lhs_hint = false} : vector<1024x128xbf16>, vector<128x128xbf16>, vector<1024x128xf32> -> vector<1024x128xf32>
    %get3A_24 = arith.constant 0 : index
    %get3A_25 = arith.constant 0 : index
    %get3A_26 = vector.load %arg6[%get3A_24, %get3A_25] : memref<128x128xf32, #tpu.memory_space<vmem>>, vector<128x128xf32>
    %convert_element_type3A_27 = arith.truncf %dot_general3A_16 : vector<1024x128xf32> to vector<1024x128xbf16>
    %convert_element_type3A_28 = arith.truncf %get3A_26 : vector<128x128xf32> to vector<128x128xbf16>
    %dot_general3A_29 = arith.constant dense<0.000000e+00> : vector<1024x128xf32>
    %dot_general3A_30 = tpu.matmul %convert_element_type3A_27, %convert_element_type3A_28, %dot_general3A_29 {dimension_numbers = #tpu.dot_dimension_numbers<[1], [0], [0], [1], [0, 0, 1, 1], [], []>, transpose_lhs_hint = false} : vector<1024x128xbf16>, vector<128x128xbf16>, vector<1024x128xf32> -> vector<1024x128xf32>
    %add3A_31 = arith.addf %dot_general3A_23, %dot_general3A_30 : vector<1024x128xf32>
    %get3A_32 = arith.constant 0 : index
    %get3A_33 = arith.constant 0 : index
    %get3A_34 = vector.load %arg7[%get3A_32, %get3A_33] : memref<1x128xf32, #tpu.memory_space<vmem>>, vector<1x128xf32>
    %add3A_35 = vector.broadcast %get3A_34 : vector<1x128xf32> to vector<1024x128xf32>
    %add3A_36 = arith.addf %add3A_31, %add3A_35 : vector<1024x128xf32>
    %max3A = arith.constant 0.000000e+00 : f32
    %max3A_37 = vector.broadcast %max3A : f32 to vector<1024x128xf32>
    %max3A_38 = arith.maximumf %add3A_36, %max3A_37 : vector<1024x128xf32>
    %get3A_39 = arith.constant 0 : index
    %get3A_40 = arith.constant 0 : index
    %get3A_41 = vector.load %arg8[%get3A_39, %get3A_40] : memref<128x128xf32, #tpu.memory_space<vmem>>, vector<128x128xf32>
    %convert_element_type3A_42 = arith.truncf %max3A_38 : vector<1024x128xf32> to vector<1024x128xbf16>
    %convert_element_type3A_43 = arith.truncf %get3A_41 : vector<128x128xf32> to vector<128x128xbf16>
    %dot_general3A_44 = arith.constant dense<0.000000e+00> : vector<1024x128xf32>
    %dot_general3A_45 = tpu.matmul %convert_element_type3A_42, %convert_element_type3A_43, %dot_general3A_44 {dimension_numbers = #tpu.dot_dimension_numbers<[1], [0], [0], [1], [0, 0, 1, 1], [], []>, transpose_lhs_hint = false} : vector<1024x128xbf16>, vector<128x128xbf16>, vector<1024x128xf32> -> vector<1024x128xf32>
    %add3A_46 = arith.addf %get3A_1, %dot_general3A_45 : vector<1024x128xf32>
    %get3A_47 = arith.constant 0 : index
    %get3A_48 = arith.constant 0 : index
    %get3A_49 = vector.load %arg9[%get3A_47, %get3A_48] : memref<1x128xf32, #tpu.memory_space<vmem>>, vector<1x128xf32>
    %add3A_50 = vector.broadcast %get3A_49 : vector<1x128xf32> to vector<1024x128xf32>
    %add3A_51 = arith.addf %add3A_46, %add3A_50 : vector<1024x128xf32>
    %swap3A = arith.constant 0 : index
    %swap3A_52 = arith.constant 0 : index
    %swap3A_53 = vector.load %arg13[%swap3A, %swap3A_52] : memref<1024x128xf32, #tpu.memory_space<vmem>>, vector<1024x128xf32>
    tpu.vector_store %arg13[%swap3A, %swap3A_52], %add3A_51 {strides = array<i32>} : memref<1024x128xf32, #tpu.memory_space<vmem>>, vector<1024x128xf32>,
    %get3A_54 = arith.constant 0 : index
    %get3A_55 = arith.constant 0 : index
    %get3A_56 = vector.load %arg10[%get3A_54, %get3A_55] : memref<128x128xf32, #tpu.memory_space<vmem>>, vector<128x128xf32>
    %convert_element_type3A_57 = arith.truncf %add3A_51 : vector<1024x128xf32> to vector<1024x128xbf16>
    %convert_element_type3A_58 = arith.truncf %get3A_56 : vector<128x128xf32> to vector<128x128xbf16>
    %dot_general3A_59 = arith.constant dense<0.000000e+00> : vector<1024x128xf32>
    %dot_general3A_60 = tpu.matmul %convert_element_type3A_57, %convert_element_type3A_58, %dot_general3A_59 {dimension_numbers = #tpu.dot_dimension_numbers<[1], [0], [0], [1], [0, 0, 1, 1], [], []>, transpose_lhs_hint = false} : vector<1024x128xbf16>, vector<128x128xbf16>, vector<1024x128xf32> -> vector<1024x128xf32>
    %get3A_61 = arith.constant 0 : index
    %get3A_62 = arith.constant 0 : index
    %get3A_63 = vector.load %arg11[%get3A_61, %get3A_62] : memref<1x128xf32, #tpu.memory_space<vmem>>, vector<1x128xf32>
    %add3A_64 = vector.broadcast %get3A_63 : vector<1x128xf32> to vector<1024x128xf32>
    %add3A_65 = arith.addf %dot_general3A_60, %add3A_64 : vector<1024x128xf32>
    %swap3A_66 = arith.constant 0 : index
    %swap3A_67 = arith.constant 0 : index
    %swap3A_68 = vector.load %arg14[%swap3A_66, %swap3A_67] : memref<1024x128xf32, #tpu.memory_space<vmem>>, vector<1024x128xf32>
    tpu.vector_store %arg14[%swap3A_66, %swap3A_67], %add3A_65 {strides = array<i32>} : memref<1024x128xf32, #tpu.memory_space<vmem>>, vector<1024x128xf32>,
    %get3A_69 = arith.constant 0 : index
    %get3A_70 = arith.constant 0 : index
    %get3A_71 = vector.load %arg12[%get3A_69, %get3A_70] : memref<128x128xf32, #tpu.memory_space<vmem>>, vector<128x128xf32>
    %convert_element_type3A_72 = arith.truncf %add3A_51 : vector<1024x128xf32> to vector<1024x128xbf16>
    %convert_element_type3A_73 = arith.truncf %get3A_71 : vector<128x128xf32> to vector<128x128xbf16>
    %dot_general3A_74 = arith.constant dense<0.000000e+00> : vector<1024x128xf32>
    %dot_general3A_75 = tpu.matmul %convert_element_type3A_72, %convert_element_type3A_73, %dot_general3A_74 {dimension_numbers = #tpu.dot_dimension_numbers<[1], [0], [0], [1], [0, 0, 1, 1], [], []>, transpose_lhs_hint = false} : vector<1024x128xbf16>, vector<128x128xbf16>, vector<1024x128xf32> -> vector<1024x128xf32>
    %swap3A_76 = arith.constant 0 : index
    %swap3A_77 = arith.constant 0 : index
    %swap3A_78 = vector.load %arg15[%swap3A_76, %swap3A_77] : memref<1024x128xf32, #tpu.memory_space<vmem>>, vector<1024x128xf32>
    tpu.vector_store %arg15[%swap3A_76, %swap3A_77], %dot_general3A_75 {strides = array<i32>} : memref<1024x128xf32, #tpu.memory_space<vmem>>, vector<1024x128xf32>,
    return
  }
  func.func @transform_0(%arg0: i32) -> (i32, i32) {
    %c0_i32 = arith.constant 0 : i32
    %c0_i32_0 = arith.constant 0 : i32
    return %arg0, %c0_i32 : i32, i32
  }
  func.func @transform_1(%arg0: i32) -> (i32, i32, i32) {
    %c0_i32 = arith.constant 0 : i32
    %c0_i32_0 = arith.constant 0 : i32
    %c0_i32_1 = arith.constant 0 : i32
    return %c0_i32, %arg0, %c0_i32_0 : i32, i32, i32
  }
  func.func @transform_2(%arg0: i32) -> (i32, i32, i32) {
    %c1_i32 = arith.constant 1 : i32
    %c0_i32 = arith.constant 0 : i32
    %c0_i32_0 = arith.constant 0 : i32
    return %c1_i32, %arg0, %c0_i32 : i32, i32, i32
  }
  func.func @transform_3(%arg0: i32) -> (i32, i32) {
    %c0_i32 = arith.constant 0 : i32
    %c0_i32_0 = arith.constant 0 : i32
    %c0_i32_1 = arith.constant 0 : i32
    return %c0_i32, %c0_i32_0 : i32, i32
  }
  func.func @transform_4(%arg0: i32) -> (i32, i32) {
    %c0_i32 = arith.constant 0 : i32
    %c0_i32_0 = arith.constant 0 : i32
    %c0_i32_1 = arith.constant 0 : i32
    return %c0_i32, %c0_i32_0 : i32, i32
  }
  func.func @transform_5(%arg0: i32) -> (i32, i32) {
    %c0_i32 = arith.constant 0 : i32
    %c0_i32_0 = arith.constant 0 : i32
    %c0_i32_1 = arith.constant 0 : i32
    return %c0_i32, %c0_i32_0 : i32, i32
  }
  func.func @transform_6(%arg0: i32) -> (i32, i32) {
    %c0_i32 = arith.constant 0 : i32
    %c0_i32_0 = arith.constant 0 : i32
    %c0_i32_1 = arith.constant 0 : i32
    return %c0_i32, %c0_i32_0 : i32, i32
  }
  func.func @transform_7(%arg0: i32) -> (i32, i32) {
    %c0_i32 = arith.constant 0 : i32
    %c0_i32_0 = arith.constant 0 : i32
    %c0_i32_1 = arith.constant 0 : i32
    return %c0_i32, %c0_i32_0 : i32, i32
  }
  func.func @transform_8(%arg0: i32) -> (i32, i32) {
    %c0_i32 = arith.constant 0 : i32
    %c0_i32_0 = arith.constant 0 : i32
    %c0_i32_1 = arith.constant 0 : i32
    return %c0_i32, %c0_i32_0 : i32, i32
  }
  func.func @transform_9(%arg0: i32) -> (i32, i32) {
    %c0_i32 = arith.constant 0 : i32
    %c0_i32_0 = arith.constant 0 : i32
    %c0_i32_1 = arith.constant 0 : i32
    return %c0_i32, %c0_i32_0 : i32, i32
  }
  func.func @transform_10(%arg0: i32) -> (i32, i32) {
    %c0_i32 = arith.constant 0 : i32
    %c0_i32_0 = arith.constant 0 : i32
    %c0_i32_1 = arith.constant 0 : i32
    return %c0_i32, %c0_i32_0 : i32, i32
  }
  func.func @transform_11(%arg0: i32) -> (i32, i32) {
    %c0_i32 = arith.constant 0 : i32
    %c0_i32_0 = arith.constant 0 : i32
    %c0_i32_1 = arith.constant 0 : i32
    return %c0_i32, %c0_i32_0 : i32, i32
  }
  func.func @transform_12(%arg0: i32) -> (i32, i32) {
    %c0_i32 = arith.constant 0 : i32
    %c0_i32_0 = arith.constant 0 : i32
    return %arg0, %c0_i32 : i32, i32
  }
  func.func @transform_13(%arg0: i32) -> (i32, i32) {
    %c0_i32 = arith.constant 0 : i32
    %c0_i32_0 = arith.constant 0 : i32
    return %arg0, %c0_i32 : i32, i32
  }
  func.func @transform_14(%arg0: i32) -> (i32, i32) {
    %c0_i32 = arith.constant 0 : i32
    %c0_i32_0 = arith.constant 0 : i32
    return %arg0, %c0_i32 : i32, i32
  }
}

module attributes {stable_mosaic.version = 14 : i64} {
  func.func @_k2_body(%arg0: i32, %arg1: memref<1024x128xf32, #tpu.memory_space<vmem>>, %arg2: memref<1x1024x128xf32, #tpu.memory_space<vmem>>, %arg3: memref<1x1024x128xf32, #tpu.memory_space<vmem>>, %arg4: memref<128x128xf32, #tpu.memory_space<vmem>>, %arg5: memref<128x128xf32, #tpu.memory_space<vmem>>, %arg6: memref<128x128xf32, #tpu.memory_space<vmem>>, %arg7: memref<1x128xf32, #tpu.memory_space<vmem>>, %arg8: memref<128x128xf32, #tpu.memory_space<vmem>>, %arg9: memref<1x128xf32, #tpu.memory_space<vmem>>, %arg10: memref<128x128xf32, #tpu.memory_space<vmem>>, %arg11: memref<1x128xf32, #tpu.memory_space<vmem>>, %arg12: memref<128x128xf32, #tpu.memory_space<vmem>>, %arg13: memref<1024x128xf32, #tpu.memory_space<vmem>>) attributes {dimension_semantics = [#tpu.dimension_semantics<arbitrary>], iteration_bounds = array<i64: 10>, scalar_prefetch = 0 : i64, scratch_operands = 0 : i64, tpu.core_type = #tpu.core_type<tc>, window_params = [{transform_indices = @transform_0, window_bounds = array<i64: 1024, 128>}, {transform_indices = @transform_1, window_bounds = array<i64: 1, 1024, 128>}, {transform_indices = @transform_2, window_bounds = array<i64: 1, 1024, 128>}, {pipeline_mode = #tpu.pipeline_mode<synchronous>, transform_indices = @transform_3, window_bounds = array<i64: 128, 128>}, {pipeline_mode = #tpu.pipeline_mode<synchronous>, transform_indices = @transform_4, window_bounds = array<i64: 128, 128>}, {pipeline_mode = #tpu.pipeline_mode<synchronous>, transform_indices = @transform_5, window_bounds = array<i64: 128, 128>}, {pipeline_mode = #tpu.pipeline_mode<synchronous>, transform_indices = @transform_6, window_bounds = array<i64: 1, 128>}, {pipeline_mode = #tpu.pipeline_mode<synchronous>, transform_indices = @transform_7, window_bounds = array<i64: 128, 128>}, {pipeline_mode = #tpu.pipeline_mode<synchronous>, transform_indices = @transform_8, window_bounds = array<i64: 1, 128>}, {pipeline_mode = #tpu.pipeline_mode<synchronous>, transform_indices = @transform_9, window_bounds = array<i64: 128, 128>}, {pipeline_mode = #tpu.pipeline_mode<synchronous>, transform_indices = @transform_10, window_bounds = array<i64: 1, 128>}, {pipeline_mode = #tpu.pipeline_mode<synchronous>, transform_indices = @transform_11, window_bounds = array<i64: 128, 128>}, {transform_indices = @transform_12, window_bounds = array<i64: 1024, 128>}]} {
    %get3A = arith.constant 0 : index
    %get3A_0 = arith.constant 0 : index
    %get3A_1 = vector.load %arg1[%get3A, %get3A_0] : memref<1024x128xf32, #tpu.memory_space<vmem>>, vector<1024x128xf32>
    %get3A_2 = arith.constant 0 : index
    %get3A_3 = arith.constant 0 : index
    %get3A_4 = arith.constant 0 : index
    %get3A_5 = vector.load %arg2[%get3A_2, %get3A_3, %get3A_4] : memref<1x1024x128xf32, #tpu.memory_space<vmem>>, vector<1x1024x128xf32>
    %get3A_6 = vector.shape_cast %get3A_5 : vector<1x1024x128xf32> to vector<1024x128xf32>
    %get3A_7 = arith.constant 0 : index
    %get3A_8 = arith.constant 0 : index
    %get3A_9 = arith.constant 0 : index
    %get3A_10 = vector.load %arg3[%get3A_7, %get3A_8, %get3A_9] : memref<1x1024x128xf32, #tpu.memory_space<vmem>>, vector<1x1024x128xf32>
    %get3A_11 = vector.shape_cast %get3A_10 : vector<1x1024x128xf32> to vector<1024x128xf32>
    %add3A = arith.addf %get3A_6, %get3A_11 : vector<1024x128xf32>
    %get3A_12 = arith.constant 0 : index
    %get3A_13 = arith.constant 0 : index
    %get3A_14 = vector.load %arg4[%get3A_12, %get3A_13] : memref<128x128xf32, #tpu.memory_space<vmem>>, vector<128x128xf32>
    %convert_element_type3A = arith.truncf %get3A_14 : vector<128x128xf32> to vector<128x128xbf16>
    %convert_element_type3A_15 = arith.extf %convert_element_type3A : vector<128x128xbf16> to vector<128x128xf32>
    %dot_general3A = arith.constant dense<0.000000e+00> : vector<1024x128xf32>
    %dot_general3A_16 = tpu.matmul %add3A, %convert_element_type3A_15, %dot_general3A {dimension_numbers = #tpu.dot_dimension_numbers<[1], [0], [0], [1], [0, 0, 1, 1], [], []>, precision = #tpu.contract_precision<fp32>, transpose_lhs_hint = false} : vector<1024x128xf32>, vector<128x128xf32>, vector<1024x128xf32> -> vector<1024x128xf32>
    %get3A_17 = arith.constant 0 : index
    %get3A_18 = arith.constant 0 : index
    %get3A_19 = vector.load %arg5[%get3A_17, %get3A_18] : memref<128x128xf32, #tpu.memory_space<vmem>>, vector<128x128xf32>
    %convert_element_type3A_20 = arith.truncf %get3A_1 : vector<1024x128xf32> to vector<1024x128xbf16>
    %convert_element_type3A_21 = arith.truncf %get3A_19 : vector<128x128xf32> to vector<128x128xbf16>
    %dot_general3A_22 = arith.constant dense<0.000000e+00> : vector<1024x128xf32>
    %dot_general3A_23 = tpu.matmul %convert_element_type3A_20, %convert_element_type3A_21, %dot_general3A_22 {dimension_numbers = #tpu.dot_dimension_numbers<[1], [0], [0], [1], [0, 0, 1, 1], [], []>, transpose_lhs_hint = false} : vector<1024x128xbf16>, vector<128x128xbf16>, vector<1024x128xf32> -> vector<1024x128xf32>
    %get3A_24 = arith.constant 0 : index
    %get3A_25 = arith.constant 0 : index
    %get3A_26 = vector.load %arg6[%get3A_24, %get3A_25] : memref<128x128xf32, #tpu.memory_space<vmem>>, vector<128x128xf32>
    %convert_element_type3A_27 = arith.truncf %dot_general3A_16 : vector<1024x128xf32> to vector<1024x128xbf16>
    %convert_element_type3A_28 = arith.truncf %get3A_26 : vector<128x128xf32> to vector<128x128xbf16>
    %dot_general3A_29 = arith.constant dense<0.000000e+00> : vector<1024x128xf32>
    %dot_general3A_30 = tpu.matmul %convert_element_type3A_27, %convert_element_type3A_28, %dot_general3A_29 {dimension_numbers = #tpu.dot_dimension_numbers<[1], [0], [0], [1], [0, 0, 1, 1], [], []>, transpose_lhs_hint = false} : vector<1024x128xbf16>, vector<128x128xbf16>, vector<1024x128xf32> -> vector<1024x128xf32>
    %add3A_31 = arith.addf %dot_general3A_23, %dot_general3A_30 : vector<1024x128xf32>
    %get3A_32 = arith.constant 0 : index
    %get3A_33 = arith.constant 0 : index
    %get3A_34 = vector.load %arg7[%get3A_32, %get3A_33] : memref<1x128xf32, #tpu.memory_space<vmem>>, vector<1x128xf32>
    %add3A_35 = vector.broadcast %get3A_34 : vector<1x128xf32> to vector<1024x128xf32>
    %add3A_36 = arith.addf %add3A_31, %add3A_35 : vector<1024x128xf32>
    %max3A = arith.constant 0.000000e+00 : f32
    %max3A_37 = vector.broadcast %max3A : f32 to vector<1024x128xf32>
    %max3A_38 = arith.maximumf %add3A_36, %max3A_37 : vector<1024x128xf32>
    %get3A_39 = arith.constant 0 : index
    %get3A_40 = arith.constant 0 : index
    %get3A_41 = vector.load %arg8[%get3A_39, %get3A_40] : memref<128x128xf32, #tpu.memory_space<vmem>>, vector<128x128xf32>
    %convert_element_type3A_42 = arith.truncf %max3A_38 : vector<1024x128xf32> to vector<1024x128xbf16>
    %convert_element_type3A_43 = arith.truncf %get3A_41 : vector<128x128xf32> to vector<128x128xbf16>
    %dot_general3A_44 = arith.constant dense<0.000000e+00> : vector<1024x128xf32>
    %dot_general3A_45 = tpu.matmul %convert_element_type3A_42, %convert_element_type3A_43, %dot_general3A_44 {dimension_numbers = #tpu.dot_dimension_numbers<[1], [0], [0], [1], [0, 0, 1, 1], [], []>, transpose_lhs_hint = false} : vector<1024x128xbf16>, vector<128x128xbf16>, vector<1024x128xf32> -> vector<1024x128xf32>
    %add3A_46 = arith.addf %get3A_1, %dot_general3A_45 : vector<1024x128xf32>
    %get3A_47 = arith.constant 0 : index
    %get3A_48 = arith.constant 0 : index
    %get3A_49 = vector.load %arg9[%get3A_47, %get3A_48] : memref<1x128xf32, #tpu.memory_space<vmem>>, vector<1x128xf32>
    %add3A_50 = vector.broadcast %get3A_49 : vector<1x128xf32> to vector<1024x128xf32>
    %add3A_51 = arith.addf %add3A_46, %add3A_50 : vector<1024x128xf32>
    %swap3A = arith.constant 0 : index
    %swap3A_52 = arith.constant 0 : index
    %swap3A_53 = vector.load %arg13[%swap3A, %swap3A_52] : memref<1024x128xf32, #tpu.memory_space<vmem>>, vector<1024x128xf32>
    tpu.vector_store %arg13[%swap3A, %swap3A_52], %add3A_51 {strides = array<i32>} : memref<1024x128xf32, #tpu.memory_space<vmem>>, vector<1024x128xf32>,
    return
  }
  func.func @transform_0(%arg0: i32) -> (i32, i32) {
    %c0_i32 = arith.constant 0 : i32
    %c0_i32_0 = arith.constant 0 : i32
    return %arg0, %c0_i32 : i32, i32
  }
  func.func @transform_1(%arg0: i32) -> (i32, i32, i32) {
    %c0_i32 = arith.constant 0 : i32
    %c0_i32_0 = arith.constant 0 : i32
    %c0_i32_1 = arith.constant 0 : i32
    return %c0_i32, %arg0, %c0_i32_0 : i32, i32, i32
  }
  func.func @transform_2(%arg0: i32) -> (i32, i32, i32) {
    %c1_i32 = arith.constant 1 : i32
    %c0_i32 = arith.constant 0 : i32
    %c0_i32_0 = arith.constant 0 : i32
    return %c1_i32, %arg0, %c0_i32 : i32, i32, i32
  }
  func.func @transform_3(%arg0: i32) -> (i32, i32) {
    %c0_i32 = arith.constant 0 : i32
    %c0_i32_0 = arith.constant 0 : i32
    %c0_i32_1 = arith.constant 0 : i32
    return %c0_i32, %c0_i32_0 : i32, i32
  }
  func.func @transform_4(%arg0: i32) -> (i32, i32) {
    %c0_i32 = arith.constant 0 : i32
    %c0_i32_0 = arith.constant 0 : i32
    %c0_i32_1 = arith.constant 0 : i32
    return %c0_i32, %c0_i32_0 : i32, i32
  }
  func.func @transform_5(%arg0: i32) -> (i32, i32) {
    %c0_i32 = arith.constant 0 : i32
    %c0_i32_0 = arith.constant 0 : i32
    %c0_i32_1 = arith.constant 0 : i32
    return %c0_i32, %c0_i32_0 : i32, i32
  }
  func.func @transform_6(%arg0: i32) -> (i32, i32) {
    %c0_i32 = arith.constant 0 : i32
    %c0_i32_0 = arith.constant 0 : i32
    %c0_i32_1 = arith.constant 0 : i32
    return %c0_i32, %c0_i32_0 : i32, i32
  }
  func.func @transform_7(%arg0: i32) -> (i32, i32) {
    %c0_i32 = arith.constant 0 : i32
    %c0_i32_0 = arith.constant 0 : i32
    %c0_i32_1 = arith.constant 0 : i32
    return %c0_i32, %c0_i32_0 : i32, i32
  }
  func.func @transform_8(%arg0: i32) -> (i32, i32) {
    %c0_i32 = arith.constant 0 : i32
    %c0_i32_0 = arith.constant 0 : i32
    %c0_i32_1 = arith.constant 0 : i32
    return %c0_i32, %c0_i32_0 : i32, i32
  }
  func.func @transform_9(%arg0: i32) -> (i32, i32) {
    %c0_i32 = arith.constant 0 : i32
    %c0_i32_0 = arith.constant 0 : i32
    %c0_i32_1 = arith.constant 0 : i32
    return %c0_i32, %c0_i32_0 : i32, i32
  }
  func.func @transform_10(%arg0: i32) -> (i32, i32) {
    %c0_i32 = arith.constant 0 : i32
    %c0_i32_0 = arith.constant 0 : i32
    %c0_i32_1 = arith.constant 0 : i32
    return %c0_i32, %c0_i32_0 : i32, i32
  }
  func.func @transform_11(%arg0: i32) -> (i32, i32) {
    %c0_i32 = arith.constant 0 : i32
    %c0_i32_0 = arith.constant 0 : i32
    %c0_i32_1 = arith.constant 0 : i32
    return %c0_i32, %c0_i32_0 : i32, i32
  }
  func.func @transform_12(%arg0: i32) -> (i32, i32) {
    %c0_i32 = arith.constant 0 : i32
    %c0_i32_0 = arith.constant 0 : i32
    return %arg0, %c0_i32 : i32, i32
  }
}

module attributes {stable_mosaic.version = 14 : i64} {
  func.func @_k3_body(%arg0: i32, %arg1: i32, %arg2: memref<1024x3xf32, #tpu.memory_space<vmem>>, %arg3: memref<3x512xf32, #tpu.memory_space<vmem>>, %arg4: memref<512x128xf32, #tpu.memory_space<vmem>>, %arg5: memref<128x128xf32, #tpu.memory_space<vmem>>, %arg6: memref<3x128xf32, #tpu.memory_space<vmem>>, %arg7: memref<1x128xf32, #tpu.memory_space<vmem>>, %arg8: memref<128x1xf32, #tpu.memory_space<vmem>>, %arg9: memref<1x1xf32, #tpu.memory_space<vmem>>, %arg10: memref<1024x1xf32, #tpu.memory_space<vmem>>, %arg11: memref<1024x1xf32, #tpu.memory_space<vmem>>, %arg12: memref<1024x1xf32, #tpu.memory_space<vmem>>, %arg13: memref<1024x128xf32, #tpu.memory_space<vmem>>) attributes {dimension_semantics = [#tpu.dimension_semantics<arbitrary>, #tpu.dimension_semantics<arbitrary>], iteration_bounds = array<i64: 2, 20>, scalar_prefetch = 0 : i64, scratch_operands = 3 : i64, tpu.core_type = #tpu.core_type<tc>, window_params = [{pipeline_mode = #tpu.pipeline_mode<synchronous>, transform_indices = @transform_0, window_bounds = array<i64: 1024, 3>}, {transform_indices = @transform_1, window_bounds = array<i64: 3, 512>}, {transform_indices = @transform_2, window_bounds = array<i64: 512, 128>}, {pipeline_mode = #tpu.pipeline_mode<synchronous>, transform_indices = @transform_3, window_bounds = array<i64: 128, 128>}, {pipeline_mode = #tpu.pipeline_mode<synchronous>, transform_indices = @transform_4, window_bounds = array<i64: 3, 128>}, {pipeline_mode = #tpu.pipeline_mode<synchronous>, transform_indices = @transform_5, window_bounds = array<i64: 1, 128>}, {pipeline_mode = #tpu.pipeline_mode<synchronous>, transform_indices = @transform_6, window_bounds = array<i64: 128, 1>}, {pipeline_mode = #tpu.pipeline_mode<synchronous>, transform_indices = @transform_7, window_bounds = array<i64: 1, 1>}, {pipeline_mode = #tpu.pipeline_mode<synchronous>, transform_indices = @transform_8, window_bounds = array<i64: 1024, 1>}]} {
    %eq3A = arith.constant 0 : i32
    %eq3A_0 = arith.cmpi eq, %arg0, %eq3A : i32
    %eq3A_1 = arith.constant 0 : i32
    %eq3A_2 = arith.cmpi eq, %arg1, %eq3A_1 : i32
    %and3A = arith.andi %eq3A_0, %eq3A_2 : i1
    %convert_element_type3A = arith.extui %and3A : i1 to i32
    %cond3A = arith.constant 0 : i32
    %cond3A_3 = arith.cmpi ne, %convert_element_type3A, %cond3A : i32
    scf.if %cond3A_3 {
      %broadcast_in_dim3A_43 = arith.constant -1.000000e+30 : f32
      %broadcast_in_dim3A_44 = vector.broadcast %broadcast_in_dim3A_43 : f32 to vector<1024x1xf32>
      %swap3A = arith.constant 0 : index
      %swap3A_45 = arith.constant 0 : index
      %swap3A_46 = vector.load %arg11[%swap3A, %swap3A_45] : memref<1024x1xf32, #tpu.memory_space<vmem>>, vector<1024x1xf32>
      tpu.vector_store %arg11[%swap3A, %swap3A_45], %broadcast_in_dim3A_44 {strides = array<i32>} : memref<1024x1xf32, #tpu.memory_space<vmem>>, vector<1024x1xf32>,
      %broadcast_in_dim3A_47 = arith.constant 0.000000e+00 : f32
      %broadcast_in_dim3A_48 = vector.broadcast %broadcast_in_dim3A_47 : f32 to vector<1024x1xf32>
      %swap3A_49 = arith.constant 0 : index
      %swap3A_50 = arith.constant 0 : index
      %swap3A_51 = vector.load %arg12[%swap3A_49, %swap3A_50] : memref<1024x1xf32, #tpu.memory_space<vmem>>, vector<1024x1xf32>
      tpu.vector_store %arg12[%swap3A_49, %swap3A_50], %broadcast_in_dim3A_48 {strides = array<i32>} : memref<1024x1xf32, #tpu.memory_space<vmem>>, vector<1024x1xf32>,
      %broadcast_in_dim3A_52 = arith.constant 0.000000e+00 : f32
      %broadcast_in_dim3A_53 = vector.broadcast %broadcast_in_dim3A_52 : f32 to vector<1024x128xf32>
      %swap3A_54 = arith.constant 0 : index
      %swap3A_55 = arith.constant 0 : index
      %swap3A_56 = vector.load %arg13[%swap3A_54, %swap3A_55] : memref<1024x128xf32, #tpu.memory_space<vmem>>, vector<1024x128xf32>
      tpu.vector_store %arg13[%swap3A_54, %swap3A_55], %broadcast_in_dim3A_53 {strides = array<i32>} : memref<1024x128xf32, #tpu.memory_space<vmem>>, vector<1024x128xf32>,
    } else {
    }
    %get3A = arith.constant 0 : index
    %get3A_4 = arith.constant 0 : index
    %get3A_5 = vector.load %arg3[%get3A, %get3A_4] : memref<3x512xf32, #tpu.memory_space<vmem>>, vector<3x512xf32>
    %mul3A = arith.mulf %get3A_5, %get3A_5 : vector<3x512xf32>
    %reduce_sum3A = arith.constant dense<0.000000e+00> : vector<512xf32>
    %reduce_sum3A_6 = vector.multi_reduction <add>, %mul3A, %reduce_sum3A [0] : vector<3x512xf32> to vector<512xf32>
    %broadcast_in_dim3A = vector.shape_cast %reduce_sum3A_6 : vector<512xf32> to vector<1x512xf32>
    %get3A_7 = arith.constant 0 : index
    %get3A_8 = arith.constant 0 : index
    %get3A_9 = vector.load %arg2[%get3A_7, %get3A_8] : memref<1024x3xf32, #tpu.memory_space<vmem>>, vector<1024x3xf32>
    %convert_element_type3A_10 = arith.truncf %get3A_9 : vector<1024x3xf32> to vector<1024x3xbf16>
    %convert_element_type3A_11 = arith.truncf %get3A_5 : vector<3x512xf32> to vector<3x512xbf16>
    %dot_general3A = arith.constant dense<0.000000e+00> : vector<1024x512xf32>
    %dot_general3A_12 = tpu.matmul %convert_element_type3A_10, %convert_element_type3A_11, %dot_general3A {dimension_numbers = #tpu.dot_dimension_numbers<[1], [0], [0], [1], [0, 0, 1, 1], [], []>, transpose_lhs_hint = false} : vector<1024x3xbf16>, vector<3x512xbf16>, vector<1024x512xf32> -> vector<1024x512xf32>
    %mul3A_13 = arith.constant 2.000000e+00 : f32
    %mul3A_14 = vector.broadcast %mul3A_13 : f32 to vector<1024x512xf32>
    %mul3A_15 = arith.mulf %mul3A_14, %dot_general3A_12 : vector<1024x512xf32>
    %sub3A = vector.broadcast %broadcast_in_dim3A : vector<1x512xf32> to vector<1024x512xf32>
    %sub3A_16 = arith.subf %mul3A_15, %sub3A : vector<1024x512xf32>
    %mul3A_17 = arith.constant 512 : i32
    %mul3A_18 = arith.muli %arg1, %mul3A_17 : i32
    %iota3A = tpu.iota {dimensions = array<i32: 1>} : vector<1x512xi32>
    %add3A = vector.broadcast %mul3A_18 : i32 to vector<1x512xi32>
    %add3A_19 = arith.addi %add3A, %iota3A : vector<1x512xi32>
    %lt3A = arith.constant 10000 : i32
    %lt3A_20 = vector.broadcast %lt3A : i32 to vector<1x512xi32>
    %lt3A_21 = arith.cmpi slt, %add3A_19, %lt3A_20 : vector<1x512xi32>
    %jit3A = arith.constant -1.000000e+30 : f32
    %broadcast_in_dim3A_22 = vector.shape_cast %lt3A_21 : vector<1x512xi1> to vector<1x512xi1>
    %broadcast_in_dim3A_23 = vector.broadcast %broadcast_in_dim3A_22 : vector<1x512xi1> to vector<1024x512xi1>
    %broadcast_in_dim3A_24 = vector.broadcast %jit3A : f32 to vector<1024x512xf32>
    %select_n3A = arith.select %broadcast_in_dim3A_23, %sub3A_16, %broadcast_in_dim3A_24 : vector<1024x512xi1>, vector<1024x512xf32>
    %eq3A_25 = arith.constant 0 : i32
    %eq3A_26 = arith.cmpi eq, %arg0, %eq3A_25 : i32
    %convert_element_type3A_27 = arith.extui %eq3A_26 : i1 to i32
    %cond3A_28 = arith.constant 0 : i32
    %cond3A_29 = arith.cmpi ne, %convert_element_type3A_27, %cond3A_28 : i32
    scf.if %cond3A_29 {
      %get3A_43 = arith.constant 0 : index
      %get3A_44 = arith.constant 0 : index
      %get3A_45 = vector.load %arg11[%get3A_43, %get3A_44] : memref<1024x1xf32, #tpu.memory_space<vmem>>, vector<1024x1xf32>
      %reduce_max3A = arith.constant dense<0xFF800000> : vector<1024xf32>
      %reduce_max3A_46 = vector.multi_reduction <maximumf>, %select_n3A, %reduce_max3A [1] : vector<1024x512xf32> to vector<1024xf32>
      %broadcast_in_dim3A_47 = vector.shape_cast %reduce_max3A_46 : vector<1024xf32> to vector<1024x1xf32>
      %max3A = arith.maximumf %get3A_45, %broadcast_in_dim3A_47 : vector<1024x1xf32>
      %get3A_48 = arith.constant 0 : index
      %get3A_49 = arith.constant 0 : index
      %get3A_50 = vector.load %arg12[%get3A_48, %get3A_49] : memref<1024x1xf32, #tpu.memory_space<vmem>>, vector<1024x1xf32>
      %sub3A_51 = arith.subf %get3A_45, %max3A : vector<1024x1xf32>
      %exp3A = math.exp %sub3A_51 : vector<1024x1xf32>
      %mul3A_52 = arith.mulf %get3A_50, %exp3A : vector<1024x1xf32>
      %sub3A_53 = vector.broadcast %max3A : vector<1024x1xf32> to vector<1024x512xf32>
      %sub3A_54 = arith.subf %select_n3A, %sub3A_53 : vector<1024x512xf32>
      %exp3A_55 = math.exp %sub3A_54 : vector<1024x512xf32>
      %reduce_sum3A_56 = arith.constant dense<0.000000e+00> : vector<1024xf32>
      %reduce_sum3A_57 = vector.multi_reduction <add>, %exp3A_55, %reduce_sum3A_56 [1] : vector<1024x512xf32> to vector<1024xf32>
      %broadcast_in_dim3A_58 = vector.shape_cast %reduce_sum3A_57 : vector<1024xf32> to vector<1024x1xf32>
      %add3A_59 = arith.addf %mul3A_52, %broadcast_in_dim3A_58 : vector<1024x1xf32>
      %swap3A = arith.constant 0 : index
      %swap3A_60 = arith.constant 0 : index
      %swap3A_61 = vector.load %arg12[%swap3A, %swap3A_60] : memref<1024x1xf32, #tpu.memory_space<vmem>>, vector<1024x1xf32>
      tpu.vector_store %arg12[%swap3A, %swap3A_60], %add3A_59 {strides = array<i32>} : memref<1024x1xf32, #tpu.memory_space<vmem>>, vector<1024x1xf32>,
      %swap3A_62 = arith.constant 0 : index
      %swap3A_63 = arith.constant 0 : index
      %swap3A_64 = vector.load %arg11[%swap3A_62, %swap3A_63] : memref<1024x1xf32, #tpu.memory_space<vmem>>, vector<1024x1xf32>
      tpu.vector_store %arg11[%swap3A_62, %swap3A_63], %max3A {strides = array<i32>} : memref<1024x1xf32, #tpu.memory_space<vmem>>, vector<1024x1xf32>,
    } else {
    }
    %eq3A_30 = arith.constant 1 : i32
    %eq3A_31 = arith.cmpi eq, %arg0, %eq3A_30 : i32
    %convert_element_type3A_32 = arith.extui %eq3A_31 : i1 to i32
    %cond3A_33 = arith.constant 0 : i32
    %cond3A_34 = arith.cmpi ne, %convert_element_type3A_32, %cond3A_33 : i32
    scf.if %cond3A_34 {
      %get3A_43 = arith.constant 0 : index
      %get3A_44 = arith.constant 0 : index
      %get3A_45 = vector.load %arg11[%get3A_43, %get3A_44] : memref<1024x1xf32, #tpu.memory_space<vmem>>, vector<1024x1xf32>
      %sub3A_46 = vector.broadcast %get3A_45 : vector<1024x1xf32> to vector<1024x512xf32>
      %sub3A_47 = arith.subf %select_n3A, %sub3A_46 : vector<1024x512xf32>
      %exp3A = math.exp %sub3A_47 : vector<1024x512xf32>
      %get3A_48 = arith.constant 0 : index
      %get3A_49 = arith.constant 0 : index
      %get3A_50 = vector.load %arg12[%get3A_48, %get3A_49] : memref<1024x1xf32, #tpu.memory_space<vmem>>, vector<1024x1xf32>
      %div3A = arith.constant 1.000000e+00 : f32
      %div3A_51 = vector.broadcast %div3A : f32 to vector<1024x1xf32>
      %div3A_52 = arith.divf %div3A_51, %get3A_50 : vector<1024x1xf32>
      %mul3A_53 = vector.broadcast %div3A_52 : vector<1024x1xf32> to vector<1024x512xf32>
      %mul3A_54 = arith.mulf %exp3A, %mul3A_53 : vector<1024x512xf32>
      %get3A_55 = arith.constant 0 : index
      %get3A_56 = arith.constant 0 : index
      %get3A_57 = vector.load %arg13[%get3A_55, %get3A_56] : memref<1024x128xf32, #tpu.memory_space<vmem>>, vector<1024x128xf32>
      %get3A_58 = arith.constant 0 : index
      %get3A_59 = arith.constant 0 : index
      %get3A_60 = vector.load %arg4[%get3A_58, %get3A_59] : memref<512x128xf32, #tpu.memory_space<vmem>>, vector<512x128xf32>
      %convert_element_type3A_61 = arith.truncf %mul3A_54 : vector<1024x512xf32> to vector<1024x512xbf16>
      %convert_element_type3A_62 = arith.truncf %get3A_60 : vector<512x128xf32> to vector<512x128xbf16>
      %dot_general3A_63 = arith.constant dense<0.000000e+00> : vector<1024x128xf32>
      %dot_general3A_64 = tpu.matmul %convert_element_type3A_61, %convert_element_type3A_62, %dot_general3A_63 {dimension_numbers = #tpu.dot_dimension_numbers<[1], [0], [0], [1], [0, 0, 1, 1], [], []>, transpose_lhs_hint = false} : vector<1024x512xbf16>, vector<512x128xbf16>, vector<1024x128xf32> -> vector<1024x128xf32>
      %add3A_65 = arith.addf %get3A_57, %dot_general3A_64 : vector<1024x128xf32>
      %swap3A = arith.constant 0 : index
      %swap3A_66 = arith.constant 0 : index
      %swap3A_67 = vector.load %arg13[%swap3A, %swap3A_66] : memref<1024x128xf32, #tpu.memory_space<vmem>>, vector<1024x128xf32>
      tpu.vector_store %arg13[%swap3A, %swap3A_66], %add3A_65 {strides = array<i32>} : memref<1024x128xf32, #tpu.memory_space<vmem>>, vector<1024x128xf32>,
    } else {
    }
    %eq3A_35 = arith.constant 1 : i32
    %eq3A_36 = arith.cmpi eq, %arg0, %eq3A_35 : i32
    %eq3A_37 = arith.constant 19 : i32
    %eq3A_38 = arith.cmpi eq, %arg1, %eq3A_37 : i32
    %and3A_39 = arith.andi %eq3A_36, %eq3A_38 : i1
    %convert_element_type3A_40 = arith.extui %and3A_39 : i1 to i32
    %cond3A_41 = arith.constant 0 : i32
    %cond3A_42 = arith.cmpi ne, %convert_element_type3A_40, %cond3A_41 : i32
    scf.if %cond3A_42 {
      %get3A_43 = arith.constant 0 : index
      %get3A_44 = arith.constant 0 : index
      %get3A_45 = vector.load %arg13[%get3A_43, %get3A_44] : memref<1024x128xf32, #tpu.memory_space<vmem>>, vector<1024x128xf32>
      %get3A_46 = arith.constant 0 : index
      %get3A_47 = arith.constant 0 : index
      %get3A_48 = vector.load %arg5[%get3A_46, %get3A_47] : memref<128x128xf32, #tpu.memory_space<vmem>>, vector<128x128xf32>
      %convert_element_type3A_49 = arith.truncf %get3A_45 : vector<1024x128xf32> to vector<1024x128xbf16>
      %convert_element_type3A_50 = arith.truncf %get3A_48 : vector<128x128xf32> to vector<128x128xbf16>
      %dot_general3A_51 = arith.constant dense<0.000000e+00> : vector<1024x128xf32>
      %dot_general3A_52 = tpu.matmul %convert_element_type3A_49, %convert_element_type3A_50, %dot_general3A_51 {dimension_numbers = #tpu.dot_dimension_numbers<[1], [0], [0], [1], [0, 0, 1, 1], [], []>, transpose_lhs_hint = false} : vector<1024x128xbf16>, vector<128x128xbf16>, vector<1024x128xf32> -> vector<1024x128xf32>
      %get3A_53 = arith.constant 0 : index
      %get3A_54 = arith.constant 0 : index
      %get3A_55 = vector.load %arg2[%get3A_53, %get3A_54] : memref<1024x3xf32, #tpu.memory_space<vmem>>, vector<1024x3xf32>
      %get3A_56 = arith.constant 0 : index
      %get3A_57 = arith.constant 0 : index
      %get3A_58 = vector.load %arg6[%get3A_56, %get3A_57] : memref<3x128xf32, #tpu.memory_space<vmem>>, vector<3x128xf32>
      %convert_element_type3A_59 = arith.truncf %get3A_55 : vector<1024x3xf32> to vector<1024x3xbf16>
      %convert_element_type3A_60 = arith.truncf %get3A_58 : vector<3x128xf32> to vector<3x128xbf16>
      %dot_general3A_61 = arith.constant dense<0.000000e+00> : vector<1024x128xf32>
      %dot_general3A_62 = tpu.matmul %convert_element_type3A_59, %convert_element_type3A_60, %dot_general3A_61 {dimension_numbers = #tpu.dot_dimension_numbers<[1], [0], [0], [1], [0, 0, 1, 1], [], []>, transpose_lhs_hint = false} : vector<1024x3xbf16>, vector<3x128xbf16>, vector<1024x128xf32> -> vector<1024x128xf32>
      %add3A_63 = arith.addf %dot_general3A_52, %dot_general3A_62 : vector<1024x128xf32>
      %get3A_64 = arith.constant 0 : index
      %get3A_65 = arith.constant 0 : index
      %get3A_66 = vector.load %arg7[%get3A_64, %get3A_65] : memref<1x128xf32, #tpu.memory_space<vmem>>, vector<1x128xf32>
      %add3A_67 = vector.broadcast %get3A_66 : vector<1x128xf32> to vector<1024x128xf32>
      %add3A_68 = arith.addf %add3A_63, %add3A_67 : vector<1024x128xf32>
      %max3A = arith.constant 0.000000e+00 : f32
      %max3A_69 = vector.broadcast %max3A : f32 to vector<1024x128xf32>
      %max3A_70 = arith.maximumf %add3A_68, %max3A_69 : vector<1024x128xf32>
      %get3A_71 = arith.constant 0 : index
      %get3A_72 = arith.constant 0 : index
      %get3A_73 = vector.load %arg8[%get3A_71, %get3A_72] : memref<128x1xf32, #tpu.memory_space<vmem>>, vector<128x1xf32>
      %convert_element_type3A_74 = arith.truncf %max3A_70 : vector<1024x128xf32> to vector<1024x128xbf16>
      %convert_element_type3A_75 = arith.truncf %get3A_73 : vector<128x1xf32> to vector<128x1xbf16>
      %dot_general3A_76 = arith.constant dense<0.000000e+00> : vector<1024x1xf32>
      %dot_general3A_77 = tpu.matmul %convert_element_type3A_74, %convert_element_type3A_75, %dot_general3A_76 {dimension_numbers = #tpu.dot_dimension_numbers<[1], [0], [0], [1], [0, 0, 1, 1], [], []>, transpose_lhs_hint = false} : vector<1024x128xbf16>, vector<128x1xbf16>, vector<1024x1xf32> -> vector<1024x1xf32>
      %get3A_78 = arith.constant 0 : index
      %get3A_79 = arith.constant 0 : index
      %get3A_80 = vector.load %arg9[%get3A_78, %get3A_79] : memref<1x1xf32, #tpu.memory_space<vmem>>, vector<1x1xf32>
      %add3A_81 = vector.broadcast %get3A_80 : vector<1x1xf32> to vector<1024x1xf32>
      %add3A_82 = arith.addf %dot_general3A_77, %add3A_81 : vector<1024x1xf32>
      %swap3A = arith.constant 0 : index
      %swap3A_83 = arith.constant 0 : index
      %swap3A_84 = vector.load %arg10[%swap3A, %swap3A_83] : memref<1024x1xf32, #tpu.memory_space<vmem>>, vector<1024x1xf32>
      tpu.vector_store %arg10[%swap3A, %swap3A_83], %add3A_82 {strides = array<i32>} : memref<1024x1xf32, #tpu.memory_space<vmem>>, vector<1024x1xf32>,
    } else {
    }
    return
  }
  func.func @transform_0(%arg0: i32, %arg1: i32) -> (i32, i32) {
    %c0_i32 = arith.constant 0 : i32
    %c0_i32_0 = arith.constant 0 : i32
    %c0_i32_1 = arith.constant 0 : i32
    return %c0_i32, %c0_i32_0 : i32, i32
  }
  func.func @transform_1(%arg0: i32, %arg1: i32) -> (i32, i32) {
    %c0_i32 = arith.constant 0 : i32
    %c0_i32_0 = arith.constant 0 : i32
    return %c0_i32, %arg1 : i32, i32
  }
  func.func @transform_2(%arg0: i32, %arg1: i32) -> (i32, i32) {
    %c0_i32 = arith.constant 0 : i32
    %c0_i32_0 = arith.constant 0 : i32
    return %arg1, %c0_i32 : i32, i32
  }
  func.func @transform_3(%arg0: i32, %arg1: i32) -> (i32, i32) {
    %c0_i32 = arith.constant 0 : i32
    %c0_i32_0 = arith.constant 0 : i32
    %c0_i32_1 = arith.constant 0 : i32
    return %c0_i32, %c0_i32_0 : i32, i32
  }
  func.func @transform_4(%arg0: i32, %arg1: i32) -> (i32, i32) {
    %c0_i32 = arith.constant 0 : i32
    %c0_i32_0 = arith.constant 0 : i32
    %c0_i32_1 = arith.constant 0 : i32
    return %c0_i32, %c0_i32_0 : i32, i32
  }
  func.func @transform_5(%arg0: i32, %arg1: i32) -> (i32, i32) {
    %c0_i32 = arith.constant 0 : i32
    %c0_i32_0 = arith.constant 0 : i32
    %c0_i32_1 = arith.constant 0 : i32
    return %c0_i32, %c0_i32_0 : i32, i32
  }
  func.func @transform_6(%arg0: i32, %arg1: i32) -> (i32, i32) {
    %c0_i32 = arith.constant 0 : i32
    %c0_i32_0 = arith.constant 0 : i32
    %c0_i32_1 = arith.constant 0 : i32
    return %c0_i32, %c0_i32_0 : i32, i32
  }
  func.func @transform_7(%arg0: i32, %arg1: i32) -> (i32, i32) {
    %c0_i32 = arith.constant 0 : i32
    %c0_i32_0 = arith.constant 0 : i32
    %c0_i32_1 = arith.constant 0 : i32
    return %c0_i32, %c0_i32_0 : i32, i32
  }
  func.func @transform_8(%arg0: i32, %arg1: i32) -> (i32, i32) {
    %c0_i32 = arith.constant 0 : i32
    %c0_i32_0 = arith.constant 0 : i32
    %c0_i32_1 = arith.constant 0 : i32
    return %c0_i32, %c0_i32_0 : i32, i32
  }
}

</mosaic_0001>

<sc_bundles>
// kernel: kernel.11.cloned.1.call-start
scs
__scs_entry_jumppad:
0x0: {  	(pc) =	sbr.rel $0x88, $3  }
0x1: {  	(tag) =	ssettag $0x0;
	lr =	simm.s32 $0x1  }
0x2: {  	[smem:$0x3F85] =	sst lr;
	_ =	strace $0xD0000000  }
0x3: {  	_ = 	snop  }
0x4: {  	_ = 	snop  }
0x5: {  	_ = 	snop  }
0x6: {  	_ = 	snop  }
0x7: {  	_ = 	snop  }
__scs_overlays_trampoline_lowered:
0x8: {  	[smem:$0x3F94] =	sst s0  }
0x9: {  	[smem:$0x3F95] =	sst s1  }
0xa: {  	[smem:$0x3F96] =	sst s2  }
0xb: {  	[smem:$0x3F97] =	sst s3  }
0xc: {  	[smem:$0x3F98] =	sst s4  }
0xd: {  	[smem:$0x3F99] =	sst s5  }
0xe: {  	[smem:$0x3F9A] =	sst s6  }
0xf: {  	[smem:$0x3F9B] =	sst s7  }
0x10: {  	[smem:$0x3F9C] =	sst s8  }
0x11: {  	[smem:$0x3F9D] =	sst s9;
	s0 =	simm.s32 @!p0 $0x0  }
0x12: {  	s1 =	sld [smem:$0x3F83];
	s0 =	simm.s32 @p0 $0x1  }
0x13: {  	[smem:$0x3F9E] =	sst s0;
	s0 =	simm.s32 @!p1 $0x0  }
0x14: {  	s2 =	sld [smem:$0x3F82];
	s0 =	simm.s32 @p1 $0x1  }
0x15: {  	[smem:$0x3F9F] =	sst s0;
	s0 =	simm.s32 @!p2 $0x0  }
0x16: {  	s3 =	sld [smem:$0x3FDB];
	s0 =	simm.s32 @p2 $0x1  }
0x17: {  	s4 =	simm.s32 $0x1BF5;
	[smem:$0x3FA1] =	sst s0  }
0x18: {  	s0 =	sld [smem:$0x3F84];
	_ =	swait.ge [sflag:s4], $0x0  }
0x19: {  	s7 =	sld [smem:$0x3F85]  }
0x1a: {  	s8 =	sadd.s32 $0xFFFFE003, lr  }
0x1b: {  	s9 =	sadd.s32 $0xFFFFFEF7, lr;
	s5 =	simm.s32 $0xFFFFFFFF;
	p2 =	slt.u32 s8, $0xFFFFF086  }
0x1c: {  	p1 =	slt.u32 s9, $0xF7A;
	s5 =	simm.s32 @!p2 $0x0  }
0x1d: {  	s5 =	simm.s32 @p1 $0x1;
	p0 =	seq.s32 s7, s2  }
0x1e: {  	s7 =	smul.u32 @!p0 $0xF7A, s2;
	p2 =	seq.s32 @!p0 s5, $0x0  }
0x1f: {  	s9 =	smul.u32 $0xF7A, s1;
	s8 =	simm.s32 @!p0 $0x1BF5;
	p2 =	por !p2, p0  }
0x20: {  	[sflag:s8] =	ssyncset.s32 @!p0 $0xFFFFF086;
	s6 =	sadd.s32 @!p0 s3, s7;
	s7 =	simm.s32 @!p0 $0x108  }
0x21: {  	s3 =	sadd.s32 s3, s9;
	s6 =	sadd.s32 @!p0 $0x88, s6;
	s7 =	simm.s32 @p2 $0x1082  }
0x22: {  	[simem:s7], [sflag:s8] =	dma.local @!p0 [hbm:s6], $0xF7A  }
0x23: {  	s9 =	sor.u32 $0xD0000000, s2;
	s6 =	simm.s32 $0x108;
	_ =	swait.ge @!p0 [sflag:s8], $0x0  }
0x24: {  	s3 =	sadd.s32 $0x88, s3;
	s6 =	simm.s32 @!p1 $0x1082;
	[sflag:s4] =	ssyncset.s32 $0xFFFFF086  }
0x25: {  	[simem:s6], [sflag:s4] =	dma.local [hbm:s3], $0xF7A  }
0x26: {  	[smem:$0x3F85] =	sst s1;
	(tag) =	ssettag s2;
	_ =	strace s9  }
0x27: {  	s1 =	sld [smem:$0x3F95]  }
0x28: {  	s2 =	sld [smem:$0x3F96]  }
0x29: {  	s4 =	sld [smem:$0x3F98]  }
0x2a: {  	p0 =	seq.s32 s5, $0x0;
	s5 =	sld [smem:$0x3F99]  }
0x2b: {  	s6 =	sld [smem:$0x3F9A]  }
0x2c: {  	s7 =	sld [smem:$0x3F9B]  }
0x2d: {  	s3 =	simm.s32 $0x108;
	s8 =	sld [smem:$0x3F9C]  }
0x2e: {  	s3 =	simm.s32 @!p0 $0x1082;
	s9 =	sld [smem:$0x3F9D]  }
0x2f: {  	lr =	sadd.s32 s0, s3;
	s0 =	sld [smem:$0x3F94]  }
0x30: {  	s3 =	sld [smem:$0x3F97]  }
0x31: {  	[smem:$0x3FA0] =	sst s10  }
0x32: {  	s10 =	sld [smem:$0x3F9E];
	_ =	sdelay $0x3  }
0x33: {  	p0 =	seq.s32 s10, $0x1;
	s10 =	sld [smem:$0x3FA0];
	_ =	sdelay $0x3  }
0x34: {  	[smem:$0x3FA0] =	sst s10  }
0x35: {  	s10 =	sld [smem:$0x3F9F];
	_ =	sdelay $0x3  }
0x36: {  	p1 =	seq.s32 s10, $0x1;
	s10 =	sld [smem:$0x3FA0];
	_ =	sdelay $0x3  }
0x37: {  	[smem:$0x3FA0] =	sst s10  }
0x38: {  	s10 =	sld [smem:$0x3FA1]  }
0x39: {  	_ = 	snop;
	(pc) =	sbr.ind lr, $3  }
0x3a: {  	_ = 	snop  }
0x3b: {  	_ = 	snop  }
0x3c: {  	p2 =	seq.s32 s10, $0x1;
	s10 =	sld [smem:$0x3FA0]  }
0x3d: {  	_ =	shalt  }
0x3e: {  	_ =	shalt  }
0x3f: {  	_ =	shalt  }
0x40: {  	_ =	shalt  }
0x41: {  	_ =	shalt  }
0x42: {  	_ =	shalt  }
0x43: {  	_ =	shalt  }
0x44: {  	_ =	shalt  }
0x45: {  	_ =	shalt  }
0x46: {  	_ =	shalt  }
0x47: {  	_ =	shalt  }
0x48: {  	_ =	shalt  }
0x49: {  	_ =	shalt  }
0x4a: {  	_ =	shalt  }
0x4b: {  	_ =	shalt  }
0x4c: {  	_ =	shalt  }
0x4d: {  	_ =	shalt  }
0x4e: {  	_ =	shalt  }
0x4f: {  	_ =	shalt  }
0x50: {  	_ =	shalt  }
0x51: {  	_ =	shalt  }
0x52: {  	_ =	shalt  }
0x53: {  	_ =	shalt  }
0x54: {  	_ =	shalt  }
0x55: {  	_ =	shalt  }
0x56: {  	_ =	shalt  }
0x57: {  	_ =	shalt  }
0x58: {  	_ =	shalt  }
0x59: {  	_ =	shalt  }
0x5a: {  	_ =	shalt  }
0x5b: {  	_ =	shalt  }
0x5c: {  	_ =	shalt  }
0x5d: {  	_ =	shalt  }
0x5e: {  	_ =	shalt  }
0x5f: {  	_ =	shalt  }
0x60: {  	_ =	shalt  }
0x61: {  	_ =	shalt  }
0x62: {  	_ =	shalt  }
0x63: {  	_ =	shalt  }
0x64: {  	_ =	shalt  }
0x65: {  	_ =	shalt  }
0x66: {  	_ =	shalt  }
0x67: {  	_ =	shalt  }
0x68: {  	_ =	shalt  }
0x69: {  	_ =	shalt  }
0x6a: {  	_ =	shalt  }
0x6b: {  	_ =	shalt  }
0x6c: {  	_ =	shalt  }
0x6d: {  	_ =	shalt  }
0x6e: {  	_ =	shalt  }
0x6f: {  	_ =	shalt  }
0x70: {  	_ =	shalt  }
0x71: {  	_ =	shalt  }
0x72: {  	_ =	shalt  }
0x73: {  	_ =	shalt  }
0x74: {  	_ =	shalt  }
0x75: {  	_ =	shalt  }
0x76: {  	_ =	shalt  }
0x77: {  	_ =	shalt  }
0x78: {  	_ =	shalt  }
0x79: {  	_ =	shalt  }
0x7a: {  	_ =	shalt  }
0x7b: {  	_ =	shalt  }
0x7c: {  	_ =	shalt  }
0x7d: {  	_ =	shalt  }
0x7e: {  	_ =	shalt  }
0x7f: {  	_ =	shalt  }
0x80: {  	_ =	shalt  }
0x81: {  	_ =	shalt  }
0x82: {  	_ =	shalt  }
0x83: {  	_ =	shalt  }
0x84: {  	_ =	shalt  }
0x85: {  	_ =	shalt  }
0x86: {  	_ =	shalt  }
0x87: {  	_ =	shalt  }
.Lfunc_end0:
.L_simem_size_0:
called_computation.1_lowered:
.L_overlay_start_0:
0x88: {  	s2 =	sld [smem:$0x3FD9]  }
0x89: {  	s3 =	sld [smem:$0x3FFE];
	_ =	sdelay $0x1  }
0x8a: {  	s1 =	srdreg.scid  }
0x8b: {  	s0 =	sand.u32 $0x1, s1  }
0x8c: {  	s16 =	sshll.u32 s0, $0xA;
	s2 =	sadd.s32 s3, s2  }
0x8d: {  	s2 =	sadd.s32 s2, s16  }
0x8e: {  	[smem:$0x3FAC] =	sst s2  }
0x8f: {  	_ = 	snop  }
0x90: {  	(tm) =	ssettm $0x1  }
0x91: {  	s17 =	sld [smem:$0x3FFB];
	_ =	sdelay $0x3  }
0x92: {  	_ =	strace s17  }
0x93: {  	s2 =	sld [smem:$0x3FFC];
	_ =	sdelay $0x3  }
0x94: {  	_ =	strace s2  }
0x95: {  	s2 =	sld [smem:$0x3FFD];
	_ =	sdelay $0x3  }
0x96: {  	_ =	strace s2  }
0x97: {  	_ =	strace $0x8FFFFFFF  }
0x98: {  	s18 =	sld [smem:$0x3FDB];
	_ =	sdelay $0x1  }
0x99: {  	s19 =	simm.s32 $_scs_section_size  }
0x9a: {  	s4 =	simm.s32 $_size__tile_overlayer_lowered;
	s5 =	simm.s32 $_tile_overlayer_lowered  }
0x9b: {  	s22 =	simm.s32 $0x1BFF;
	s21 =	sshll.u32 s5, $0x1;
	s2 =	sadd.s32 s19, s18  }
0x9c: {  	s6 =	simm.s32 $0x0;
	s20 =	sshll.u32 s4, $0x1;
	s4 =	sadd.s32 s21, s2  }
0x9d: {  	[timem:s6], [sflag:s22] =	dma.local [hbm:s4], s20  }
0x9e: {  	_ =	swait.ge [sflag:s22], s20  }
0x9f: {  	s3 =	ssub.s32 $0x0, s20;
	[sflag:s22] =	ssyncset.done $0x0  }
0xa0: {  	[sflag:s22] =	ssyncadd.s32 s3;
	_ =	sdelay $0x1  }
0xa1: {  	s23 =	simm.s32 $0x1B8B  }
0xa2: {  	_ =	swait.ge [sflag:s23], $0x1  }
0xa3: {  	[sflag:s23] =	ssyncset.done $0x0  }
0xa4: {  	s25 =	simm.s32 $0x1B8E;
	s24 =	sld [smem:$0x3FFE];
	[sflag:s23] =	ssyncadd.s32 $0xFFFFFFFF  }
0xa5: {  	s26 =	simm.s32 $execute0_lowered;
	[smem:$0x3FD2] =	sst s25  }
0xa6: {  	s4 =	sshll.u32 s26, $0x1;
	_ =	strace $0x80000049;
	[dreg:$0x1] =	wrdreg $0xFFFFFFFF  }
0xa7: {  	s28 =	simm.s32 $_size_execute0_lowered;
	s2 =	sadd.s32 s2, s4;
	[dreg:$0x0] =	wrdreg $0x0  }
0xa8: {  	s4 =	sshll.u32 s28, $0x1;
	[dreg:$0x2] =	wrdreg s2  }
0xa9: {  	[dreg:$0x3] =	wrdreg s4  }
0xaa: {  	[dreg:$0x4] =	wrdreg $0xC0  }
0xab: {  	_ =	task [dreg:s6], $0x5FFFF  }
0xac: {  	[dreg:$0x1] =	wrdreg $0xFFFFFFFF  }
0xad: {  	[dreg:$0x0] =	wrdreg $0x60  }
0xae: {  	[dreg:$0x2] =	wrdreg s24  }
0xaf: {  	[dreg:$0x3] =	wrdreg $0x81000  }
0xb0: {  	[dreg:$0x4] =	wrdreg $0x9  }
0xb1: {  	_ =	task.clear_ibuf [dreg:s6], $0x5FFFF;
	_ =	strace $0x90000049  }
0xb2: {  	s29 =	simm.s32 $0x9;
	_ =	strace $0x8000004B  }
0xb3: {  	_ =	swait.ge [sflag:s29], $0x1  }
0xb4: {  	[sflag:s29] =	ssyncadd.s32 $0xFFFFFFFF  }
0xb5: {  	_ =	strace $0x9000004B  }
0xb6: {  	_ =	sfence  }
0xb7: {  	s30 =	sld [smem:$0x0];
	_ =	sdelay $0x2  }
0xb8: {  	s31 =	sshll.u32 s1, $0xD;
	s1 =	sshrl.u32 s1, $0x2  }
0xb9: {  	s3 =	sand.u32 $0x4000, s31;
	s1 =	sadd.s32 s1, s30  }
0xba: {  	s0 =	sor.u32 s3, s0;
	s1 =	sshll.u32 s1, $0x11  }
0xbb: {  	s0 =	sor.u32 s1, s0  }
0xbc: {  	s0 =	sadd.s32 $0x8F2B, s0  }
0xbd: {  	[sflag:s0] =	ssyncadd.remote.s32 $0x1  }
0xbe: {  	_ =	sfence.sel $0xFFFF  }
0xbf: {  	[dreg:$0x0] =	wrdreg $0xFFFFFFFF;
	(pc) =	sbr.abs _section_cstart, $3  }
0xc0: {  	[dreg:$0x1] =	wrdreg $0xFFFFFFFF  }
0xc1: {  	_ =	task.clear_ibuf [dreg:s6], $0x2FFFF;
	_ =	strace $0x9FFFFFFF  }
0xc2: {  	(tm) =	ssettm $0x7FFFFFFF  }
0xc3: {  	_ =	shalt  }
tec
execute0_lowered:
.L_overlay_start_1:
0x0: {  	(tag) =	ssettag $0x1  }
0x1: {  	s8 =	rddreg [dreg:$0x0]  }
0x2: {  	s1 =	rddreg [dreg:$0x1];
	s2 =	srdreg.scid  }
0x3: {  	s0 =	rddreg [dreg:$0x2];
	s3 =	simm.s32 $0x0;
	s16 =	simm.s32 $0x100  }
0x4: {  	s17 =	simm.s32 $0x3;
	s18 =	simm.s32 $0x80;
	s19 =	simm.s32 $0x4100  }
0x5: {  	s20 =	simm.s32 $0x1;
	s21 =	simm.s32 $0x2;
	s9 =	sand.u32 $0x1, s2  }
0x6: {  	s23 =	simm.s32 $0x0;
	s2 =	stileid.u32;
	s6 =	smul.u32 $0x13C000, s9  }
0x7: {  	[smem:$0x7FF] =	sst s3;
	s4 =	sadd.s32 $0x18200, s8;
	s7 =	smul.u32 $0x13C00, s2  }
0x8: {  	s5 =	sadd.s32 $0x40200, s8;
	_ =	strace $0x8000004A;
	s11 =	smul.u32 $0x4F000, s2  }
0x9: {  	s29 =	ssub.s32 $0x2, s9;
	s9 =	sshll.u32 s9, $0x4;
	s22 =	sshll.u32 s2, $0x6  }
0xa: {  	s31 =	sshrl.u32 s29, $0x1;
	s13 =	sor.u32 s2, s9;
	s22 =	sor.u32 $0x1C03, s22  }
0xb: {  	s10 =	sadd.s32 s7, s6;
	s6 =	sadd.s32 $0xE200, s8;
	s7 =	sadd.s32 $0x4200, s8  }
0xc: {  	s30 =	sshrl.u32 s11, $0x2;
	s15 =	ssub.s32 s29, s31;
	s10 =	sshrl.u32 s10, $0x3  }
0xd: {  	s13 =	smul.u32 $0x50, s13;
	s14 =	sadd.s32 s10, s8;
	s8 =	sadd.s32 s30, s1  }
0xe: {  	s15 =	smax.u32 s15, $0x1;
	s9 =	sadd.s32 $0x4000, s8;
	s10 =	sadd.s32 $0x8000, s8  }
0xf: {  	v0 =	vimm.f32 $0.0e+00;
	s11 =	sadd.s32 $0xC000, s8;
	s12 =	sadd.s32 $0x10000, s8;
	s14 =	sadd.s32 $0x68200, s14  }
.LBB2_1:
0x10: {  	s24 =	simm.s32 $0x0;
	s25 =	simm.s32 $0x200  }
.LBB2_2:
0x11: {  	p0 =	sne.s32 s25, $0xFE00;
	[tilespmem:s24+$0x170] =	vst v0  }
0x12: {  	[tilespmem:s24+$0x100] =	vst v0  }
0x13: {  	[tilespmem:s24+$0x110] =	vst v0  }
.Ltmp0:
0x14: {  	[tilespmem:s24+$0x120] =	vst v0;
	(pc) =	sbr.rel @p0 .LBB2_2-.Ltmp0, $4  }
0x15: {  	[tilespmem:s24+$0x130] =	vst v0  }
0x16: {  	[tilespmem:s24+$0x140] =	vst v0  }
0x17: {  	[tilespmem:s24+$0x150] =	vst v0  }
0x18: {  	[tilespmem:s24+$0x160] =	vst v0;
	s24 =	sshra.s32 s25, $0x2;
	s25 =	sadd.s32 $0x200, s25  }
0x19: {  	[tilespmem:s24+$0x170] =	vst v0  }
0x1a: {  	[tilespmem:s24+$0x100] =	vst v0  }
0x1b: {  	[tilespmem:s24+$0x110] =	vst v0  }
0x1c: {  	[tilespmem:s24+$0x120] =	vst v0  }
0x1d: {  	[tilespmem:s24+$0x130] =	vst v0  }
0x1e: {  	[tilespmem:s24+$0x140] =	vst v0  }
0x1f: {  	[tilespmem:s24+$0x150] =	vst v0  }
0x20: {  	[tilespmem:s24+$0x160] =	vst v0  }
0x21: {  	[spmem:s8] =	stream.linear.scatter [tilespmem:s16], [sflag:$0x3], $0x4000, $0x38;
	[tilespmem:$0x1BD00] =	vst v63  }
0x22: {  	_ =	swait.ge [sflag:s17], $0x4000  }
0x23: {  	[sflag:s17] =	ssyncset.done $0x0  }
0x24: {  	[sflag:s17] =	ssyncadd.s32 $0xFFFFC000  }
0x25: {  	[spmem:s9] =	stream.linear.scatter [tilespmem:s16], [sflag:$0x3], $0x4000, $0x38;
	[tilespmem:$0x1BD00] =	vst v63  }
0x26: {  	_ =	swait.ge [sflag:s17], $0x4000  }
0x27: {  	[sflag:s17] =	ssyncset.done $0x0  }
0x28: {  	[sflag:s17] =	ssyncadd.s32 $0xFFFFC000  }
0x29: {  	[spmem:s10] =	stream.linear.scatter [tilespmem:s16], [sflag:$0x3], $0x4000, $0x38;
	[tilespmem:$0x1BD00] =	vst v63  }
0x2a: {  	_ =	swait.ge [sflag:s17], $0x4000  }
0x2b: {  	[sflag:s17] =	ssyncset.done $0x0  }
0x2c: {  	[sflag:s17] =	ssyncadd.s32 $0xFFFFC000  }
0x2d: {  	[spmem:s11] =	stream.linear.scatter [tilespmem:s16], [sflag:$0x3], $0x4000, $0x38;
	[tilespmem:$0x1BD00] =	vst v63  }
0x2e: {  	_ =	swait.ge [sflag:s17], $0x4000  }
0x2f: {  	[sflag:s17] =	ssyncset.done $0x0  }
0x30: {  	[sflag:s17] =	ssyncadd.s32 $0xFFFFC000  }
0x31: {  	[spmem:s12] =	stream.linear.scatter [tilespmem:s16], [sflag:$0x3], $0x3C00, $0x38;
	[tilespmem:$0x1BD00] =	vst v63  }
0x32: {  	_ =	swait.ge [sflag:s17], $0x3C00  }
0x33: {  	[sflag:s17] =	ssyncset.done $0x0  }
0x34: {  	[sflag:s17] =	ssyncadd.s32 $0xFFFFC400  }
0x35: {  	s24 =	simm.s32 $0x0;
	s25 =	simm.s32 $0x0;
	[bflag:$0x0] =	sbarrier.arrive $0xFFFF  }
.LBB2_4:
0x36: {  	s26 =	sadd.s32 s13, s25  }
0x37: {  	s28 =	sshll.u32 s25, $0x4;
	s26 =	sshll.u32 s26, $0x4  }
0x38: {  	s28 =	sand.u32 $0x70, s28;
	s26 =	sand.u32 $0xFFFFF80, s26  }
0x39: {  	s26 =	sor.u32 s28, s26  }
0x3a: {  	s28 =	sadd.s32 s6, s26  }
0x3b: {  	[tilespmem:s24], [sflag:$0x3] =	stream.linear.gather [hbm4b:s28+s24], $0x80, $0x38;
	[tilespmem:$0x1BD00] =	vst v63  }
0x3c: {  	_ =	swait.ge [sflag:s17], $0x80  }
0x3d: {  	[sflag:s17] =	ssyncset.done $0x0  }
0x3e: {  	s26 =	sadd.s32 s7, s26;
	[sflag:s17] =	ssyncadd.s32 $0xFFFFFF80  }
0x3f: {  	[tilespmem:s18], [sflag:$0x3] =	stream.linear.gather [hbm4b:s26+s24], $0x80, $0x38;
	[tilespmem:$0x1BD00] =	vst v63  }
0x40: {  	_ =	swait.ge [sflag:s17], $0x80  }
0x41: {  	[sflag:s17] =	ssyncset.done $0x0  }
0x42: {  	[sflag:s17] =	ssyncadd.s32 $0xFFFFFF80  }
0x43: {  	[tilespmem:s16], [sflag:$0x1] =	stream.indirect.gather [hbm4b:s4+s18], $0x80, s24, s18, $0xb8;
	[tilespmem:$0x1BD00] =	vst v63  }
0x44: {  	_ = 	snop  }
0x45: {  	[tilespmem:s19], [sflag:$0x2] =	stream.indirect.gather [hbm4b:s5+s18], $0x80, s18, s18, $0xb8;
	[tilespmem:$0x1BD00] =	vst v63  }
0x46: {  	_ =	swait.ge [sflag:s20], $0x4000  }
0x47: {  	[sflag:s20] =	ssyncset.done $0x0  }
0x48: {  	[sflag:s20] =	ssyncadd.s32 $0xFFFFC000  }
0x49: {  	_ =	swait.ge [sflag:s21], $0x4000  }
0x4a: {  	[sflag:s21] =	ssyncset.done $0x0  }
0x4b: {  	s28 =	simm.s32 $0x0;
	[sflag:s21] =	ssyncadd.s32 $0xFFFFC000  }
0x4c: {  	v1 =	vld [tilespmem:s28+$0x4170]  }
0x4d: {  	v2 =	vld [tilespmem:s28+$0x170]  }
0x4e: {  	v3 =	vld [tilespmem:s28+$0x4150]  }
0x4f: {  	v4 =	vld [tilespmem:s28+$0x4130]  }
0x50: {  	v5 =	vld [tilespmem:s28+$0x4140]  }
0x51: {  	v6 =	vld [tilespmem:s28+$0x140]  }
0x52: {  	v7 =	vld [tilespmem:s28+$0x130]  }
0x53: {  	v8 =	vld [tilespmem:s28+$0x4100];
	v1 =	vadd.f32 v1, v2  }
0x54: {  	v9 =	vld [tilespmem:s28+$0x150]  }
0x55: {  	v10 =	vld [tilespmem:s28+$0x110];
	v1 =	vmax.f32 v1, $0.0e+00  }
0x56: {  	v12 =	vld [tilespmem:s28+$0x4160];
	v11 =	vmul.f32 $6.553700000e+04, v1  }
0x57: {  	v2 =	vld [tilespmem:s28+$0x4110];
	v5 =	vadd.f32 v5, v6  }
0x58: {  	v13 =	vld [tilespmem:s28+$0x100];
	v4 =	vadd.f32 v4, v7;
	v1 =	vsub.f32 v11, v1  }
0x59: {  	s26 =	simm.s32 $0x80;
	v14 =	vld [tilespmem:s28+$0x160];
	v5 =	vmax.f32 v5, $0.0e+00  }
0x5a: {  	v15 =	vld [tilespmem:s26+$0x4170];
	v4 =	vmax.f32 v4, $0.0e+00;
	v1 =	vsub.f32 v11, v1;
	v11 =	vmul.f32 $6.553700000e+04, v5  }
0x5b: {  	v6 =	vld [tilespmem:s28+$0x4120];
	v3 =	vadd.f32 v3, v9;
	v16 =	vmul.f32 $6.553700000e+04, v4  }
0x5c: {  	v7 =	vld [tilespmem:s28+$0x120];
	v2 =	vadd.f32 v2, v10;
	[tilespmem:s28+$0x170] =	vst v1;
	v5 =	vsub.f32 v11, v5  }
0x5d: {  	v3 =	vmax.f32 v3, $0.0e+00;
	v4 =	vsub.f32 v16, v4;
	v17 =	vld [tilespmem:s26+$0x170]  }
0x5e: {  	v2 =	vmax.f32 v2, $0.0e+00;
	v1 =	vld [tilespmem:s26+$0x4150];
	v5 =	vsub.f32 v11, v5;
	v11 =	vmul.f32 $6.553700000e+04, v3  }
0x5f: {  	v8 =	vadd.f32 v8, v13;
	v4 =	vsub.f32 v16, v4;
	v13 =	vmul.f32 $6.553700000e+04, v2;
	v9 =	vld [tilespmem:s26+$0x4130]  }
0x60: {  	v10 =	vld [tilespmem:s26+$0x4140];
	[tilespmem:s28+$0x140] =	vst v5;
	v3 =	vsub.f32 v11, v3  }
0x61: {  	v8 =	vmax.f32 v8, $0.0e+00;
	v18 =	vsub.f32 v13, v2;
	v5 =	vld [tilespmem:s26+$0x140];
	[tilespmem:s28+$0x130] =	vst v4  }
0x62: {  	v61 =	vld [tilespmem:s26+$0x130];
	v3 =	vsub.f32 v11, v3;
	v11 =	vadd.f32 v12, v14;
	v12 =	vmul.f32 $6.553700000e+04, v8  }
0x63: {  	v7 =	vadd.f32 v6, v7;
	v2 =	vld [tilespmem:s26+$0x4100]  }
0x64: {  	v13 =	vsub.f32 v13, v18;
	v4 =	vld [tilespmem:s26+$0x4110];
	[tilespmem:s28+$0x150] =	vst v3;
	v3 =	vmax.f32 v11, $0.0e+00;
	v8 =	vsub.f32 v12, v8  }
0x65: {  	v11 =	vadd.f32 v15, v17;
	v15 =	vmax.f32 v7, $0.0e+00;
	v14 =	vmul.f32 $6.553700000e+04, v3  }
0x66: {  	v62 =	vmul.f32 $6.553700000e+04, v15  }
0x67: {  	v6 =	vld [tilespmem:s26+$0x150];
	[tilespmem:s28+$0x110] =	vst v13;
	v12 =	vsub.f32 v12, v8;
	v11 =	vmax.f32 v11, $0.0e+00;
	v13 =	vsub.f32 v14, v3  }
0x68: {  	v8 =	vld [tilespmem:s26+$0x110];
	v5 =	vadd.f32 v10, v5;
	v7 =	vmul.f32 $6.553700000e+04, v11;
	v10 =	vsub.f32 v62, v15  }
0x69: {  	v3 =	vld [tilespmem:s26+$0x4160];
	v15 =	vadd.f32 v9, v61;
	[tilespmem:s28+$0x100] =	vst v12;
	v63 =	vsub.f32 v14, v13  }
0x6a: {  	v12 =	vmax.f32 v5, $0.0e+00;
	v9 =	vld [tilespmem:s26+$0x100];
	v13 =	vsub.f32 v7, v11;
	v14 =	vsub.f32 v62, v10  }
0x6b: {  	s29 =	simm.s32 $0x400;
	v5 =	vld [tilespmem:s26+$0x4120];
	v11 =	vmax.f32 v15, $0.0e+00;
	v10 =	vmul.f32 $6.553700000e+04, v12;
	[tilespmem:s28+$0x160] =	vst v63  }
.LBB2_5:
0x6c: {  	s30 =	sshra.s32 s29, $0x2;
	p0 =	sne.s32 s29, $0xFE00;
	s29 =	sadd.s32 $0x200, s29;
	v15 =	vmul.f32 $6.553700000e+04, v11;
	v1 =	vadd.f32 v1, v6;
	v6 =	vld [tilespmem:s26+$0x160];
	v7 =	vsub.f32 v7, v13;
	[tilespmem:s28+$0x120] =	vst v14  }
0x6d: {  	s28 =	smov.u32 s26;
	v4 =	vadd.f32 v4, v8;
	v8 =	vld [tilespmem:s26+$0x120];
	v12 =	vsub.f32 v10, v12;
	s26 =	smov.u32 s30  }
0x6e: {  	v13 =	vld [tilespmem:s26+$0x4170];
	v14 =	vmax.f32 v1, $0.0e+00;
	[tilespmem:s28+$0x170] =	vst v7  }
0x6f: {  	v7 =	vld [tilespmem:s26+$0x170];
	v2 =	vadd.f32 v2, v9;
	v4 =	vmax.f32 v4, $0.0e+00;
	v9 =	vsub.f32 v15, v11  }
0x70: {  	v10 =	vsub.f32 v10, v12;
	v12 =	vmul.f32 $6.553700000e+04, v14;
	v1 =	vld [tilespmem:s26+$0x4150];
	v11 =	vmul.f32 $6.553700000e+04, v4  }
0x71: {  	v16 =	vld [tilespmem:s26+$0x4130];
	v17 =	vmax.f32 v2, $0.0e+00;
	v2 =	vsub.f32 v15, v9;
	v3 =	vadd.f32 v3, v6  }
0x72: {  	v6 =	vsub.f32 v12, v14;
	v9 =	vld [tilespmem:s26+$0x4140];
	v5 =	vadd.f32 v5, v8;
	[tilespmem:s28+$0x140] =	vst v10  }
0x73: {  	v8 =	vmul.f32 $6.553700000e+04, v17;
	v4 =	vsub.f32 v11, v4;
	v10 =	vld [tilespmem:s26+$0x140];
	[tilespmem:s28+$0x130] =	vst v2;
	v3 =	vmax.f32 v3, $0.0e+00  }
0x74: {  	v6 =	vsub.f32 v12, v6;
	v14 =	vld [tilespmem:s26+$0x130];
	v7 =	vadd.f32 v13, v7;
	v12 =	vmul.f32 $6.553700000e+04, v3  }
0x75: {  	v13 =	vsub.f32 v8, v17;
	v11 =	vsub.f32 v11, v4;
	v5 =	vmax.f32 v5, $0.0e+00;
	v2 =	vld [tilespmem:s26+$0x4100]  }
0x76: {  	v17 =	vmul.f32 $6.553700000e+04, v5;
	v4 =	vld [tilespmem:s26+$0x4110];
	v15 =	vmax.f32 v7, $0.0e+00;
	[tilespmem:s28+$0x150] =	vst v6;
	v18 =	vsub.f32 v12, v3  }
.Ltmp1:
0x77: {  	v13 =	vsub.f32 v8, v13;
	v6 =	vld [tilespmem:s26+$0x150];
	v7 =	vmul.f32 $6.553700000e+04, v15;
	[tilespmem:s28+$0x110] =	vst v11;
	(pc) =	sbr.rel @p0 .LBB2_5-.Ltmp1, $4  }
0x78: {  	v5 =	vsub.f32 v17, v5;
	v8 =	vld [tilespmem:s26+$0x110];
	v10 =	vadd.f32 v9, v10  }
0x79: {  	v11 =	vadd.f32 v16, v14;
	v3 =	vld [tilespmem:s26+$0x4160];
	[tilespmem:s28+$0x100] =	vst v13;
	v16 =	vsub.f32 v12, v18  }
0x7a: {  	v13 =	vsub.f32 v7, v15;
	v14 =	vsub.f32 v17, v5;
	v9 =	vld [tilespmem:s26+$0x100];
	v12 =	vmax.f32 v10, $0.0e+00  }
0x7b: {  	v5 =	vld [tilespmem:s26+$0x4120];
	v11 =	vmax.f32 v11, $0.0e+00;
	v10 =	vmul.f32 $6.553700000e+04, v12;
	[tilespmem:s28+$0x160] =	vst v16  }
0x7c: {  	v15 =	vld [tilespmem:s26+$0x160];
	[tilespmem:s28+$0x120] =	vst v14  }
0x7d: {  	v1 =	vadd.f32 v1, v6;
	v57 =	vmul.f32 $6.553700000e+04, v11;
	v56 =	vld [tilespmem:s26+$0x120]  }
0x7e: {  	v4 =	vadd.f32 v4, v8;
	v12 =	vsub.f32 v10, v12  }
0x7f: {  	v7 =	vsub.f32 v7, v13;
	v1 =	vmax.f32 v1, $0.0e+00;
	v58 =	vsub.f32 v57, v11  }
0x80: {  	v4 =	vmax.f32 v4, $0.0e+00;
	v2 =	vadd.f32 v2, v9;
	v10 =	vsub.f32 v10, v12  }
0x81: {  	v60 =	vmul.f32 $6.553700000e+04, v1;
	v59 =	vmul.f32 $6.553700000e+04, v4;
	v3 =	vadd.f32 v3, v15  }
0x82: {  	v8 =	vsub.f32 v57, v58;
	v2 =	vmax.f32 v2, $0.0e+00;
	v5 =	vadd.f32 v5, v56  }
0x83: {  	v1 =	vsub.f32 v60, v1;
	v61 =	vmul.f32 $6.553700000e+04, v2;
	v3 =	vmax.f32 v3, $0.0e+00  }
0x84: {  	[tilespmem:s26+$0x170] =	vst v7;
	v4 =	vsub.f32 v59, v4;
	v62 =	vmul.f32 $6.553700000e+04, v3;
	v5 =	vmax.f32 v5, $0.0e+00  }
0x85: {  	[tilespmem:s26+$0x140] =	vst v10;
	v1 =	vsub.f32 v60, v1;
	v2 =	vsub.f32 v61, v2;
	v63 =	vmul.f32 $6.553700000e+04, v5  }
0x86: {  	[tilespmem:s26+$0x130] =	vst v8;
	v4 =	vsub.f32 v59, v4;
	v3 =	vsub.f32 v62, v3  }
0x87: {  	[tilespmem:s26+$0x150] =	vst v1;
	v1 =	vsub.f32 v61, v2;
	v2 =	vsub.f32 v63, v5  }
0x88: {  	[tilespmem:s26+$0x110] =	vst v4;
	v3 =	vsub.f32 v62, v3  }
0x89: {  	s25 =	sadd.s32 $0x1, s25;
	[tilespmem:s26+$0x100] =	vst v1;
	v1 =	vsub.f32 v63, v2  }
0x8a: {  	p0 =	sne.s32 s25, $0x50;
	[tilespmem:s26+$0x160] =	vst v3  }
.Ltmp2:
0x8b: {  	[tilespmem:s26+$0x120] =	vst v1;
	(pc) =	sbr.rel @p0 .LBB2_4-.Ltmp2, $4  }
0x8c: {  	[spmem:s1] =	stream.indirect.scatter.add.f32 [tilespmem:s16], [sflag:$0x3], $0x80, s3, s18, $0xb8;
	[tilespmem:$0x1BD00] =	vst v63  }
0x8d: {  	_ =	swait.ge [sflag:s17], $0x4000  }
0x8e: {  	[sflag:s17] =	ssyncset.done $0x0  }
0x8f: {  	[sflag:s17] =	ssyncadd.s32 $0xFFFFC000  }
0x90: {  	s23 =	sadd.s32 $0x1, s23  }
0x91: {  	p0 =	sne.s32 s23, s15  }
.Ltmp3:
0x92: {  	[bflag:$0x0] =	sbarrier.arrive $0xFFFF;
	s24 =	sshrl.u32 s8, $0x3;
	(pc) =	sbr.rel @p0 .LBB2_1-.Ltmp3, $4  }
0x93: {  	[hbm:s14], [sflag:s22] =	dma.local [spmem:s24], $0x2780  }
0x94: {  	_ =	swait.ge [sflag:s17], $0x2780  }
0x95: {  	[sflag:s17] =	ssyncset.done $0x0  }
0x96: {  	[sflag:s17] =	ssyncadd.s32 $0xFFFFD880  }
0x97: {  	_ =	sfence.sel $0x180000  }
0x98: {  	[bflag:$0x0] =	sbarrier.arrive $0xFFFF  }
0x99: {  	p0 =	sne.s32 s2, $0x0;
	_ =	strace $0x9000004A  }
0x9a: {  	s0 =	sadd.s32 @!p0 $0x100000, s0;
	[bflag:$0x2] =	sbarrier.arrive $0xFFFF  }
0x9b: {  	[sflag:s0] =	ssyncadd.tile.s32 @!p0 $0x1;
	_ =	shalt  }
.Lfunc_end2:
_tile_overlayer_lowered:
.L_overlay_start_2:
0x9c: {  	(tag) =	ssettag $0x2  }
0x9d: {  	s0 =	rddreg [dreg:$0x0];
	s2 =	stileid.u32  }
0x9e: {  	s1 =	rddreg [dreg:$0x1];
	p0 =	sne.s32 s2, $0x0  }
0x9f: {  	s3 =	rddreg [dreg:$0x2];
	[bflag:$0x3] =	sbarrier.arrive $0xFFFF;
	s2 =	simm.s32 @!p0 $0x1C03  }
0xa0: {  	[timem:s3], [sflag:s2] =	dma.local @!p0 [hbm:s0], s1  }
0xa1: {  	s0 =	simm.s32 @!p0 $0x3  }
0xa2: {  	_ =	swait.ge @!p0 [sflag:s0], s1  }
0xa3: {  	s1 =	ssub.s32 @!p0 $0x0, s1;
	[sflag:s0] =	ssyncset.done @!p0 $0x0  }
0xa4: {  	[sflag:s0] =	ssyncadd.s32 @!p0 s1  }
0xa5: {  	[bflag:$0x3] =	sbarrier.arrive $0xFFFF  }
0xa6: {  	_ =	shalt  }

// kernel: kernel.8.cloned.1.call-start
scs
__scs_entry_jumppad:
0x0: {  	(pc) =	sbr.rel $0x88, $3  }
0x1: {  	(tag) =	ssettag $0x0;
	lr =	simm.s32 $0x1  }
0x2: {  	[smem:$0x3F85] =	sst lr;
	_ =	strace $0xD0000000  }
0x3: {  	_ = 	snop  }
0x4: {  	_ = 	snop  }
0x5: {  	_ = 	snop  }
0x6: {  	_ = 	snop  }
0x7: {  	_ = 	snop  }
__scs_overlays_trampoline_lowered:
0x8: {  	[smem:$0x3F94] =	sst s0  }
0x9: {  	[smem:$0x3F95] =	sst s1  }
0xa: {  	[smem:$0x3F96] =	sst s2  }
0xb: {  	[smem:$0x3F97] =	sst s3  }
0xc: {  	[smem:$0x3F98] =	sst s4  }
0xd: {  	[smem:$0x3F99] =	sst s5  }
0xe: {  	[smem:$0x3F9A] =	sst s6  }
0xf: {  	[smem:$0x3F9B] =	sst s7  }
0x10: {  	[smem:$0x3F9C] =	sst s8  }
0x11: {  	[smem:$0x3F9D] =	sst s9;
	s0 =	simm.s32 @!p0 $0x0  }
0x12: {  	s1 =	sld [smem:$0x3F83];
	s0 =	simm.s32 @p0 $0x1  }
0x13: {  	[smem:$0x3F9E] =	sst s0;
	s0 =	simm.s32 @!p1 $0x0  }
0x14: {  	s2 =	sld [smem:$0x3F82];
	s0 =	simm.s32 @p1 $0x1  }
0x15: {  	[smem:$0x3F9F] =	sst s0;
	s0 =	simm.s32 @!p2 $0x0  }
0x16: {  	s3 =	sld [smem:$0x3FDB];
	s0 =	simm.s32 @p2 $0x1  }
0x17: {  	s4 =	simm.s32 $0x1BF5;
	[smem:$0x3FA1] =	sst s0  }
0x18: {  	s0 =	sld [smem:$0x3F84];
	_ =	swait.ge [sflag:s4], $0x0  }
0x19: {  	s7 =	sld [smem:$0x3F85]  }
0x1a: {  	s8 =	sadd.s32 $0xFFFFE003, lr  }
0x1b: {  	s9 =	sadd.s32 $0xFFFFFEF7, lr;
	s5 =	simm.s32 $0xFFFFFFFF;
	p2 =	slt.u32 s8, $0xFFFFF086  }
0x1c: {  	p1 =	slt.u32 s9, $0xF7A;
	s5 =	simm.s32 @!p2 $0x0  }
0x1d: {  	s5 =	simm.s32 @p1 $0x1;
	p0 =	seq.s32 s7, s2  }
0x1e: {  	s7 =	smul.u32 @!p0 $0xF7A, s2;
	p2 =	seq.s32 @!p0 s5, $0x0  }
0x1f: {  	s9 =	smul.u32 $0xF7A, s1;
	s8 =	simm.s32 @!p0 $0x1BF5;
	p2 =	por !p2, p0  }
0x20: {  	[sflag:s8] =	ssyncset.s32 @!p0 $0xFFFFF086;
	s6 =	sadd.s32 @!p0 s3, s7;
	s7 =	simm.s32 @!p0 $0x108  }
0x21: {  	s3 =	sadd.s32 s3, s9;
	s6 =	sadd.s32 @!p0 $0x88, s6;
	s7 =	simm.s32 @p2 $0x1082  }
0x22: {  	[simem:s7], [sflag:s8] =	dma.local @!p0 [hbm:s6], $0xF7A  }
0x23: {  	s9 =	sor.u32 $0xD0000000, s2;
	s6 =	simm.s32 $0x108;
	_ =	swait.ge @!p0 [sflag:s8], $0x0  }
0x24: {  	s3 =	sadd.s32 $0x88, s3;
	s6 =	simm.s32 @!p1 $0x1082;
	[sflag:s4] =	ssyncset.s32 $0xFFFFF086  }
0x25: {  	[simem:s6], [sflag:s4] =	dma.local [hbm:s3], $0xF7A  }
0x26: {  	[smem:$0x3F85] =	sst s1;
	(tag) =	ssettag s2;
	_ =	strace s9  }
0x27: {  	s1 =	sld [smem:$0x3F95]  }
0x28: {  	s2 =	sld [smem:$0x3F96]  }
0x29: {  	s4 =	sld [smem:$0x3F98]  }
0x2a: {  	p0 =	seq.s32 s5, $0x0;
	s5 =	sld [smem:$0x3F99]  }
0x2b: {  	s6 =	sld [smem:$0x3F9A]  }
0x2c: {  	s7 =	sld [smem:$0x3F9B]  }
0x2d: {  	s3 =	simm.s32 $0x108;
	s8 =	sld [smem:$0x3F9C]  }
0x2e: {  	s3 =	simm.s32 @!p0 $0x1082;
	s9 =	sld [smem:$0x3F9D]  }
0x2f: {  	lr =	sadd.s32 s0, s3;
	s0 =	sld [smem:$0x3F94]  }
0x30: {  	s3 =	sld [smem:$0x3F97]  }
0x31: {  	[smem:$0x3FA0] =	sst s10  }
0x32: {  	s10 =	sld [smem:$0x3F9E];
	_ =	sdelay $0x3  }
0x33: {  	p0 =	seq.s32 s10, $0x1;
	s10 =	sld [smem:$0x3FA0];
	_ =	sdelay $0x3  }
0x34: {  	[smem:$0x3FA0] =	sst s10  }
0x35: {  	s10 =	sld [smem:$0x3F9F];
	_ =	sdelay $0x3  }
0x36: {  	p1 =	seq.s32 s10, $0x1;
	s10 =	sld [smem:$0x3FA0];
	_ =	sdelay $0x3  }
0x37: {  	[smem:$0x3FA0] =	sst s10  }
0x38: {  	s10 =	sld [smem:$0x3FA1]  }
0x39: {  	_ = 	snop;
	(pc) =	sbr.ind lr, $3  }
0x3a: {  	_ = 	snop  }
0x3b: {  	_ = 	snop  }
0x3c: {  	p2 =	seq.s32 s10, $0x1;
	s10 =	sld [smem:$0x3FA0]  }
0x3d: {  	_ =	shalt  }
0x3e: {  	_ =	shalt  }
0x3f: {  	_ =	shalt  }
0x40: {  	_ =	shalt  }
0x41: {  	_ =	shalt  }
0x42: {  	_ =	shalt  }
0x43: {  	_ =	shalt  }
0x44: {  	_ =	shalt  }
0x45: {  	_ =	shalt  }
0x46: {  	_ =	shalt  }
0x47: {  	_ =	shalt  }
0x48: {  	_ =	shalt  }
0x49: {  	_ =	shalt  }
0x4a: {  	_ =	shalt  }
0x4b: {  	_ =	shalt  }
0x4c: {  	_ =	shalt  }
0x4d: {  	_ =	shalt  }
0x4e: {  	_ =	shalt  }
0x4f: {  	_ =	shalt  }
0x50: {  	_ =	shalt  }
0x51: {  	_ =	shalt  }
0x52: {  	_ =	shalt  }
0x53: {  	_ =	shalt  }
0x54: {  	_ =	shalt  }
0x55: {  	_ =	shalt  }
0x56: {  	_ =	shalt  }
0x57: {  	_ =	shalt  }
0x58: {  	_ =	shalt  }
0x59: {  	_ =	shalt  }
0x5a: {  	_ =	shalt  }
0x5b: {  	_ =	shalt  }
0x5c: {  	_ =	shalt  }
0x5d: {  	_ =	shalt  }
0x5e: {  	_ =	shalt  }
0x5f: {  	_ =	shalt  }
0x60: {  	_ =	shalt  }
0x61: {  	_ =	shalt  }
0x62: {  	_ =	shalt  }
0x63: {  	_ =	shalt  }
0x64: {  	_ =	shalt  }
0x65: {  	_ =	shalt  }
0x66: {  	_ =	shalt  }
0x67: {  	_ =	shalt  }
0x68: {  	_ =	shalt  }
0x69: {  	_ =	shalt  }
0x6a: {  	_ =	shalt  }
0x6b: {  	_ =	shalt  }
0x6c: {  	_ =	shalt  }
0x6d: {  	_ =	shalt  }
0x6e: {  	_ =	shalt  }
0x6f: {  	_ =	shalt  }
0x70: {  	_ =	shalt  }
0x71: {  	_ =	shalt  }
0x72: {  	_ =	shalt  }
0x73: {  	_ =	shalt  }
0x74: {  	_ =	shalt  }
0x75: {  	_ =	shalt  }
0x76: {  	_ =	shalt  }
0x77: {  	_ =	shalt  }
0x78: {  	_ =	shalt  }
0x79: {  	_ =	shalt  }
0x7a: {  	_ =	shalt  }
0x7b: {  	_ =	shalt  }
0x7c: {  	_ =	shalt  }
0x7d: {  	_ =	shalt  }
0x7e: {  	_ =	shalt  }
0x7f: {  	_ =	shalt  }
0x80: {  	_ =	shalt  }
0x81: {  	_ =	shalt  }
0x82: {  	_ =	shalt  }
0x83: {  	_ =	shalt  }
0x84: {  	_ =	shalt  }
0x85: {  	_ =	shalt  }
0x86: {  	_ =	shalt  }
0x87: {  	_ =	shalt  }
.Lfunc_end0:
.L_simem_size_0:
called_computation_lowered:
.L_overlay_start_0:
0x88: {  	s2 =	sld [smem:$0x3FD9]  }
0x89: {  	s3 =	sld [smem:$0x3FFE];
	_ =	sdelay $0x1  }
0x8a: {  	s1 =	srdreg.scid  }
0x8b: {  	s0 =	sand.u32 $0x1, s1  }
0x8c: {  	s16 =	sshll.u32 s0, $0xA;
	s2 =	sadd.s32 s3, s2  }
0x8d: {  	s2 =	sadd.s32 s2, s16  }
0x8e: {  	[smem:$0x3FAC] =	sst s2  }
0x8f: {  	_ = 	snop  }
0x90: {  	(tm) =	ssettm $0x1  }
0x91: {  	s17 =	sld [smem:$0x3FFB];
	_ =	sdelay $0x3  }
0x92: {  	_ =	strace s17  }
0x93: {  	s2 =	sld [smem:$0x3FFC];
	_ =	sdelay $0x3  }
0x94: {  	_ =	strace s2  }
0x95: {  	s2 =	sld [smem:$0x3FFD];
	_ =	sdelay $0x3  }
0x96: {  	_ =	strace s2  }
0x97: {  	_ =	strace $0x8FFFFFFF  }
0x98: {  	s18 =	sld [smem:$0x3FDB];
	_ =	sdelay $0x1  }
0x99: {  	s19 =	simm.s32 $_scs_section_size  }
0x9a: {  	s4 =	simm.s32 $_size__tile_overlayer_lowered;
	s5 =	simm.s32 $_tile_overlayer_lowered  }
0x9b: {  	s22 =	simm.s32 $0x1BFF;
	s21 =	sshll.u32 s5, $0x1;
	s2 =	sadd.s32 s19, s18  }
0x9c: {  	s6 =	simm.s32 $0x0;
	s20 =	sshll.u32 s4, $0x1;
	s4 =	sadd.s32 s21, s2  }
0x9d: {  	[timem:s6], [sflag:s22] =	dma.local [hbm:s4], s20  }
0x9e: {  	_ =	swait.ge [sflag:s22], s20  }
0x9f: {  	s3 =	ssub.s32 $0x0, s20;
	[sflag:s22] =	ssyncset.done $0x0  }
0xa0: {  	[sflag:s22] =	ssyncadd.s32 s3;
	_ =	sdelay $0x1  }
0xa1: {  	s23 =	simm.s32 $0x1B8B  }
0xa2: {  	_ =	swait.ge [sflag:s23], $0x1  }
0xa3: {  	[sflag:s23] =	ssyncset.done $0x0  }
0xa4: {  	s25 =	simm.s32 $0x1B8E;
	s24 =	sld [smem:$0x3FFE];
	[sflag:s23] =	ssyncadd.s32 $0xFFFFFFFF  }
0xa5: {  	s26 =	simm.s32 $execute0_lowered;
	[smem:$0x3FD2] =	sst s25  }
0xa6: {  	s4 =	sshll.u32 s26, $0x1;
	_ =	strace $0x80000046;
	[dreg:$0x1] =	wrdreg $0xFFFFFFFF  }
0xa7: {  	s28 =	simm.s32 $_size_execute0_lowered;
	s2 =	sadd.s32 s2, s4;
	[dreg:$0x0] =	wrdreg $0x0  }
0xa8: {  	s4 =	sshll.u32 s28, $0x1;
	[dreg:$0x2] =	wrdreg s2  }
0xa9: {  	[dreg:$0x3] =	wrdreg s4  }
0xaa: {  	[dreg:$0x4] =	wrdreg $0xC0  }
0xab: {  	_ =	task [dreg:s6], $0x5FFFF  }
0xac: {  	[dreg:$0x1] =	wrdreg $0xFFFFFFFF  }
0xad: {  	[dreg:$0x0] =	wrdreg $0x60  }
0xae: {  	[dreg:$0x2] =	wrdreg s24  }
0xaf: {  	[dreg:$0x3] =	wrdreg $0x81000  }
0xb0: {  	[dreg:$0x4] =	wrdreg $0x9  }
0xb1: {  	_ =	task.clear_ibuf [dreg:s6], $0x5FFFF;
	_ =	strace $0x90000046  }
0xb2: {  	s29 =	simm.s32 $0x9;
	_ =	strace $0x80000048  }
0xb3: {  	_ =	swait.ge [sflag:s29], $0x1  }
0xb4: {  	[sflag:s29] =	ssyncadd.s32 $0xFFFFFFFF  }
0xb5: {  	_ =	strace $0x90000048  }
0xb6: {  	_ =	sfence  }
0xb7: {  	s30 =	sld [smem:$0x0];
	_ =	sdelay $0x2  }
0xb8: {  	s31 =	sshll.u32 s1, $0xD;
	s1 =	sshrl.u32 s1, $0x2  }
0xb9: {  	s3 =	sand.u32 $0x4000, s31;
	s1 =	sadd.s32 s1, s30  }
0xba: {  	s0 =	sor.u32 s3, s0;
	s1 =	sshll.u32 s1, $0x11  }
0xbb: {  	s0 =	sor.u32 s1, s0  }
0xbc: {  	s0 =	sadd.s32 $0x8F2B, s0  }
0xbd: {  	[sflag:s0] =	ssyncadd.remote.s32 $0x1  }
0xbe: {  	_ =	sfence.sel $0xFFFF  }
0xbf: {  	[dreg:$0x0] =	wrdreg $0xFFFFFFFF;
	(pc) =	sbr.abs _section_cstart, $3  }
0xc0: {  	[dreg:$0x1] =	wrdreg $0xFFFFFFFF  }
0xc1: {  	_ =	task.clear_ibuf [dreg:s6], $0x2FFFF;
	_ =	strace $0x9FFFFFFF  }
0xc2: {  	(tm) =	ssettm $0x7FFFFFFF  }
0xc3: {  	_ =	shalt  }
tec
execute0_lowered:
.L_overlay_start_1:
0x0: {  	(tag) =	ssettag $0x1  }
0x1: {  	s8 =	rddreg [dreg:$0x0]  }
0x2: {  	s1 =	rddreg [dreg:$0x1];
	s2 =	srdreg.scid  }
0x3: {  	s0 =	rddreg [dreg:$0x2];
	s3 =	simm.s32 $0x0;
	s16 =	simm.s32 $0x100  }
0x4: {  	s17 =	simm.s32 $0x3;
	s18 =	simm.s32 $0x80;
	s19 =	simm.s32 $0x4100  }
0x5: {  	s20 =	simm.s32 $0x1;
	s21 =	simm.s32 $0x2;
	s9 =	sand.u32 $0x1, s2  }
0x6: {  	s23 =	simm.s32 $0x0;
	s2 =	stileid.u32;
	s6 =	smul.u32 $0x13C000, s9  }
0x7: {  	[smem:$0x7FF] =	sst s3;
	s4 =	sadd.s32 $0x18200, s8;
	s7 =	smul.u32 $0x13C00, s2  }
0x8: {  	s5 =	sadd.s32 $0x40200, s8;
	_ =	strace $0x80000047;
	s11 =	smul.u32 $0x4F000, s2  }
0x9: {  	s29 =	ssub.s32 $0x2, s9;
	s9 =	sshll.u32 s9, $0x4;
	s22 =	sshll.u32 s2, $0x6  }
0xa: {  	s31 =	sshrl.u32 s29, $0x1;
	s13 =	sor.u32 s2, s9;
	s22 =	sor.u32 $0x1C03, s22  }
0xb: {  	s10 =	sadd.s32 s7, s6;
	s6 =	sadd.s32 $0xE200, s8;
	s7 =	sadd.s32 $0x4200, s8  }
0xc: {  	s30 =	sshrl.u32 s11, $0x2;
	s15 =	ssub.s32 s29, s31;
	s10 =	sshrl.u32 s10, $0x3  }
0xd: {  	s13 =	smul.u32 $0x50, s13;
	s14 =	sadd.s32 s10, s8;
	s8 =	sadd.s32 s30, s1  }
0xe: {  	s15 =	smax.u32 s15, $0x1;
	s9 =	sadd.s32 $0x4000, s8;
	s10 =	sadd.s32 $0x8000, s8  }
0xf: {  	v0 =	vimm.f32 $0.0e+00;
	s11 =	sadd.s32 $0xC000, s8;
	s12 =	sadd.s32 $0x10000, s8;
	s14 =	sadd.s32 $0x68200, s14  }
.LBB2_1:
0x10: {  	s24 =	simm.s32 $0x0;
	s25 =	simm.s32 $0x200  }
.LBB2_2:
0x11: {  	p0 =	sne.s32 s25, $0xFE00;
	[tilespmem:s24+$0x170] =	vst v0  }
0x12: {  	[tilespmem:s24+$0x100] =	vst v0  }
0x13: {  	[tilespmem:s24+$0x110] =	vst v0  }
.Ltmp0:
0x14: {  	[tilespmem:s24+$0x120] =	vst v0;
	(pc) =	sbr.rel @p0 .LBB2_2-.Ltmp0, $4  }
0x15: {  	[tilespmem:s24+$0x130] =	vst v0  }
0x16: {  	[tilespmem:s24+$0x140] =	vst v0  }
0x17: {  	[tilespmem:s24+$0x150] =	vst v0  }
0x18: {  	[tilespmem:s24+$0x160] =	vst v0;
	s24 =	sshra.s32 s25, $0x2;
	s25 =	sadd.s32 $0x200, s25  }
0x19: {  	[tilespmem:s24+$0x170] =	vst v0  }
0x1a: {  	[tilespmem:s24+$0x100] =	vst v0  }
0x1b: {  	[tilespmem:s24+$0x110] =	vst v0  }
0x1c: {  	[tilespmem:s24+$0x120] =	vst v0  }
0x1d: {  	[tilespmem:s24+$0x130] =	vst v0  }
0x1e: {  	[tilespmem:s24+$0x140] =	vst v0  }
0x1f: {  	[tilespmem:s24+$0x150] =	vst v0  }
0x20: {  	[tilespmem:s24+$0x160] =	vst v0  }
0x21: {  	[spmem:s8] =	stream.linear.scatter [tilespmem:s16], [sflag:$0x3], $0x4000, $0x38;
	[tilespmem:$0x1BD00] =	vst v63  }
0x22: {  	_ =	swait.ge [sflag:s17], $0x4000  }
0x23: {  	[sflag:s17] =	ssyncset.done $0x0  }
0x24: {  	[sflag:s17] =	ssyncadd.s32 $0xFFFFC000  }
0x25: {  	[spmem:s9] =	stream.linear.scatter [tilespmem:s16], [sflag:$0x3], $0x4000, $0x38;
	[tilespmem:$0x1BD00] =	vst v63  }
0x26: {  	_ =	swait.ge [sflag:s17], $0x4000  }
0x27: {  	[sflag:s17] =	ssyncset.done $0x0  }
0x28: {  	[sflag:s17] =	ssyncadd.s32 $0xFFFFC000  }
0x29: {  	[spmem:s10] =	stream.linear.scatter [tilespmem:s16], [sflag:$0x3], $0x4000, $0x38;
	[tilespmem:$0x1BD00] =	vst v63  }
0x2a: {  	_ =	swait.ge [sflag:s17], $0x4000  }
0x2b: {  	[sflag:s17] =	ssyncset.done $0x0  }
0x2c: {  	[sflag:s17] =	ssyncadd.s32 $0xFFFFC000  }
0x2d: {  	[spmem:s11] =	stream.linear.scatter [tilespmem:s16], [sflag:$0x3], $0x4000, $0x38;
	[tilespmem:$0x1BD00] =	vst v63  }
0x2e: {  	_ =	swait.ge [sflag:s17], $0x4000  }
0x2f: {  	[sflag:s17] =	ssyncset.done $0x0  }
0x30: {  	[sflag:s17] =	ssyncadd.s32 $0xFFFFC000  }
0x31: {  	[spmem:s12] =	stream.linear.scatter [tilespmem:s16], [sflag:$0x3], $0x3C00, $0x38;
	[tilespmem:$0x1BD00] =	vst v63  }
0x32: {  	_ =	swait.ge [sflag:s17], $0x3C00  }
0x33: {  	[sflag:s17] =	ssyncset.done $0x0  }
0x34: {  	[sflag:s17] =	ssyncadd.s32 $0xFFFFC400  }
0x35: {  	s24 =	simm.s32 $0x0;
	s25 =	simm.s32 $0x0;
	[bflag:$0x0] =	sbarrier.arrive $0xFFFF  }
.LBB2_4:
0x36: {  	s26 =	sadd.s32 s13, s25  }
0x37: {  	s28 =	sshll.u32 s25, $0x4;
	s26 =	sshll.u32 s26, $0x4  }
0x38: {  	s28 =	sand.u32 $0x70, s28;
	s26 =	sand.u32 $0xFFFFF80, s26  }
0x39: {  	s26 =	sor.u32 s28, s26  }
0x3a: {  	s28 =	sadd.s32 s6, s26  }
0x3b: {  	[tilespmem:s24], [sflag:$0x3] =	stream.linear.gather [hbm4b:s28+s24], $0x80, $0x38;
	[tilespmem:$0x1BD00] =	vst v63  }
0x3c: {  	_ =	swait.ge [sflag:s17], $0x80  }
0x3d: {  	[sflag:s17] =	ssyncset.done $0x0  }
0x3e: {  	s26 =	sadd.s32 s7, s26;
	[sflag:s17] =	ssyncadd.s32 $0xFFFFFF80  }
0x3f: {  	[tilespmem:s18], [sflag:$0x3] =	stream.linear.gather [hbm4b:s26+s24], $0x80, $0x38;
	[tilespmem:$0x1BD00] =	vst v63  }
0x40: {  	_ =	swait.ge [sflag:s17], $0x80  }
0x41: {  	[sflag:s17] =	ssyncset.done $0x0  }
0x42: {  	[sflag:s17] =	ssyncadd.s32 $0xFFFFFF80  }
0x43: {  	[tilespmem:s16], [sflag:$0x1] =	stream.indirect.gather [hbm4b:s4+s18], $0x80, s24, s18, $0xb8;
	[tilespmem:$0x1BD00] =	vst v63  }
0x44: {  	_ = 	snop  }
0x45: {  	[tilespmem:s19], [sflag:$0x2] =	stream.indirect.gather [hbm4b:s5+s18], $0x80, s18, s18, $0xb8;
	[tilespmem:$0x1BD00] =	vst v63  }
0x46: {  	_ =	swait.ge [sflag:s20], $0x4000  }
0x47: {  	[sflag:s20] =	ssyncset.done $0x0  }
0x48: {  	[sflag:s20] =	ssyncadd.s32 $0xFFFFC000  }
0x49: {  	_ =	swait.ge [sflag:s21], $0x4000  }
0x4a: {  	[sflag:s21] =	ssyncset.done $0x0  }
0x4b: {  	s28 =	simm.s32 $0x0;
	[sflag:s21] =	ssyncadd.s32 $0xFFFFC000  }
0x4c: {  	v1 =	vld [tilespmem:s28+$0x4170]  }
0x4d: {  	v2 =	vld [tilespmem:s28+$0x170]  }
0x4e: {  	v3 =	vld [tilespmem:s28+$0x4150]  }
0x4f: {  	v4 =	vld [tilespmem:s28+$0x4130]  }
0x50: {  	v5 =	vld [tilespmem:s28+$0x4140]  }
0x51: {  	v6 =	vld [tilespmem:s28+$0x140]  }
0x52: {  	v7 =	vld [tilespmem:s28+$0x130]  }
0x53: {  	v8 =	vld [tilespmem:s28+$0x4100];
	v1 =	vadd.f32 v1, v2  }
0x54: {  	v9 =	vld [tilespmem:s28+$0x150]  }
0x55: {  	v10 =	vld [tilespmem:s28+$0x110];
	v1 =	vmax.f32 v1, $0.0e+00  }
0x56: {  	v12 =	vld [tilespmem:s28+$0x4160];
	v11 =	vmul.f32 $6.553700000e+04, v1  }
0x57: {  	v2 =	vld [tilespmem:s28+$0x4110];
	v5 =	vadd.f32 v5, v6  }
0x58: {  	v13 =	vld [tilespmem:s28+$0x100];
	v4 =	vadd.f32 v4, v7;
	v1 =	vsub.f32 v11, v1  }
0x59: {  	s26 =	simm.s32 $0x80;
	v14 =	vld [tilespmem:s28+$0x160];
	v5 =	vmax.f32 v5, $0.0e+00  }
0x5a: {  	v15 =	vld [tilespmem:s26+$0x4170];
	v4 =	vmax.f32 v4, $0.0e+00;
	v1 =	vsub.f32 v11, v1;
	v11 =	vmul.f32 $6.553700000e+04, v5  }
0x5b: {  	v6 =	vld [tilespmem:s28+$0x4120];
	v3 =	vadd.f32 v3, v9;
	v16 =	vmul.f32 $6.553700000e+04, v4  }
0x5c: {  	v7 =	vld [tilespmem:s28+$0x120];
	v2 =	vadd.f32 v2, v10;
	[tilespmem:s28+$0x170] =	vst v1;
	v5 =	vsub.f32 v11, v5  }
0x5d: {  	v3 =	vmax.f32 v3, $0.0e+00;
	v4 =	vsub.f32 v16, v4;
	v17 =	vld [tilespmem:s26+$0x170]  }
0x5e: {  	v2 =	vmax.f32 v2, $0.0e+00;
	v1 =	vld [tilespmem:s26+$0x4150];
	v5 =	vsub.f32 v11, v5;
	v11 =	vmul.f32 $6.553700000e+04, v3  }
0x5f: {  	v8 =	vadd.f32 v8, v13;
	v4 =	vsub.f32 v16, v4;
	v13 =	vmul.f32 $6.553700000e+04, v2;
	v9 =	vld [tilespmem:s26+$0x4130]  }
0x60: {  	v10 =	vld [tilespmem:s26+$0x4140];
	[tilespmem:s28+$0x140] =	vst v5;
	v3 =	vsub.f32 v11, v3  }
0x61: {  	v8 =	vmax.f32 v8, $0.0e+00;
	v18 =	vsub.f32 v13, v2;
	v5 =	vld [tilespmem:s26+$0x140];
	[tilespmem:s28+$0x130] =	vst v4  }
0x62: {  	v61 =	vld [tilespmem:s26+$0x130];
	v3 =	vsub.f32 v11, v3;
	v11 =	vadd.f32 v12, v14;
	v12 =	vmul.f32 $6.553700000e+04, v8  }
0x63: {  	v7 =	vadd.f32 v6, v7;
	v2 =	vld [tilespmem:s26+$0x4100]  }
0x64: {  	v13 =	vsub.f32 v13, v18;
	v4 =	vld [tilespmem:s26+$0x4110];
	[tilespmem:s28+$0x150] =	vst v3;
	v3 =	vmax.f32 v11, $0.0e+00;
	v8 =	vsub.f32 v12, v8  }
0x65: {  	v11 =	vadd.f32 v15, v17;
	v15 =	vmax.f32 v7, $0.0e+00;
	v14 =	vmul.f32 $6.553700000e+04, v3  }
0x66: {  	v62 =	vmul.f32 $6.553700000e+04, v15  }
0x67: {  	v6 =	vld [tilespmem:s26+$0x150];
	[tilespmem:s28+$0x110] =	vst v13;
	v12 =	vsub.f32 v12, v8;
	v11 =	vmax.f32 v11, $0.0e+00;
	v13 =	vsub.f32 v14, v3  }
0x68: {  	v8 =	vld [tilespmem:s26+$0x110];
	v5 =	vadd.f32 v10, v5;
	v7 =	vmul.f32 $6.553700000e+04, v11;
	v10 =	vsub.f32 v62, v15  }
0x69: {  	v3 =	vld [tilespmem:s26+$0x4160];
	v15 =	vadd.f32 v9, v61;
	[tilespmem:s28+$0x100] =	vst v12;
	v63 =	vsub.f32 v14, v13  }
0x6a: {  	v12 =	vmax.f32 v5, $0.0e+00;
	v9 =	vld [tilespmem:s26+$0x100];
	v13 =	vsub.f32 v7, v11;
	v14 =	vsub.f32 v62, v10  }
0x6b: {  	s29 =	simm.s32 $0x400;
	v5 =	vld [tilespmem:s26+$0x4120];
	v11 =	vmax.f32 v15, $0.0e+00;
	v10 =	vmul.f32 $6.553700000e+04, v12;
	[tilespmem:s28+$0x160] =	vst v63  }
.LBB2_5:
0x6c: {  	s30 =	sshra.s32 s29, $0x2;
	p0 =	sne.s32 s29, $0xFE00;
	s29 =	sadd.s32 $0x200, s29;
	v15 =	vmul.f32 $6.553700000e+04, v11;
	v1 =	vadd.f32 v1, v6;
	v6 =	vld [tilespmem:s26+$0x160];
	v7 =	vsub.f32 v7, v13;
	[tilespmem:s28+$0x120] =	vst v14  }
0x6d: {  	s28 =	smov.u32 s26;
	v4 =	vadd.f32 v4, v8;
	v8 =	vld [tilespmem:s26+$0x120];
	v12 =	vsub.f32 v10, v12;
	s26 =	smov.u32 s30  }
0x6e: {  	v13 =	vld [tilespmem:s26+$0x4170];
	v14 =	vmax.f32 v1, $0.0e+00;
	[tilespmem:s28+$0x170] =	vst v7  }
0x6f: {  	v7 =	vld [tilespmem:s26+$0x170];
	v2 =	vadd.f32 v2, v9;
	v4 =	vmax.f32 v4, $0.0e+00;
	v9 =	vsub.f32 v15, v11  }
0x70: {  	v10 =	vsub.f32 v10, v12;
	v12 =	vmul.f32 $6.553700000e+04, v14;
	v1 =	vld [tilespmem:s26+$0x4150];
	v11 =	vmul.f32 $6.553700000e+04, v4  }
0x71: {  	v16 =	vld [tilespmem:s26+$0x4130];
	v17 =	vmax.f32 v2, $0.0e+00;
	v2 =	vsub.f32 v15, v9;
	v3 =	vadd.f32 v3, v6  }
0x72: {  	v6 =	vsub.f32 v12, v14;
	v9 =	vld [tilespmem:s26+$0x4140];
	v5 =	vadd.f32 v5, v8;
	[tilespmem:s28+$0x140] =	vst v10  }
0x73: {  	v8 =	vmul.f32 $6.553700000e+04, v17;
	v4 =	vsub.f32 v11, v4;
	v10 =	vld [tilespmem:s26+$0x140];
	[tilespmem:s28+$0x130] =	vst v2;
	v3 =	vmax.f32 v3, $0.0e+00  }
0x74: {  	v6 =	vsub.f32 v12, v6;
	v14 =	vld [tilespmem:s26+$0x130];
	v7 =	vadd.f32 v13, v7;
	v12 =	vmul.f32 $6.553700000e+04, v3  }
0x75: {  	v13 =	vsub.f32 v8, v17;
	v11 =	vsub.f32 v11, v4;
	v5 =	vmax.f32 v5, $0.0e+00;
	v2 =	vld [tilespmem:s26+$0x4100]  }
0x76: {  	v17 =	vmul.f32 $6.553700000e+04, v5;
	v4 =	vld [tilespmem:s26+$0x4110];
	v15 =	vmax.f32 v7, $0.0e+00;
	[tilespmem:s28+$0x150] =	vst v6;
	v18 =	vsub.f32 v12, v3  }
.Ltmp1:
0x77: {  	v13 =	vsub.f32 v8, v13;
	v6 =	vld [tilespmem:s26+$0x150];
	v7 =	vmul.f32 $6.553700000e+04, v15;
	[tilespmem:s28+$0x110] =	vst v11;
	(pc) =	sbr.rel @p0 .LBB2_5-.Ltmp1, $4  }
0x78: {  	v5 =	vsub.f32 v17, v5;
	v8 =	vld [tilespmem:s26+$0x110];
	v10 =	vadd.f32 v9, v10  }
0x79: {  	v11 =	vadd.f32 v16, v14;
	v3 =	vld [tilespmem:s26+$0x4160];
	[tilespmem:s28+$0x100] =	vst v13;
	v16 =	vsub.f32 v12, v18  }
0x7a: {  	v13 =	vsub.f32 v7, v15;
	v14 =	vsub.f32 v17, v5;
	v9 =	vld [tilespmem:s26+$0x100];
	v12 =	vmax.f32 v10, $0.0e+00  }
0x7b: {  	v5 =	vld [tilespmem:s26+$0x4120];
	v11 =	vmax.f32 v11, $0.0e+00;
	v10 =	vmul.f32 $6.553700000e+04, v12;
	[tilespmem:s28+$0x160] =	vst v16  }
0x7c: {  	v15 =	vld [tilespmem:s26+$0x160];
	[tilespmem:s28+$0x120] =	vst v14  }
0x7d: {  	v1 =	vadd.f32 v1, v6;
	v57 =	vmul.f32 $6.553700000e+04, v11;
	v56 =	vld [tilespmem:s26+$0x120]  }
0x7e: {  	v4 =	vadd.f32 v4, v8;
	v12 =	vsub.f32 v10, v12  }
0x7f: {  	v7 =	vsub.f32 v7, v13;
	v1 =	vmax.f32 v1, $0.0e+00;
	v58 =	vsub.f32 v57, v11  }
0x80: {  	v4 =	vmax.f32 v4, $0.0e+00;
	v2 =	vadd.f32 v2, v9;
	v10 =	vsub.f32 v10, v12  }
0x81: {  	v60 =	vmul.f32 $6.553700000e+04, v1;
	v59 =	vmul.f32 $6.553700000e+04, v4;
	v3 =	vadd.f32 v3, v15  }
0x82: {  	v8 =	vsub.f32 v57, v58;
	v2 =	vmax.f32 v2, $0.0e+00;
	v5 =	vadd.f32 v5, v56  }
0x83: {  	v1 =	vsub.f32 v60, v1;
	v61 =	vmul.f32 $6.553700000e+04, v2;
	v3 =	vmax.f32 v3, $0.0e+00  }
0x84: {  	[tilespmem:s26+$0x170] =	vst v7;
	v4 =	vsub.f32 v59, v4;
	v62 =	vmul.f32 $6.553700000e+04, v3;
	v5 =	vmax.f32 v5, $0.0e+00  }
0x85: {  	[tilespmem:s26+$0x140] =	vst v10;
	v1 =	vsub.f32 v60, v1;
	v2 =	vsub.f32 v61, v2;
	v63 =	vmul.f32 $6.553700000e+04, v5  }
0x86: {  	[tilespmem:s26+$0x130] =	vst v8;
	v4 =	vsub.f32 v59, v4;
	v3 =	vsub.f32 v62, v3  }
0x87: {  	[tilespmem:s26+$0x150] =	vst v1;
	v1 =	vsub.f32 v61, v2;
	v2 =	vsub.f32 v63, v5  }
0x88: {  	[tilespmem:s26+$0x110] =	vst v4;
	v3 =	vsub.f32 v62, v3  }
0x89: {  	s25 =	sadd.s32 $0x1, s25;
	[tilespmem:s26+$0x100] =	vst v1;
	v1 =	vsub.f32 v63, v2  }
0x8a: {  	p0 =	sne.s32 s25, $0x50;
	[tilespmem:s26+$0x160] =	vst v3  }
.Ltmp2:
0x8b: {  	[tilespmem:s26+$0x120] =	vst v1;
	(pc) =	sbr.rel @p0 .LBB2_4-.Ltmp2, $4  }
0x8c: {  	[spmem:s1] =	stream.indirect.scatter.add.f32 [tilespmem:s16], [sflag:$0x3], $0x80, s3, s18, $0xb8;
	[tilespmem:$0x1BD00] =	vst v63  }
0x8d: {  	_ =	swait.ge [sflag:s17], $0x4000  }
0x8e: {  	[sflag:s17] =	ssyncset.done $0x0  }
0x8f: {  	[sflag:s17] =	ssyncadd.s32 $0xFFFFC000  }
0x90: {  	s23 =	sadd.s32 $0x1, s23  }
0x91: {  	p0 =	sne.s32 s23, s15  }
.Ltmp3:
0x92: {  	[bflag:$0x0] =	sbarrier.arrive $0xFFFF;
	s24 =	sshrl.u32 s8, $0x3;
	(pc) =	sbr.rel @p0 .LBB2_1-.Ltmp3, $4  }
0x93: {  	[hbm:s14], [sflag:s22] =	dma.local [spmem:s24], $0x2780  }
0x94: {  	_ =	swait.ge [sflag:s17], $0x2780  }
0x95: {  	[sflag:s17] =	ssyncset.done $0x0  }
0x96: {  	[sflag:s17] =	ssyncadd.s32 $0xFFFFD880  }
0x97: {  	_ =	sfence.sel $0x180000  }
0x98: {  	[bflag:$0x0] =	sbarrier.arrive $0xFFFF  }
0x99: {  	p0 =	sne.s32 s2, $0x0;
	_ =	strace $0x90000047  }
0x9a: {  	s0 =	sadd.s32 @!p0 $0x100000, s0;
	[bflag:$0x2] =	sbarrier.arrive $0xFFFF  }
0x9b: {  	[sflag:s0] =	ssyncadd.tile.s32 @!p0 $0x1;
	_ =	shalt  }
.Lfunc_end2:
_tile_overlayer_lowered:
.L_overlay_start_2:
0x9c: {  	(tag) =	ssettag $0x2  }
0x9d: {  	s0 =	rddreg [dreg:$0x0];
	s2 =	stileid.u32  }
0x9e: {  	s1 =	rddreg [dreg:$0x1];
	p0 =	sne.s32 s2, $0x0  }
0x9f: {  	s3 =	rddreg [dreg:$0x2];
	[bflag:$0x3] =	sbarrier.arrive $0xFFFF;
	s2 =	simm.s32 @!p0 $0x1C03  }
0xa0: {  	[timem:s3], [sflag:s2] =	dma.local @!p0 [hbm:s0], s1  }
0xa1: {  	s0 =	simm.s32 @!p0 $0x3  }
0xa2: {  	_ =	swait.ge @!p0 [sflag:s0], s1  }
0xa3: {  	s1 =	ssub.s32 @!p0 $0x0, s1;
	[sflag:s0] =	ssyncset.done @!p0 $0x0  }
0xa4: {  	[sflag:s0] =	ssyncadd.s32 @!p0 s1  }
0xa5: {  	[bflag:$0x3] =	sbarrier.arrive $0xFFFF  }
0xa6: {  	_ =	shalt  }

</sc_bundles>
